<compile_context>
chip_gen: v7x
topology: tpu7x:2x2x1
jax: 0.10.2.dev20260603
libtpu: 0.0.44.dev20260713+nightly
codegen_flags: <defaults>
</compile_context>

<pallas_src>
import jax
import jax.numpy as jnp
from jax import lax
from jax.experimental import pallas as pl
from jax.experimental.pallas import tpu as pltpu
from jax.experimental.pallas import tpu_sc as plsc

N = 100000
E = 1600000
D_IN = 128
D_HID = 16
N_CLS = 7

NC = 2
NS = 16
NW = NC * NS

CH = 128
K = 4
M = 98
EW = K * M * CH
EP = EW * NW
NCHUNK = EP // CH
PADE = EP - E

NP = 100352
PH = NP // 8
NSUB = NP // NS
NWRK = NP // NW

_MESH = plsc.VectorSubcoreMesh(core_axis_name="c", subcore_axis_name="s")
_SC_PARAMS = pltpu.CompilerParams(use_tc_tiling_on_sc=False)


def _deg_body(dst_hbm, zer_hbm, one_hbm, dega_hbm, degb_hbm,
              deg_sh, idx_v, one_v, sem):
    c = lax.axis_index("c")
    s = lax.axis_index("s")
    off = s * NSUB
    pltpu.sync_copy(zer_hbm, deg_sh.at[pl.ds(off, NSUB)])
    pltpu.sync_copy(one_hbm, one_v)
    plsc.subcore_barrier()

    cb = (c * NS + s) * M
    pltpu.sync_copy(dst_hbm.at[pl.ds(cb, M)], idx_v)

    def t_body(t, carry):
        pltpu.async_copy(one_v, deg_sh.at[idx_v.at[t]], sem, add=True)

        @pl.when(t > 0)
        def _():
            pltpu.make_async_copy(
                one_v, deg_sh.at[idx_v.at[t - 1]], sem).wait()
        return carry
    lax.fori_loop(0, M, t_body, 0)
    pltpu.make_async_copy(one_v, deg_sh.at[idx_v.at[M - 1]], sem).wait()

    plsc.subcore_barrier()

    @pl.when(c == 0)
    def _():
        pltpu.sync_copy(deg_sh.at[pl.ds(off, NSUB)], dega_hbm.at[pl.ds(off, NSUB)])

    @pl.when(c == 1)
    def _():
        pltpu.sync_copy(deg_sh.at[pl.ds(off, NSUB)], degb_hbm.at[pl.ds(off, NSUB)])


def _k_deg(dst2, z1, ones):
    f = pl.kernel(
        _deg_body,
        out_type=[jax.ShapeDtypeStruct((NP,), jnp.float32),
                  jax.ShapeDtypeStruct((NP,), jnp.float32)],
        mesh=_MESH,
        scratch_types=[
            pltpu.VMEM_SHARED((NP,), jnp.float32),
            pltpu.VMEM((M, K * CH), jnp.int32),
            pltpu.VMEM((K * CH,), jnp.float32),
            pltpu.SemaphoreType.DMA,
        ],
        compiler_params=_SC_PARAMS,
    )
    return f(dst2, z1, ones)


def _dinv_body(dega_hbm, degb_hbm, dv_hbm, va, vb, vo, stage):
    c = lax.axis_index("c")
    s = lax.axis_index("s")
    w = c * NS + s
    off = w * NWRK
    pltpu.sync_copy(dega_hbm.at[pl.ds(off, NWRK)], va)
    pltpu.sync_copy(degb_hbm.at[pl.ds(off, NWRK)], vb)

    def body(i, carry):
        d = va[pl.ds(i * 16, 16)] + vb[pl.ds(i * 16, 16)] + 1.0
        bits = lax.bitcast_convert_type(d, jnp.int32)
        y = lax.bitcast_convert_type(
            jnp.int32(0x5F3759DF) - lax.shift_right_logical(bits, 1), jnp.float32)
        for _ in range(3):
            y = y * (1.5 - 0.5 * d * y * y)
        vo[pl.ds(i * 16, 16)] = y
        return carry
    lax.fori_loop(0, NWRK // 16, body, 0)

    def row_body(i, carry):
        v = vo[pl.ds(i * 16, 16)]
        for u in range(16):
            stage[2 * i + u // 8, pl.ds((u % 8) * 16, 16)] = jnp.full(
                (16,), v[u], jnp.float32)
        return carry
    lax.fori_loop(0, NWRK // 16, row_body, 0)
    pltpu.sync_copy(stage, dv_hbm.at[pl.ds(w * (NWRK // 8), NWRK // 8)])


def _k_dinv(dega, degb):
    f = pl.kernel(
        _dinv_body,
        out_type=jax.ShapeDtypeStruct((PH, CH), jnp.float32),
        mesh=_MESH,
        scratch_types=[
            pltpu.VMEM((NWRK,), jnp.float32),
            pltpu.VMEM((NWRK,), jnp.float32),
            pltpu.VMEM((NWRK,), jnp.float32),
            pltpu.VMEM((NWRK // 8, CH), jnp.float32),
        ],
        compiler_params=_SC_PARAMS,
    )
    return f(dega, degb)


def _agg_body(src_hbm, dst_hbm, g_hbm, zer_hbm, pa_hbm, pb_hbm,
              out_sh, isv, idv, rows, isem, gs0, gs1, ss0, ss1):
    c = lax.axis_index("c")
    s = lax.axis_index("s")
    off = s * NSUB
    pltpu.sync_copy(zer_hbm, out_sh.at[pl.ds(off, NSUB)])
    plsc.subcore_barrier()

    cb = (c * NS + s) * M
    gsem = (gs0, gs1)
    ssem = (ss0, ss1)

    for p in range(3):
        pltpu.async_copy(src_hbm.at[pl.ds(cb + p, 1)],
                         isv.at[pl.ds(p, 1)], isem)
        pltpu.async_copy(dst_hbm.at[pl.ds(cb + p, 1)],
                         idv.at[pl.ds(p, 1)], isem)
    pltpu.make_async_copy(src_hbm.at[pl.ds(cb, 1)],
                          isv.at[pl.ds(0, 1)], isem).wait()
    pltpu.make_async_copy(dst_hbm.at[pl.ds(cb, 1)],
                          idv.at[pl.ds(0, 1)], isem).wait()
    pltpu.async_copy(g_hbm.at[isv.at[0]], rows.at[0], gsem[0])

    def step(t, buf):
        nxt = 1 - buf
        islot = (t + 1) % 4

        @pl.when(t >= 1)
        def _():
            pltpu.make_async_copy(
                rows.at[nxt], out_sh.at[idv.at[nxt]], ssem[nxt]).wait()

        @pl.when(t + 3 < M)
        def _():
            pltpu.async_copy(src_hbm.at[pl.ds(cb + t + 3, 1)],
                             isv.at[pl.ds((t + 3) % 4, 1)], isem)
            pltpu.async_copy(dst_hbm.at[pl.ds(cb + t + 3, 1)],
                             idv.at[pl.ds((t + 3) % 4, 1)], isem)

        @pl.when(t + 1 < M)
        def _():
            pltpu.make_async_copy(src_hbm.at[pl.ds(cb, 1)],
                                  isv.at[pl.ds(islot, 1)], isem).wait()
            pltpu.make_async_copy(dst_hbm.at[pl.ds(cb, 1)],
                                  idv.at[pl.ds(islot, 1)], isem).wait()
            pltpu.async_copy(g_hbm.at[isv.at[islot]],
                             rows.at[nxt], gsem[nxt])

        bslot = t % 4
        pltpu.make_async_copy(g_hbm.at[isv.at[bslot]],
                              rows.at[buf], gsem[buf]).wait()
        pltpu.async_copy(rows.at[buf], out_sh.at[idv.at[bslot]],
                         ssem[buf], add=True)

    def pair_body(i, carry):
        step(2 * i, 0)
        step(2 * i + 1, 1)
        return carry
    lax.fori_loop(0, M // 2, pair_body, 0)
    lslot = (M - 1) % 4
    pltpu.make_async_copy(rows.at[1], out_sh.at[idv.at[lslot]],
                          ssem[1]).wait()

    plsc.subcore_barrier()

    @pl.when(c == 0)
    def _():
        pltpu.sync_copy(out_sh.at[pl.ds(off, NSUB)], pa_hbm.at[pl.ds(off, NSUB)])

    @pl.when(c == 1)
    def _():
        pltpu.sync_copy(out_sh.at[pl.ds(off, NSUB)], pb_hbm.at[pl.ds(off, NSUB)])


def _k_agg(src2, dst2, g, z16):
    f = pl.kernel(
        _agg_body,
        out_type=[jax.ShapeDtypeStruct((NP, D_HID), jnp.float32),
                  jax.ShapeDtypeStruct((NP, D_HID), jnp.float32)],
        mesh=_MESH,
        scratch_types=[
            pltpu.VMEM_SHARED((NP, D_HID), jnp.float32),
            pltpu.VMEM((4, K * CH), jnp.int32),
            pltpu.VMEM((4, K * CH), jnp.int32),
            pltpu.VMEM((2, K * CH, D_HID), jnp.float32),
            pltpu.SemaphoreType.DMA,
            pltpu.SemaphoreType.DMA,
            pltpu.SemaphoreType.DMA,
            pltpu.SemaphoreType.DMA,
            pltpu.SemaphoreType.DMA,
        ],
        compiler_params=_SC_PARAMS,
    )
    return f(src2, dst2, g, z16)


_R = 2048
_RP = _R // 8
_G = NP // _R


def _mm1_body(x_ref, w_ref, dvp_ref, o_ref):
    for u in range(8):
        h = jnp.dot(x_ref[:, u, :], w_ref[...],
                    preferred_element_type=jnp.float32)
        o_ref[:, u * D_HID:(u + 1) * D_HID] = (
            h * dvp_ref[:, u * D_HID:(u + 1) * D_HID])


def _k_mm1(x3, W1, dvp):
    return pl.pallas_call(
        _mm1_body,
        grid=(_G,),
        in_specs=[
            pl.BlockSpec((_RP, 8, D_IN), lambda i: (i, 0, 0)),
            pl.BlockSpec((D_IN, D_HID), lambda i: (0, 0)),
            pl.BlockSpec((_RP, CH), lambda i: (i, 0)),
        ],
        out_specs=pl.BlockSpec((_RP, CH), lambda i: (i, 0)),
        out_shape=jax.ShapeDtypeStruct((PH, CH), jnp.float32),
    )(x3, W1, dvp)


def _mm2_body(pa_ref, pb_ref, g1_ref, dvp_ref, b1_ref, w2t_ref, o_ref):
    aggp = pa_ref[...] + pb_ref[...] + g1_ref[...]
    dvp = dvp_ref[...]
    hp = jnp.maximum(aggp * dvp + b1_ref[...], 0.0)
    g2 = jnp.dot(hp, w2t_ref[...], preferred_element_type=jnp.float32)
    o_ref[...] = g2 * dvp


def _k_mm2(pa, pb, g1p, dvp, b1p, W2t):
    return pl.pallas_call(
        _mm2_body,
        grid=(_G,),
        in_specs=[
            pl.BlockSpec((_RP, CH), lambda i: (i, 0)),
            pl.BlockSpec((_RP, CH), lambda i: (i, 0)),
            pl.BlockSpec((_RP, CH), lambda i: (i, 0)),
            pl.BlockSpec((_RP, CH), lambda i: (i, 0)),
            pl.BlockSpec((1, CH), lambda i: (0, 0)),
            pl.BlockSpec((CH, CH), lambda i: (0, 0)),
        ],
        out_specs=pl.BlockSpec((_RP, CH), lambda i: (i, 0)),
        out_shape=jax.ShapeDtypeStruct((PH, CH), jnp.float32),
    )(pa, pb, g1p, dvp, b1p, W2t)


_C8 = 8 * N_CLS


def _fin_body(qa_ref, qb_ref, g2_ref, dvp_ref, b2_ref, o_ref):
    z = (qa_ref[...] + qb_ref[...] + g2_ref[...]) * dvp_ref[...] + b2_ref[...]
    col = lax.broadcasted_iota(jnp.int32, (_RP, CH), 1)
    valid = (col % D_HID) < N_CLS
    ex = jnp.where(valid, jnp.exp(z), 0.0)
    gi = lax.broadcasted_iota(jnp.int32, (CH, CH), 0) // D_HID
    gj = lax.broadcasted_iota(jnp.int32, (CH, CH), 1) // D_HID
    gmat = (gi == gj).astype(jnp.float32)
    ssum = jnp.dot(ex, gmat, preferred_element_type=jnp.float32,
                   precision=lax.Precision.HIGHEST)
    lsm = z - jnp.log(ssum)
    pi = lax.broadcasted_iota(jnp.int32, (CH, _C8), 0)
    pj = lax.broadcasted_iota(jnp.int32, (CH, _C8), 1)
    perm = (pi == (pj // N_CLS) * D_HID + pj % N_CLS).astype(jnp.float32)
    o_ref[...] = jnp.dot(lsm, perm, preferred_element_type=jnp.float32,
                         precision=lax.Precision.HIGHEST)


def _k_final(qa, qb, g2p, dvp, b2p):
    return pl.pallas_call(
        _fin_body,
        grid=(_G,),
        in_specs=[
            pl.BlockSpec((_RP, CH), lambda i: (i, 0)),
            pl.BlockSpec((_RP, CH), lambda i: (i, 0)),
            pl.BlockSpec((_RP, CH), lambda i: (i, 0)),
            pl.BlockSpec((_RP, CH), lambda i: (i, 0)),
            pl.BlockSpec((1, CH), lambda i: (0, 0)),
        ],
        out_specs=pl.BlockSpec((_RP, _C8), lambda i: (i, 0)),
        out_shape=jax.ShapeDtypeStruct((PH, _C8), jnp.float32),
    )(qa, qb, g2p, dvp, b2p)


def kernel(x, edge_index, W1, b1, W2, b2):
    src = edge_index[0].astype(jnp.int32)
    dst = edge_index[1].astype(jnp.int32)
    pad_src = (jnp.arange(PADE, dtype=jnp.int32) * 7919) % N
    pad_dst = jnp.full((PADE,), N, jnp.int32)
    src2 = jnp.concatenate([src, pad_src]).reshape(NCHUNK // K, K * CH)
    dst2 = jnp.concatenate([dst, pad_dst]).reshape(NCHUNK // K, K * CH)

    z1 = jnp.zeros((NSUB,), jnp.float32)
    z16 = jnp.zeros((NSUB, D_HID), jnp.float32)
    ones = jnp.ones((K * CH,), jnp.float32)

    dega, degb = _k_deg(dst2, z1, ones)
    dvp = _k_dinv(dega, degb)

    x3 = x.reshape(N // 8, 8, D_IN)
    g1p = _k_mm1(x3, W1, dvp)
    p1a, p1b = _k_agg(src2, dst2, g1p.reshape(NP, D_HID), z16)

    W2p = jnp.pad(W2, ((0, 0), (0, D_HID - N_CLS)))
    W2t = jnp.kron(jnp.eye(8, dtype=jnp.float32), W2p)
    b1p = jnp.tile(b1, 8).reshape(1, CH)
    b2p = jnp.tile(jnp.pad(b2, (0, D_HID - N_CLS)), 8).reshape(1, CH)

    g2p = _k_mm2(p1a.reshape(PH, CH), p1b.reshape(PH, CH), g1p, dvp, b1p, W2t)
    p2a, p2b = _k_agg(src2, dst2, g2p.reshape(NP, D_HID), z16)
    outp = _k_final(p2a.reshape(PH, CH), p2b.reshape(PH, CH), g2p, dvp, b2p)
    return outp.reshape(NP, N_CLS)[:N]

# --- scband reference (transcript-rebuilt; emitter-appended) ---
"""Pipeline reference for scband-gcn-66030827209227 (READ-ONLY COPY).

The authoritative reference and input builder live on the scoring server;
editing this copy changes nothing except your own understanding.
"""

import jax, jax.numpy as jnp
import numpy as np

N = 100000
E = 1600000
D_IN = 128
D_HID = 16
N_CLASSES = 7


def setup_inputs(seed: int = 0) -> dict:
    key = jax.random.key(seed)
    k1, k2, k3, k4, k5, k6 = jax.random.split(key, 6)
    x = jax.random.normal(k1, (N, D_IN), dtype=jnp.float32)
    edge_index = jax.random.randint(k2, (2, E), 0, N, dtype=jnp.int64)
    W1 = jax.random.normal(k3, (D_IN, D_HID), dtype=jnp.float32) * (1.0 / np.sqrt(D_IN))
    b1 = jnp.zeros((D_HID,), dtype=jnp.float32)
    W2 = jax.random.normal(k4, (D_HID, N_CLASSES), dtype=jnp.float32) * (1.0 / np.sqrt(D_HID))
    b2 = jnp.zeros((N_CLASSES,), dtype=jnp.float32)
    return {"x": x, "edge_index": edge_index, "W1": W1, "b1": b1, "W2": W2, "b2": b2}


def _gcn_layer(x, W, b, src, dst, n):
    # linear transform first (standard GCN: aggregate in the smaller hidden dim)
    h = x @ W
    # symmetric normalization deg^-1/2 (self loops already appended to src/dst)
    deg = jnp.zeros((n,), dtype=jnp.float32).at[dst].add(1.0)
    dinv = jax.lax.rsqrt(deg)
    norm = dinv[src] * dinv[dst]
    msg = jnp.take(h, src, axis=0) * norm[:, None]
    out = jnp.zeros((n, W.shape[1]), dtype=jnp.float32).at[dst].add(msg)
    return out + b


def reference(x, edge_index, W1, b1, W2, b2):
    n = x.shape[0]
    loop = jnp.arange(n, dtype=edge_index.dtype)
    src = jnp.concatenate([edge_index[0], loop])
    dst = jnp.concatenate([edge_index[1], loop])
    h = _gcn_layer(x, W1, b1, src, dst, n)
    h = jax.nn.relu(h)
    # dropout is identity in eval mode (training=False)
    h = _gcn_layer(h, W2, b2, src, dst, n)
    return jax.nn.log_softmax(h, axis=1)

if __name__ == "__main__":
    import jax
    _d = setup_inputs()
    print(jax.jit(kernel)(*tuple(_d.values())))

</pallas_src>

<mosaic_0001>
#map = affine_map<(d0, d1) -> (0, 0)>
module attributes {stable_mosaic.version = 14 : i64} {
  func.func @_agg_body(%arg0: i32, %arg1: i32, %arg2: memref<3136x512xi32, #tpu.memory_space<hbm>>, %arg3: memref<3136x512xi32, #tpu.memory_space<hbm>>, %arg4: memref<100352x16xf32, #tpu.memory_space<hbm>>, %arg5: memref<6272x16xf32, #tpu.memory_space<hbm>>, %arg6: memref<100352x16xf32, #tpu.memory_space<hbm>>, %arg7: memref<100352x16xf32, #tpu.memory_space<hbm>>, %arg8: memref<100352x16xf32, #tpu.memory_space<vmem_shared>>, %arg9: memref<4x512xi32, #tpu.memory_space<vmem>>, %arg10: memref<4x512xi32, #tpu.memory_space<vmem>>, %arg11: memref<2x512x16xf32, #tpu.memory_space<vmem>>, %arg12: memref<!tpu.dma_semaphore, #tpu.memory_space<semaphore_mem>>, %arg13: memref<!tpu.dma_semaphore, #tpu.memory_space<semaphore_mem>>, %arg14: memref<!tpu.dma_semaphore, #tpu.memory_space<semaphore_mem>>, %arg15: memref<!tpu.dma_semaphore, #tpu.memory_space<semaphore_mem>>, %arg16: memref<!tpu.dma_semaphore, #tpu.memory_space<semaphore_mem>>) attributes {dimension_semantics = [#tpu.dimension_semantics<core_parallel>, #tpu.dimension_semantics<subcore_parallel>], iteration_bounds = array<i64: 2, 16>, scalar_prefetch = 0 : i64, scratch_operands = 9 : i64, tpu.core_type = #tpu.core_type<sc_vector_subcore>, window_params = [{transform_indices = #map}, {transform_indices = #map}, {transform_indices = #map}, {transform_indices = #map}, {transform_indices = #map}, {transform_indices = #map}]} {
    %mul3A = arith.constant 6272 : i32
    %mul3A_0 = arith.muli %arg1, %mul3A : i32
    "tpu.region"() ({
      %run_scoped3A = tpu.sem_alloc : memref<!tpu.dma_semaphore, #tpu.memory_space<semaphore_mem>>
      %dma_start3A_132 = arith.constant 0 : i32
      %dma_start3A_133 = tpu.memref_slice %arg8[%mul3A_0, %dma_start3A_132] : memref<100352x16xf32, #tpu.memory_space<vmem_shared>> -> memref<6272x16xf32, #tpu.memory_space<vmem_shared>>
      tpu.enqueue_dma source(%arg5 : memref<6272x16xf32, #tpu.memory_space<hbm>>) target(%dma_start3A_133 : memref<6272x16xf32, #tpu.memory_space<vmem_shared>>) target_semaphore(%run_scoped3A : memref<!tpu.dma_semaphore, #tpu.memory_space<semaphore_mem>>)
      %dma_wait3A_134 = arith.constant 0 : i32
      %dma_wait3A_135 = tpu.memref_slice %arg8[%mul3A_0, %dma_wait3A_134] : memref<100352x16xf32, #tpu.memory_space<vmem_shared>> -> memref<6272x16xf32, #tpu.memory_space<vmem_shared>>
      tpu.wait_dma2 semaphore(%run_scoped3A : memref<!tpu.dma_semaphore, #tpu.memory_space<semaphore_mem>>) src(%arg5 : memref<6272x16xf32, #tpu.memory_space<hbm>>) dst(%dma_wait3A_135 : memref<6272x16xf32, #tpu.memory_space<vmem_shared>>)
      tpu.yield
    }) : () -> ()
    %barrier3A = arith.constant 0 : index
    tpu.barrier barrier_id(%barrier3A)
    %mul3A_1 = arith.constant 16 : i32
    %mul3A_2 = arith.muli %arg0, %mul3A_1 : i32
    %add3A = arith.addi %mul3A_2, %arg1 : i32
    %mul3A_3 = arith.constant 98 : i32
    %mul3A_4 = arith.muli %add3A, %mul3A_3 : i32
    %add3A_5 = arith.constant 0 : i32
    %add3A_6 = arith.addi %mul3A_4, %add3A_5 : i32
    %dma_start3A = arith.constant 0 : i32
    %dma_start3A_7 = arith.constant 0 : i32
    %dma_start3A_8 = tpu.memref_slice %arg9[%dma_start3A, %dma_start3A_7] : memref<4x512xi32, #tpu.memory_space<vmem>> -> memref<1x512xi32, #tpu.memory_space<vmem>>
    %dma_start3A_9 = arith.constant 0 : i32
    %dma_start3A_10 = tpu.memref_slice %arg2[%add3A_6, %dma_start3A_9] : memref<3136x512xi32, #tpu.memory_space<hbm>> -> memref<1x512xi32, #tpu.memory_space<hbm>>
    %dma_start3A_11 = arith.constant 0 : i32
    %dma_start3A_12 = arith.constant 0 : i32
    %dma_start3A_13 = tpu.memref_slice %arg9[%dma_start3A_11, %dma_start3A_12] : memref<4x512xi32, #tpu.memory_space<vmem>> -> memref<1x512xi32, #tpu.memory_space<vmem>>
    %dma_start3A_14 = arith.constant 0 : i32
    %dma_start3A_15 = tpu.memref_slice %arg2[%add3A_6, %dma_start3A_14] : memref<3136x512xi32, #tpu.memory_space<hbm>> -> memref<1x512xi32, #tpu.memory_space<hbm>>
    tpu.enqueue_dma source(%dma_start3A_15 : memref<1x512xi32, #tpu.memory_space<hbm>>) target(%dma_start3A_13 : memref<1x512xi32, #tpu.memory_space<vmem>>) target_semaphore(%arg12 : memref<!tpu.dma_semaphore, #tpu.memory_space<semaphore_mem>>)
    %add3A_16 = arith.constant 0 : i32
    %add3A_17 = arith.addi %mul3A_4, %add3A_16 : i32
    %dma_start3A_18 = arith.constant 0 : i32
    %dma_start3A_19 = arith.constant 0 : i32
    %dma_start3A_20 = tpu.memref_slice %arg10[%dma_start3A_18, %dma_start3A_19] : memref<4x512xi32, #tpu.memory_space<vmem>> -> memref<1x512xi32, #tpu.memory_space<vmem>>
    %dma_start3A_21 = arith.constant 0 : i32
    %dma_start3A_22 = tpu.memref_slice %arg3[%add3A_17, %dma_start3A_21] : memref<3136x512xi32, #tpu.memory_space<hbm>> -> memref<1x512xi32, #tpu.memory_space<hbm>>
    %dma_start3A_23 = arith.constant 0 : i32
    %dma_start3A_24 = arith.constant 0 : i32
    %dma_start3A_25 = tpu.memref_slice %arg10[%dma_start3A_23, %dma_start3A_24] : memref<4x512xi32, #tpu.memory_space<vmem>> -> memref<1x512xi32, #tpu.memory_space<vmem>>
    %dma_start3A_26 = arith.constant 0 : i32
    %dma_start3A_27 = tpu.memref_slice %arg3[%add3A_17, %dma_start3A_26] : memref<3136x512xi32, #tpu.memory_space<hbm>> -> memref<1x512xi32, #tpu.memory_space<hbm>>
    tpu.enqueue_dma source(%dma_start3A_27 : memref<1x512xi32, #tpu.memory_space<hbm>>) target(%dma_start3A_25 : memref<1x512xi32, #tpu.memory_space<vmem>>) target_semaphore(%arg12 : memref<!tpu.dma_semaphore, #tpu.memory_space<semaphore_mem>>)
    %add3A_28 = arith.constant 1 : i32
    %add3A_29 = arith.addi %mul3A_4, %add3A_28 : i32
    %dma_start3A_30 = arith.constant 1 : i32
    %dma_start3A_31 = arith.constant 0 : i32
    %dma_start3A_32 = tpu.memref_slice %arg9[%dma_start3A_30, %dma_start3A_31] : memref<4x512xi32, #tpu.memory_space<vmem>> -> memref<1x512xi32, #tpu.memory_space<vmem>>
    %dma_start3A_33 = arith.constant 0 : i32
    %dma_start3A_34 = tpu.memref_slice %arg2[%add3A_29, %dma_start3A_33] : memref<3136x512xi32, #tpu.memory_space<hbm>> -> memref<1x512xi32, #tpu.memory_space<hbm>>
    %dma_start3A_35 = arith.constant 1 : i32
    %dma_start3A_36 = arith.constant 0 : i32
    %dma_start3A_37 = tpu.memref_slice %arg9[%dma_start3A_35, %dma_start3A_36] : memref<4x512xi32, #tpu.memory_space<vmem>> -> memref<1x512xi32, #tpu.memory_space<vmem>>
    %dma_start3A_38 = arith.constant 0 : i32
    %dma_start3A_39 = tpu.memref_slice %arg2[%add3A_29, %dma_start3A_38] : memref<3136x512xi32, #tpu.memory_space<hbm>> -> memref<1x512xi32, #tpu.memory_space<hbm>>
    tpu.enqueue_dma source(%dma_start3A_39 : memref<1x512xi32, #tpu.memory_space<hbm>>) target(%dma_start3A_37 : memref<1x512xi32, #tpu.memory_space<vmem>>) target_semaphore(%arg12 : memref<!tpu.dma_semaphore, #tpu.memory_space<semaphore_mem>>)
    %add3A_40 = arith.constant 1 : i32
    %add3A_41 = arith.addi %mul3A_4, %add3A_40 : i32
    %dma_start3A_42 = arith.constant 1 : i32
    %dma_start3A_43 = arith.constant 0 : i32
    %dma_start3A_44 = tpu.memref_slice %arg10[%dma_start3A_42, %dma_start3A_43] : memref<4x512xi32, #tpu.memory_space<vmem>> -> memref<1x512xi32, #tpu.memory_space<vmem>>
    %dma_start3A_45 = arith.constant 0 : i32
    %dma_start3A_46 = tpu.memref_slice %arg3[%add3A_41, %dma_start3A_45] : memref<3136x512xi32, #tpu.memory_space<hbm>> -> memref<1x512xi32, #tpu.memory_space<hbm>>
    %dma_start3A_47 = arith.constant 1 : i32
    %dma_start3A_48 = arith.constant 0 : i32
    %dma_start3A_49 = tpu.memref_slice %arg10[%dma_start3A_47, %dma_start3A_48] : memref<4x512xi32, #tpu.memory_space<vmem>> -> memref<1x512xi32, #tpu.memory_space<vmem>>
    %dma_start3A_50 = arith.constant 0 : i32
    %dma_start3A_51 = tpu.memref_slice %arg3[%add3A_41, %dma_start3A_50] : memref<3136x512xi32, #tpu.memory_space<hbm>> -> memref<1x512xi32, #tpu.memory_space<hbm>>
    tpu.enqueue_dma source(%dma_start3A_51 : memref<1x512xi32, #tpu.memory_space<hbm>>) target(%dma_start3A_49 : memref<1x512xi32, #tpu.memory_space<vmem>>) target_semaphore(%arg12 : memref<!tpu.dma_semaphore, #tpu.memory_space<semaphore_mem>>)
    %add3A_52 = arith.constant 2 : i32
    %add3A_53 = arith.addi %mul3A_4, %add3A_52 : i32
    %dma_start3A_54 = arith.constant 2 : i32
    %dma_start3A_55 = arith.constant 0 : i32
    %dma_start3A_56 = tpu.memref_slice %arg9[%dma_start3A_54, %dma_start3A_55] : memref<4x512xi32, #tpu.memory_space<vmem>> -> memref<1x512xi32, #tpu.memory_space<vmem>>
    %dma_start3A_57 = arith.constant 0 : i32
    %dma_start3A_58 = tpu.memref_slice %arg2[%add3A_53, %dma_start3A_57] : memref<3136x512xi32, #tpu.memory_space<hbm>> -> memref<1x512xi32, #tpu.memory_space<hbm>>
    %dma_start3A_59 = arith.constant 2 : i32
    %dma_start3A_60 = arith.constant 0 : i32
    %dma_start3A_61 = tpu.memref_slice %arg9[%dma_start3A_59, %dma_start3A_60] : memref<4x512xi32, #tpu.memory_space<vmem>> -> memref<1x512xi32, #tpu.memory_space<vmem>>
    %dma_start3A_62 = arith.constant 0 : i32
    %dma_start3A_63 = tpu.memref_slice %arg2[%add3A_53, %dma_start3A_62] : memref<3136x512xi32, #tpu.memory_space<hbm>> -> memref<1x512xi32, #tpu.memory_space<hbm>>
    tpu.enqueue_dma source(%dma_start3A_63 : memref<1x512xi32, #tpu.memory_space<hbm>>) target(%dma_start3A_61 : memref<1x512xi32, #tpu.memory_space<vmem>>) target_semaphore(%arg12 : memref<!tpu.dma_semaphore, #tpu.memory_space<semaphore_mem>>)
    %add3A_64 = arith.constant 2 : i32
    %add3A_65 = arith.addi %mul3A_4, %add3A_64 : i32
    %dma_start3A_66 = arith.constant 2 : i32
    %dma_start3A_67 = arith.constant 0 : i32
    %dma_start3A_68 = tpu.memref_slice %arg10[%dma_start3A_66, %dma_start3A_67] : memref<4x512xi32, #tpu.memory_space<vmem>> -> memref<1x512xi32, #tpu.memory_space<vmem>>
    %dma_start3A_69 = arith.constant 0 : i32
    %dma_start3A_70 = tpu.memref_slice %arg3[%add3A_65, %dma_start3A_69] : memref<3136x512xi32, #tpu.memory_space<hbm>> -> memref<1x512xi32, #tpu.memory_space<hbm>>
    %dma_start3A_71 = arith.constant 2 : i32
    %dma_start3A_72 = arith.constant 0 : i32
    %dma_start3A_73 = tpu.memref_slice %arg10[%dma_start3A_71, %dma_start3A_72] : memref<4x512xi32, #tpu.memory_space<vmem>> -> memref<1x512xi32, #tpu.memory_space<vmem>>
    %dma_start3A_74 = arith.constant 0 : i32
    %dma_start3A_75 = tpu.memref_slice %arg3[%add3A_65, %dma_start3A_74] : memref<3136x512xi32, #tpu.memory_space<hbm>> -> memref<1x512xi32, #tpu.memory_space<hbm>>
    tpu.enqueue_dma source(%dma_start3A_75 : memref<1x512xi32, #tpu.memory_space<hbm>>) target(%dma_start3A_73 : memref<1x512xi32, #tpu.memory_space<vmem>>) target_semaphore(%arg12 : memref<!tpu.dma_semaphore, #tpu.memory_space<semaphore_mem>>)
    %dma_wait3A = arith.constant 0 : i32
    %dma_wait3A_76 = arith.constant 0 : i32
    %dma_wait3A_77 = tpu.memref_slice %arg9[%dma_wait3A, %dma_wait3A_76] : memref<4x512xi32, #tpu.memory_space<vmem>> -> memref<1x512xi32, #tpu.memory_space<vmem>>
    %dma_wait3A_78 = arith.constant 0 : i32
    %dma_wait3A_79 = tpu.memref_slice %arg2[%mul3A_4, %dma_wait3A_78] : memref<3136x512xi32, #tpu.memory_space<hbm>> -> memref<1x512xi32, #tpu.memory_space<hbm>>
    %dma_wait3A_80 = arith.constant 0 : i32
    %dma_wait3A_81 = arith.constant 0 : i32
    %dma_wait3A_82 = tpu.memref_slice %arg9[%dma_wait3A_80, %dma_wait3A_81] : memref<4x512xi32, #tpu.memory_space<vmem>> -> memref<1x512xi32, #tpu.memory_space<vmem>>
    %dma_wait3A_83 = arith.constant 0 : i32
    %dma_wait3A_84 = tpu.memref_slice %arg2[%mul3A_4, %dma_wait3A_83] : memref<3136x512xi32, #tpu.memory_space<hbm>> -> memref<1x512xi32, #tpu.memory_space<hbm>>
    tpu.wait_dma2 semaphore(%arg12 : memref<!tpu.dma_semaphore, #tpu.memory_space<semaphore_mem>>) src(%dma_wait3A_84 : memref<1x512xi32, #tpu.memory_space<hbm>>) dst(%dma_wait3A_82 : memref<1x512xi32, #tpu.memory_space<vmem>>)
    %dma_wait3A_85 = arith.constant 0 : i32
    %dma_wait3A_86 = arith.constant 0 : i32
    %dma_wait3A_87 = tpu.memref_slice %arg10[%dma_wait3A_85, %dma_wait3A_86] : memref<4x512xi32, #tpu.memory_space<vmem>> -> memref<1x512xi32, #tpu.memory_space<vmem>>
    %dma_wait3A_88 = arith.constant 0 : i32
    %dma_wait3A_89 = tpu.memref_slice %arg3[%mul3A_4, %dma_wait3A_88] : memref<3136x512xi32, #tpu.memory_space<hbm>> -> memref<1x512xi32, #tpu.memory_space<hbm>>
    %dma_wait3A_90 = arith.constant 0 : i32
    %dma_wait3A_91 = arith.constant 0 : i32
    %dma_wait3A_92 = tpu.memref_slice %arg10[%dma_wait3A_90, %dma_wait3A_91] : memref<4x512xi32, #tpu.memory_space<vmem>> -> memref<1x512xi32, #tpu.memory_space<vmem>>
    %dma_wait3A_93 = arith.constant 0 : i32
    %dma_wait3A_94 = tpu.memref_slice %arg3[%mul3A_4, %dma_wait3A_93] : memref<3136x512xi32, #tpu.memory_space<hbm>> -> memref<1x512xi32, #tpu.memory_space<hbm>>
    tpu.wait_dma2 semaphore(%arg12 : memref<!tpu.dma_semaphore, #tpu.memory_space<semaphore_mem>>) src(%dma_wait3A_94 : memref<1x512xi32, #tpu.memory_space<hbm>>) dst(%dma_wait3A_92 : memref<1x512xi32, #tpu.memory_space<vmem>>)
    %dma_start3A_95 = arith.constant 0 : i32
    %dma_start3A_96 = arith.constant 0 : i32
    %dma_start3A_97 = arith.constant 0 : i32
    %dma_start3A_98 = arith.constant 0 : i32
    %dma_start3A_99 = tpu.memref_slice %arg11[%dma_start3A_96, %dma_start3A_97, %dma_start3A_98] : memref<2x512x16xf32, #tpu.memory_space<vmem>> -> memref<1x512x16xf32, #tpu.memory_space<vmem>>
    %dma_start3A_100 = tpu.memref_squeeze %dma_start3A_99 : memref<1x512x16xf32, #tpu.memory_space<vmem>> -> memref<512x16xf32, #tpu.memory_space<vmem>>
    %dma_start3A_101 = arith.constant 0 : i32
    %dma_start3A_102 = tpu.memref_slice %arg9[%dma_start3A_95, %dma_start3A_101] : memref<4x512xi32, #tpu.memory_space<vmem>> -> memref<1x512xi32, #tpu.memory_space<vmem>>
    %dma_start3A_103 = tpu.memref_squeeze %dma_start3A_102 : memref<1x512xi32, #tpu.memory_space<vmem>> -> memref<512xi32, #tpu.memory_space<vmem>>
    %dma_start3A_104 = arith.constant 0 : i32
    %dma_start3A_105 = arith.constant 0 : i32
    %dma_start3A_106 = tpu.memref_slice %arg4[%dma_start3A_104, %dma_start3A_105] : memref<100352x16xf32, #tpu.memory_space<hbm>> -> memref<100352x16xf32, #tpu.memory_space<hbm>>
    tpu.enqueue_indirect_dma source(%dma_start3A_106 : memref<100352x16xf32, #tpu.memory_space<hbm>>) target(%dma_start3A_100 : memref<512x16xf32, #tpu.memory_space<vmem>>) offsets(%dma_start3A_103 : memref<512xi32, #tpu.memory_space<vmem>>) semaphore(%arg13 : memref<!tpu.dma_semaphore, #tpu.memory_space<semaphore_mem>>)
    %scan3A = arith.constant 0 : i32
    %scan3A_107 = arith.constant 0 : i32
    %scan3A_108 = arith.constant 49 : i32
    %scan3A_109 = arith.addi %scan3A_107, %scan3A_108 : i32
    %scan3A_110 = arith.constant 1 : i32
    scf.for %scan3A_132 = %scan3A_107 to %scan3A_109 step %scan3A_110  : i32 {
      %mul3A_133 = arith.constant 2 : i32
      %mul3A_134 = arith.muli %mul3A_133, %scan3A_132 : i32
      %add3A_135 = arith.constant 1 : i32
      %add3A_136 = arith.addi %mul3A_134, %add3A_135 : i32
      %jit3A = arith.constant 4 : i32
      %eq3A_137 = arith.constant 0 : i32
      %eq3A_138 = arith.cmpi eq, %jit3A, %eq3A_137 : i32
      %jit3A_139 = arith.constant 1 : i32
      %select_n3A = arith.select %eq3A_138, %jit3A_139, %jit3A : i32
      %rem3A = arith.remsi %add3A_136, %select_n3A : i32
      %ne3A = arith.constant 0 : i32
      %ne3A_140 = arith.cmpi ne, %rem3A, %ne3A : i32
      %lt3A = arith.constant 0 : i32
      %lt3A_141 = arith.cmpi slt, %rem3A, %lt3A : i32
      %lt3A_142 = arith.constant 0 : i32
      %lt3A_143 = arith.cmpi slt, %select_n3A, %lt3A_142 : i32
      %ne3A_144 = arith.xori %lt3A_141, %lt3A_143 : i1
      %and3A = arith.andi %ne3A_144, %ne3A_140 : i1
      %add3A_145 = arith.addi %rem3A, %select_n3A : i32
      %select_n3A_146 = arith.select %and3A, %add3A_145, %rem3A : i32
      %ge3A = arith.constant 1 : i32
      %ge3A_147 = arith.cmpi sge, %mul3A_134, %ge3A : i32
      %convert_element_type3A_148 = arith.extui %ge3A_147 : i1 to i32
      %cond3A_149 = arith.constant 0 : i32
      %cond3A_150 = arith.cmpi ne, %convert_element_type3A_148, %cond3A_149 : i32
      scf.if %cond3A_150 {
        %dma_wait3A_282 = arith.constant 1 : i32
        %dma_wait3A_283 = arith.constant 1 : i32
        %dma_wait3A_284 = arith.constant 0 : i32
        %dma_wait3A_285 = arith.constant 0 : i32
        %dma_wait3A_286 = tpu.memref_slice %arg11[%dma_wait3A_282, %dma_wait3A_284, %dma_wait3A_285] : memref<2x512x16xf32, #tpu.memory_space<vmem>> -> memref<1x512x16xf32, #tpu.memory_space<vmem>>
        %dma_wait3A_287 = tpu.memref_squeeze %dma_wait3A_286 : memref<1x512x16xf32, #tpu.memory_space<vmem>> -> memref<512x16xf32, #tpu.memory_space<vmem>>
        %dma_wait3A_288 = arith.constant 0 : i32
        %dma_wait3A_289 = tpu.memref_slice %arg10[%dma_wait3A_283, %dma_wait3A_288] : memref<4x512xi32, #tpu.memory_space<vmem>> -> memref<1x512xi32, #tpu.memory_space<vmem>>
        %dma_wait3A_290 = tpu.memref_squeeze %dma_wait3A_289 : memref<1x512xi32, #tpu.memory_space<vmem>> -> memref<512xi32, #tpu.memory_space<vmem>>
        %dma_wait3A_291 = arith.constant 0 : i32
        %dma_wait3A_292 = arith.constant 0 : i32
        %dma_wait3A_293 = tpu.memref_slice %arg8[%dma_wait3A_291, %dma_wait3A_292] : memref<100352x16xf32, #tpu.memory_space<vmem_shared>> -> memref<100352x16xf32, #tpu.memory_space<vmem_shared>>
        tpu.wait_indirect_dma semaphore(%arg16 : memref<!tpu.dma_semaphore, #tpu.memory_space<semaphore_mem>>) src(%dma_wait3A_287 : memref<512x16xf32, #tpu.memory_space<vmem>>) dst(%dma_wait3A_293 : memref<100352x16xf32, #tpu.memory_space<vmem_shared>>)
      } else {
      }
      %add3A_151 = arith.constant 3 : i32
      %add3A_152 = arith.addi %mul3A_134, %add3A_151 : i32
      %lt3A_153 = arith.constant 98 : i32
      %lt3A_154 = arith.cmpi slt, %add3A_152, %lt3A_153 : i32
      %convert_element_type3A_155 = arith.extui %lt3A_154 : i1 to i32
      %cond3A_156 = arith.constant 0 : i32
      %cond3A_157 = arith.cmpi ne, %convert_element_type3A_155, %cond3A_156 : i32
      scf.if %cond3A_157 {
        %add3A_282 = arith.addi %mul3A_4, %mul3A_134 : i32
        %add3A_283 = arith.constant 3 : i32
        %add3A_284 = arith.addi %add3A_282, %add3A_283 : i32
        %add3A_285 = arith.constant 3 : i32
        %add3A_286 = arith.addi %mul3A_134, %add3A_285 : i32
        %jit3A_287 = arith.constant 4 : i32
        %eq3A_288 = arith.constant 0 : i32
        %eq3A_289 = arith.cmpi eq, %jit3A_287, %eq3A_288 : i32
        %jit3A_290 = arith.constant 1 : i32
        %select_n3A_291 = arith.select %eq3A_289, %jit3A_290, %jit3A_287 : i32
        %rem3A_292 = arith.remsi %add3A_286, %select_n3A_291 : i32
        %ne3A_293 = arith.constant 0 : i32
        %ne3A_294 = arith.cmpi ne, %rem3A_292, %ne3A_293 : i32
        %lt3A_295 = arith.constant 0 : i32
        %lt3A_296 = arith.cmpi slt, %rem3A_292, %lt3A_295 : i32
        %lt3A_297 = arith.constant 0 : i32
        %lt3A_298 = arith.cmpi slt, %select_n3A_291, %lt3A_297 : i32
        %ne3A_299 = arith.xori %lt3A_296, %lt3A_298 : i1
        %and3A_300 = arith.andi %ne3A_299, %ne3A_294 : i1
        %add3A_301 = arith.addi %rem3A_292, %select_n3A_291 : i32
        %select_n3A_302 = arith.select %and3A_300, %add3A_301, %rem3A_292 : i32
        %dma_start3A_303 = arith.constant 0 : i32
        %dma_start3A_304 = tpu.memref_slice %arg9[%select_n3A_302, %dma_start3A_303] : memref<4x512xi32, #tpu.memory_space<vmem>> -> memref<1x512xi32, #tpu.memory_space<vmem>>
        %dma_start3A_305 = arith.constant 0 : i32
        %dma_start3A_306 = tpu.memref_slice %arg2[%add3A_284, %dma_start3A_305] : memref<3136x512xi32, #tpu.memory_space<hbm>> -> memref<1x512xi32, #tpu.memory_space<hbm>>
        %dma_start3A_307 = arith.constant 0 : i32
        %dma_start3A_308 = tpu.memref_slice %arg9[%select_n3A_302, %dma_start3A_307] : memref<4x512xi32, #tpu.memory_space<vmem>> -> memref<1x512xi32, #tpu.memory_space<vmem>>
        %dma_start3A_309 = arith.constant 0 : i32
        %dma_start3A_310 = tpu.memref_slice %arg2[%add3A_284, %dma_start3A_309] : memref<3136x512xi32, #tpu.memory_space<hbm>> -> memref<1x512xi32, #tpu.memory_space<hbm>>
        tpu.enqueue_dma source(%dma_start3A_310 : memref<1x512xi32, #tpu.memory_space<hbm>>) target(%dma_start3A_308 : memref<1x512xi32, #tpu.memory_space<vmem>>) target_semaphore(%arg12 : memref<!tpu.dma_semaphore, #tpu.memory_space<semaphore_mem>>)
        %add3A_311 = arith.addi %mul3A_4, %mul3A_134 : i32
        %add3A_312 = arith.constant 3 : i32
        %add3A_313 = arith.addi %add3A_311, %add3A_312 : i32
        %add3A_314 = arith.constant 3 : i32
        %add3A_315 = arith.addi %mul3A_134, %add3A_314 : i32
        %jit3A_316 = arith.constant 4 : i32
        %eq3A_317 = arith.constant 0 : i32
        %eq3A_318 = arith.cmpi eq, %jit3A_316, %eq3A_317 : i32
        %jit3A_319 = arith.constant 1 : i32
        %select_n3A_320 = arith.select %eq3A_318, %jit3A_319, %jit3A_316 : i32
        %rem3A_321 = arith.remsi %add3A_315, %select_n3A_320 : i32
        %ne3A_322 = arith.constant 0 : i32
        %ne3A_323 = arith.cmpi ne, %rem3A_321, %ne3A_322 : i32
        %lt3A_324 = arith.constant 0 : i32
        %lt3A_325 = arith.cmpi slt, %rem3A_321, %lt3A_324 : i32
        %lt3A_326 = arith.constant 0 : i32
        %lt3A_327 = arith.cmpi slt, %select_n3A_320, %lt3A_326 : i32
        %ne3A_328 = arith.xori %lt3A_325, %lt3A_327 : i1
        %and3A_329 = arith.andi %ne3A_328, %ne3A_323 : i1
        %add3A_330 = arith.addi %rem3A_321, %select_n3A_320 : i32
        %select_n3A_331 = arith.select %and3A_329, %add3A_330, %rem3A_321 : i32
        %dma_start3A_332 = arith.constant 0 : i32
        %dma_start3A_333 = tpu.memref_slice %arg10[%select_n3A_331, %dma_start3A_332] : memref<4x512xi32, #tpu.memory_space<vmem>> -> memref<1x512xi32, #tpu.memory_space<vmem>>
        %dma_start3A_334 = arith.constant 0 : i32
        %dma_start3A_335 = tpu.memref_slice %arg3[%add3A_313, %dma_start3A_334] : memref<3136x512xi32, #tpu.memory_space<hbm>> -> memref<1x512xi32, #tpu.memory_space<hbm>>
        %dma_start3A_336 = arith.constant 0 : i32
        %dma_start3A_337 = tpu.memref_slice %arg10[%select_n3A_331, %dma_start3A_336] : memref<4x512xi32, #tpu.memory_space<vmem>> -> memref<1x512xi32, #tpu.memory_space<vmem>>
        %dma_start3A_338 = arith.constant 0 : i32
        %dma_start3A_339 = tpu.memref_slice %arg3[%add3A_313, %dma_start3A_338] : memref<3136x512xi32, #tpu.memory_space<hbm>> -> memref<1x512xi32, #tpu.memory_space<hbm>>
        tpu.enqueue_dma source(%dma_start3A_339 : memref<1x512xi32, #tpu.memory_space<hbm>>) target(%dma_start3A_337 : memref<1x512xi32, #tpu.memory_space<vmem>>) target_semaphore(%arg12 : memref<!tpu.dma_semaphore, #tpu.memory_space<semaphore_mem>>)
      } else {
      }
      %add3A_158 = arith.constant 1 : i32
      %add3A_159 = arith.addi %mul3A_134, %add3A_158 : i32
      %lt3A_160 = arith.constant 98 : i32
      %lt3A_161 = arith.cmpi slt, %add3A_159, %lt3A_160 : i32
      %convert_element_type3A_162 = arith.extui %lt3A_161 : i1 to i32
      %cond3A_163 = arith.constant 0 : i32
      %cond3A_164 = arith.cmpi ne, %convert_element_type3A_162, %cond3A_163 : i32
      scf.if %cond3A_164 {
        %dma_wait3A_282 = arith.constant 0 : i32
        %dma_wait3A_283 = tpu.memref_slice %arg9[%select_n3A_146, %dma_wait3A_282] : memref<4x512xi32, #tpu.memory_space<vmem>> -> memref<1x512xi32, #tpu.memory_space<vmem>>
        %dma_wait3A_284 = arith.constant 0 : i32
        %dma_wait3A_285 = tpu.memref_slice %arg2[%mul3A_4, %dma_wait3A_284] : memref<3136x512xi32, #tpu.memory_space<hbm>> -> memref<1x512xi32, #tpu.memory_space<hbm>>
        %dma_wait3A_286 = arith.constant 0 : i32
        %dma_wait3A_287 = tpu.memref_slice %arg9[%select_n3A_146, %dma_wait3A_286] : memref<4x512xi32, #tpu.memory_space<vmem>> -> memref<1x512xi32, #tpu.memory_space<vmem>>
        %dma_wait3A_288 = arith.constant 0 : i32
        %dma_wait3A_289 = tpu.memref_slice %arg2[%mul3A_4, %dma_wait3A_288] : memref<3136x512xi32, #tpu.memory_space<hbm>> -> memref<1x512xi32, #tpu.memory_space<hbm>>
        tpu.wait_dma2 semaphore(%arg12 : memref<!tpu.dma_semaphore, #tpu.memory_space<semaphore_mem>>) src(%dma_wait3A_289 : memref<1x512xi32, #tpu.memory_space<hbm>>) dst(%dma_wait3A_287 : memref<1x512xi32, #tpu.memory_space<vmem>>)
        %dma_wait3A_290 = arith.constant 0 : i32
        %dma_wait3A_291 = tpu.memref_slice %arg10[%select_n3A_146, %dma_wait3A_290] : memref<4x512xi32, #tpu.memory_space<vmem>> -> memref<1x512xi32, #tpu.memory_space<vmem>>
        %dma_wait3A_292 = arith.constant 0 : i32
        %dma_wait3A_293 = tpu.memref_slice %arg3[%mul3A_4, %dma_wait3A_292] : memref<3136x512xi32, #tpu.memory_space<hbm>> -> memref<1x512xi32, #tpu.memory_space<hbm>>
        %dma_wait3A_294 = arith.constant 0 : i32
        %dma_wait3A_295 = tpu.memref_slice %arg10[%select_n3A_146, %dma_wait3A_294] : memref<4x512xi32, #tpu.memory_space<vmem>> -> memref<1x512xi32, #tpu.memory_space<vmem>>
        %dma_wait3A_296 = arith.constant 0 : i32
        %dma_wait3A_297 = tpu.memref_slice %arg3[%mul3A_4, %dma_wait3A_296] : memref<3136x512xi32, #tpu.memory_space<hbm>> -> memref<1x512xi32, #tpu.memory_space<hbm>>
        tpu.wait_dma2 semaphore(%arg12 : memref<!tpu.dma_semaphore, #tpu.memory_space<semaphore_mem>>) src(%dma_wait3A_297 : memref<1x512xi32, #tpu.memory_space<hbm>>) dst(%dma_wait3A_295 : memref<1x512xi32, #tpu.memory_space<vmem>>)
        %dma_start3A_298 = arith.constant 1 : i32
        %dma_start3A_299 = arith.constant 0 : i32
        %dma_start3A_300 = arith.constant 0 : i32
        %dma_start3A_301 = tpu.memref_slice %arg11[%dma_start3A_298, %dma_start3A_299, %dma_start3A_300] : memref<2x512x16xf32, #tpu.memory_space<vmem>> -> memref<1x512x16xf32, #tpu.memory_space<vmem>>
        %dma_start3A_302 = tpu.memref_squeeze %dma_start3A_301 : memref<1x512x16xf32, #tpu.memory_space<vmem>> -> memref<512x16xf32, #tpu.memory_space<vmem>>
        %dma_start3A_303 = arith.constant 0 : i32
        %dma_start3A_304 = tpu.memref_slice %arg9[%select_n3A_146, %dma_start3A_303] : memref<4x512xi32, #tpu.memory_space<vmem>> -> memref<1x512xi32, #tpu.memory_space<vmem>>
        %dma_start3A_305 = tpu.memref_squeeze %dma_start3A_304 : memref<1x512xi32, #tpu.memory_space<vmem>> -> memref<512xi32, #tpu.memory_space<vmem>>
        %dma_start3A_306 = arith.constant 0 : i32
        %dma_start3A_307 = arith.constant 0 : i32
        %dma_start3A_308 = tpu.memref_slice %arg4[%dma_start3A_306, %dma_start3A_307] : memref<100352x16xf32, #tpu.memory_space<hbm>> -> memref<100352x16xf32, #tpu.memory_space<hbm>>
        tpu.enqueue_indirect_dma source(%dma_start3A_308 : memref<100352x16xf32, #tpu.memory_space<hbm>>) target(%dma_start3A_302 : memref<512x16xf32, #tpu.memory_space<vmem>>) offsets(%dma_start3A_305 : memref<512xi32, #tpu.memory_space<vmem>>) semaphore(%arg14 : memref<!tpu.dma_semaphore, #tpu.memory_space<semaphore_mem>>)
      } else {
      }
      %jit3A_165 = arith.constant 4 : i32
      %eq3A_166 = arith.constant 0 : i32
      %eq3A_167 = arith.cmpi eq, %jit3A_165, %eq3A_166 : i32
      %jit3A_168 = arith.constant 1 : i32
      %select_n3A_169 = arith.select %eq3A_167, %jit3A_168, %jit3A_165 : i32
      %rem3A_170 = arith.remsi %mul3A_134, %select_n3A_169 : i32
      %ne3A_171 = arith.constant 0 : i32
      %ne3A_172 = arith.cmpi ne, %rem3A_170, %ne3A_171 : i32
      %lt3A_173 = arith.constant 0 : i32
      %lt3A_174 = arith.cmpi slt, %rem3A_170, %lt3A_173 : i32
      %lt3A_175 = arith.constant 0 : i32
      %lt3A_176 = arith.cmpi slt, %select_n3A_169, %lt3A_175 : i32
      %ne3A_177 = arith.xori %lt3A_174, %lt3A_176 : i1
      %and3A_178 = arith.andi %ne3A_177, %ne3A_172 : i1
      %add3A_179 = arith.addi %rem3A_170, %select_n3A_169 : i32
      %select_n3A_180 = arith.select %and3A_178, %add3A_179, %rem3A_170 : i32
      %dma_wait3A_181 = arith.constant 0 : i32
      %dma_wait3A_182 = arith.constant 0 : i32
      %dma_wait3A_183 = arith.constant 0 : i32
      %dma_wait3A_184 = tpu.memref_slice %arg11[%dma_wait3A_181, %dma_wait3A_182, %dma_wait3A_183] : memref<2x512x16xf32, #tpu.memory_space<vmem>> -> memref<1x512x16xf32, #tpu.memory_space<vmem>>
      %dma_wait3A_185 = tpu.memref_squeeze %dma_wait3A_184 : memref<1x512x16xf32, #tpu.memory_space<vmem>> -> memref<512x16xf32, #tpu.memory_space<vmem>>
      %dma_wait3A_186 = arith.constant 0 : i32
      %dma_wait3A_187 = tpu.memref_slice %arg9[%select_n3A_180, %dma_wait3A_186] : memref<4x512xi32, #tpu.memory_space<vmem>> -> memref<1x512xi32, #tpu.memory_space<vmem>>
      %dma_wait3A_188 = tpu.memref_squeeze %dma_wait3A_187 : memref<1x512xi32, #tpu.memory_space<vmem>> -> memref<512xi32, #tpu.memory_space<vmem>>
      %dma_wait3A_189 = arith.constant 0 : i32
      %dma_wait3A_190 = arith.constant 0 : i32
      %dma_wait3A_191 = tpu.memref_slice %arg4[%dma_wait3A_189, %dma_wait3A_190] : memref<100352x16xf32, #tpu.memory_space<hbm>> -> memref<100352x16xf32, #tpu.memory_space<hbm>>
      tpu.wait_indirect_dma semaphore(%arg13 : memref<!tpu.dma_semaphore, #tpu.memory_space<semaphore_mem>>) src(%dma_wait3A_191 : memref<100352x16xf32, #tpu.memory_space<hbm>>) dst(%dma_wait3A_185 : memref<512x16xf32, #tpu.memory_space<vmem>>)
      %dma_start3A_192 = arith.constant 0 : i32
      %dma_start3A_193 = arith.constant 0 : i32
      %dma_start3A_194 = arith.constant 0 : i32
      %dma_start3A_195 = tpu.memref_slice %arg11[%dma_start3A_192, %dma_start3A_193, %dma_start3A_194] : memref<2x512x16xf32, #tpu.memory_space<vmem>> -> memref<1x512x16xf32, #tpu.memory_space<vmem>>
      %dma_start3A_196 = tpu.memref_squeeze %dma_start3A_195 : memref<1x512x16xf32, #tpu.memory_space<vmem>> -> memref<512x16xf32, #tpu.memory_space<vmem>>
      %dma_start3A_197 = arith.constant 0 : i32
      %dma_start3A_198 = tpu.memref_slice %arg10[%select_n3A_180, %dma_start3A_197] : memref<4x512xi32, #tpu.memory_space<vmem>> -> memref<1x512xi32, #tpu.memory_space<vmem>>
      %dma_start3A_199 = tpu.memref_squeeze %dma_start3A_198 : memref<1x512xi32, #tpu.memory_space<vmem>> -> memref<512xi32, #tpu.memory_space<vmem>>
      %dma_start3A_200 = arith.constant 0 : i32
      %dma_start3A_201 = arith.constant 0 : i32
      %dma_start3A_202 = tpu.memref_slice %arg8[%dma_start3A_200, %dma_start3A_201] : memref<100352x16xf32, #tpu.memory_space<vmem_shared>> -> memref<100352x16xf32, #tpu.memory_space<vmem_shared>>
      tpu.enqueue_indirect_dma source(%dma_start3A_196 : memref<512x16xf32, #tpu.memory_space<vmem>>) target(%dma_start3A_202 : memref<100352x16xf32, #tpu.memory_space<vmem_shared>>) offsets(%dma_start3A_199 : memref<512xi32, #tpu.memory_space<vmem>>) semaphore(%arg15 : memref<!tpu.dma_semaphore, #tpu.memory_space<semaphore_mem>>) {add = true}
      %mul3A_203 = arith.constant 2 : i32
      %mul3A_204 = arith.muli %mul3A_203, %scan3A_132 : i32
      %add3A_205 = arith.constant 1 : i32
      %add3A_206 = arith.addi %mul3A_204, %add3A_205 : i32
      %add3A_207 = arith.constant 1 : i32
      %add3A_208 = arith.addi %add3A_206, %add3A_207 : i32
      %jit3A_209 = arith.constant 4 : i32
      %eq3A_210 = arith.constant 0 : i32
      %eq3A_211 = arith.cmpi eq, %jit3A_209, %eq3A_210 : i32
      %jit3A_212 = arith.constant 1 : i32
      %select_n3A_213 = arith.select %eq3A_211, %jit3A_212, %jit3A_209 : i32
      %rem3A_214 = arith.remsi %add3A_208, %select_n3A_213 : i32
      %ne3A_215 = arith.constant 0 : i32
      %ne3A_216 = arith.cmpi ne, %rem3A_214, %ne3A_215 : i32
      %lt3A_217 = arith.constant 0 : i32
      %lt3A_218 = arith.cmpi slt, %rem3A_214, %lt3A_217 : i32
      %lt3A_219 = arith.constant 0 : i32
      %lt3A_220 = arith.cmpi slt, %select_n3A_213, %lt3A_219 : i32
      %ne3A_221 = arith.xori %lt3A_218, %lt3A_220 : i1
      %and3A_222 = arith.andi %ne3A_221, %ne3A_216 : i1
      %add3A_223 = arith.addi %rem3A_214, %select_n3A_213 : i32
      %select_n3A_224 = arith.select %and3A_222, %add3A_223, %rem3A_214 : i32
      %ge3A_225 = arith.constant 1 : i32
      %ge3A_226 = arith.cmpi sge, %add3A_206, %ge3A_225 : i32
      %convert_element_type3A_227 = arith.extui %ge3A_226 : i1 to i32
      %cond3A_228 = arith.constant 0 : i32
      %cond3A_229 = arith.cmpi ne, %convert_element_type3A_227, %cond3A_228 : i32
      scf.if %cond3A_229 {
        %dma_wait3A_282 = arith.constant 0 : i32
        %dma_wait3A_283 = arith.constant 0 : i32
        %dma_wait3A_284 = arith.constant 0 : i32
        %dma_wait3A_285 = arith.constant 0 : i32
        %dma_wait3A_286 = tpu.memref_slice %arg11[%dma_wait3A_282, %dma_wait3A_284, %dma_wait3A_285] : memref<2x512x16xf32, #tpu.memory_space<vmem>> -> memref<1x512x16xf32, #tpu.memory_space<vmem>>
        %dma_wait3A_287 = tpu.memref_squeeze %dma_wait3A_286 : memref<1x512x16xf32, #tpu.memory_space<vmem>> -> memref<512x16xf32, #tpu.memory_space<vmem>>
        %dma_wait3A_288 = arith.constant 0 : i32
        %dma_wait3A_289 = tpu.memref_slice %arg10[%dma_wait3A_283, %dma_wait3A_288] : memref<4x512xi32, #tpu.memory_space<vmem>> -> memref<1x512xi32, #tpu.memory_space<vmem>>
        %dma_wait3A_290 = tpu.memref_squeeze %dma_wait3A_289 : memref<1x512xi32, #tpu.memory_space<vmem>> -> memref<512xi32, #tpu.memory_space<vmem>>
        %dma_wait3A_291 = arith.constant 0 : i32
        %dma_wait3A_292 = arith.constant 0 : i32
        %dma_wait3A_293 = tpu.memref_slice %arg8[%dma_wait3A_291, %dma_wait3A_292] : memref<100352x16xf32, #tpu.memory_space<vmem_shared>> -> memref<100352x16xf32, #tpu.memory_space<vmem_shared>>
        tpu.wait_indirect_dma semaphore(%arg15 : memref<!tpu.dma_semaphore, #tpu.memory_space<semaphore_mem>>) src(%dma_wait3A_287 : memref<512x16xf32, #tpu.memory_space<vmem>>) dst(%dma_wait3A_293 : memref<100352x16xf32, #tpu.memory_space<vmem_shared>>)
      } else {
      }
      %add3A_230 = arith.constant 3 : i32
      %add3A_231 = arith.addi %add3A_206, %add3A_230 : i32
      %lt3A_232 = arith.constant 98 : i32
      %lt3A_233 = arith.cmpi slt, %add3A_231, %lt3A_232 : i32
      %convert_element_type3A_234 = arith.extui %lt3A_233 : i1 to i32
      %cond3A_235 = arith.constant 0 : i32
      %cond3A_236 = arith.cmpi ne, %convert_element_type3A_234, %cond3A_235 : i32
      scf.if %cond3A_236 {
        %add3A_282 = arith.addi %mul3A_4, %add3A_206 : i32
        %add3A_283 = arith.constant 3 : i32
        %add3A_284 = arith.addi %add3A_282, %add3A_283 : i32
        %add3A_285 = arith.constant 3 : i32
        %add3A_286 = arith.addi %add3A_206, %add3A_285 : i32
        %jit3A_287 = arith.constant 4 : i32
        %eq3A_288 = arith.constant 0 : i32
        %eq3A_289 = arith.cmpi eq, %jit3A_287, %eq3A_288 : i32
        %jit3A_290 = arith.constant 1 : i32
        %select_n3A_291 = arith.select %eq3A_289, %jit3A_290, %jit3A_287 : i32
        %rem3A_292 = arith.remsi %add3A_286, %select_n3A_291 : i32
        %ne3A_293 = arith.constant 0 : i32
        %ne3A_294 = arith.cmpi ne, %rem3A_292, %ne3A_293 : i32
        %lt3A_295 = arith.constant 0 : i32
        %lt3A_296 = arith.cmpi slt, %rem3A_292, %lt3A_295 : i32
        %lt3A_297 = arith.constant 0 : i32
        %lt3A_298 = arith.cmpi slt, %select_n3A_291, %lt3A_297 : i32
        %ne3A_299 = arith.xori %lt3A_296, %lt3A_298 : i1
        %and3A_300 = arith.andi %ne3A_299, %ne3A_294 : i1
        %add3A_301 = arith.addi %rem3A_292, %select_n3A_291 : i32
        %select_n3A_302 = arith.select %and3A_300, %add3A_301, %rem3A_292 : i32
        %dma_start3A_303 = arith.constant 0 : i32
        %dma_start3A_304 = tpu.memref_slice %arg9[%select_n3A_302, %dma_start3A_303] : memref<4x512xi32, #tpu.memory_space<vmem>> -> memref<1x512xi32, #tpu.memory_space<vmem>>
        %dma_start3A_305 = arith.constant 0 : i32
        %dma_start3A_306 = tpu.memref_slice %arg2[%add3A_284, %dma_start3A_305] : memref<3136x512xi32, #tpu.memory_space<hbm>> -> memref<1x512xi32, #tpu.memory_space<hbm>>
        %dma_start3A_307 = arith.constant 0 : i32
        %dma_start3A_308 = tpu.memref_slice %arg9[%select_n3A_302, %dma_start3A_307] : memref<4x512xi32, #tpu.memory_space<vmem>> -> memref<1x512xi32, #tpu.memory_space<vmem>>
        %dma_start3A_309 = arith.constant 0 : i32
        %dma_start3A_310 = tpu.memref_slice %arg2[%add3A_284, %dma_start3A_309] : memref<3136x512xi32, #tpu.memory_space<hbm>> -> memref<1x512xi32, #tpu.memory_space<hbm>>
        tpu.enqueue_dma source(%dma_start3A_310 : memref<1x512xi32, #tpu.memory_space<hbm>>) target(%dma_start3A_308 : memref<1x512xi32, #tpu.memory_space<vmem>>) target_semaphore(%arg12 : memref<!tpu.dma_semaphore, #tpu.memory_space<semaphore_mem>>)
        %add3A_311 = arith.addi %mul3A_4, %add3A_206 : i32
        %add3A_312 = arith.constant 3 : i32
        %add3A_313 = arith.addi %add3A_311, %add3A_312 : i32
        %add3A_314 = arith.constant 3 : i32
        %add3A_315 = arith.addi %add3A_206, %add3A_314 : i32
        %jit3A_316 = arith.constant 4 : i32
        %eq3A_317 = arith.constant 0 : i32
        %eq3A_318 = arith.cmpi eq, %jit3A_316, %eq3A_317 : i32
        %jit3A_319 = arith.constant 1 : i32
        %select_n3A_320 = arith.select %eq3A_318, %jit3A_319, %jit3A_316 : i32
        %rem3A_321 = arith.remsi %add3A_315, %select_n3A_320 : i32
        %ne3A_322 = arith.constant 0 : i32
        %ne3A_323 = arith.cmpi ne, %rem3A_321, %ne3A_322 : i32
        %lt3A_324 = arith.constant 0 : i32
        %lt3A_325 = arith.cmpi slt, %rem3A_321, %lt3A_324 : i32
        %lt3A_326 = arith.constant 0 : i32
        %lt3A_327 = arith.cmpi slt, %select_n3A_320, %lt3A_326 : i32
        %ne3A_328 = arith.xori %lt3A_325, %lt3A_327 : i1
        %and3A_329 = arith.andi %ne3A_328, %ne3A_323 : i1
        %add3A_330 = arith.addi %rem3A_321, %select_n3A_320 : i32
        %select_n3A_331 = arith.select %and3A_329, %add3A_330, %rem3A_321 : i32
        %dma_start3A_332 = arith.constant 0 : i32
        %dma_start3A_333 = tpu.memref_slice %arg10[%select_n3A_331, %dma_start3A_332] : memref<4x512xi32, #tpu.memory_space<vmem>> -> memref<1x512xi32, #tpu.memory_space<vmem>>
        %dma_start3A_334 = arith.constant 0 : i32
        %dma_start3A_335 = tpu.memref_slice %arg3[%add3A_313, %dma_start3A_334] : memref<3136x512xi32, #tpu.memory_space<hbm>> -> memref<1x512xi32, #tpu.memory_space<hbm>>
        %dma_start3A_336 = arith.constant 0 : i32
        %dma_start3A_337 = tpu.memref_slice %arg10[%select_n3A_331, %dma_start3A_336] : memref<4x512xi32, #tpu.memory_space<vmem>> -> memref<1x512xi32, #tpu.memory_space<vmem>>
        %dma_start3A_338 = arith.constant 0 : i32
        %dma_start3A_339 = tpu.memref_slice %arg3[%add3A_313, %dma_start3A_338] : memref<3136x512xi32, #tpu.memory_space<hbm>> -> memref<1x512xi32, #tpu.memory_space<hbm>>
        tpu.enqueue_dma source(%dma_start3A_339 : memref<1x512xi32, #tpu.memory_space<hbm>>) target(%dma_start3A_337 : memref<1x512xi32, #tpu.memory_space<vmem>>) target_semaphore(%arg12 : memref<!tpu.dma_semaphore, #tpu.memory_space<semaphore_mem>>)
      } else {
      }
      %add3A_237 = arith.constant 1 : i32
      %add3A_238 = arith.addi %add3A_206, %add3A_237 : i32
      %lt3A_239 = arith.constant 98 : i32
      %lt3A_240 = arith.cmpi slt, %add3A_238, %lt3A_239 : i32
      %convert_element_type3A_241 = arith.extui %lt3A_240 : i1 to i32
      %cond3A_242 = arith.constant 0 : i32
      %cond3A_243 = arith.cmpi ne, %convert_element_type3A_241, %cond3A_242 : i32
      scf.if %cond3A_243 {
        %dma_wait3A_282 = arith.constant 0 : i32
        %dma_wait3A_283 = tpu.memref_slice %arg9[%select_n3A_224, %dma_wait3A_282] : memref<4x512xi32, #tpu.memory_space<vmem>> -> memref<1x512xi32, #tpu.memory_space<vmem>>
        %dma_wait3A_284 = arith.constant 0 : i32
        %dma_wait3A_285 = tpu.memref_slice %arg2[%mul3A_4, %dma_wait3A_284] : memref<3136x512xi32, #tpu.memory_space<hbm>> -> memref<1x512xi32, #tpu.memory_space<hbm>>
        %dma_wait3A_286 = arith.constant 0 : i32
        %dma_wait3A_287 = tpu.memref_slice %arg9[%select_n3A_224, %dma_wait3A_286] : memref<4x512xi32, #tpu.memory_space<vmem>> -> memref<1x512xi32, #tpu.memory_space<vmem>>
        %dma_wait3A_288 = arith.constant 0 : i32
        %dma_wait3A_289 = tpu.memref_slice %arg2[%mul3A_4, %dma_wait3A_288] : memref<3136x512xi32, #tpu.memory_space<hbm>> -> memref<1x512xi32, #tpu.memory_space<hbm>>
        tpu.wait_dma2 semaphore(%arg12 : memref<!tpu.dma_semaphore, #tpu.memory_space<semaphore_mem>>) src(%dma_wait3A_289 : memref<1x512xi32, #tpu.memory_space<hbm>>) dst(%dma_wait3A_287 : memref<1x512xi32, #tpu.memory_space<vmem>>)
        %dma_wait3A_290 = arith.constant 0 : i32
        %dma_wait3A_291 = tpu.memref_slice %arg10[%select_n3A_224, %dma_wait3A_290] : memref<4x512xi32, #tpu.memory_space<vmem>> -> memref<1x512xi32, #tpu.memory_space<vmem>>
        %dma_wait3A_292 = arith.constant 0 : i32
        %dma_wait3A_293 = tpu.memref_slice %arg3[%mul3A_4, %dma_wait3A_292] : memref<3136x512xi32, #tpu.memory_space<hbm>> -> memref<1x512xi32, #tpu.memory_space<hbm>>
        %dma_wait3A_294 = arith.constant 0 : i32
        %dma_wait3A_295 = tpu.memref_slice %arg10[%select_n3A_224, %dma_wait3A_294] : memref<4x512xi32, #tpu.memory_space<vmem>> -> memref<1x512xi32, #tpu.memory_space<vmem>>
        %dma_wait3A_296 = arith.constant 0 : i32
        %dma_wait3A_297 = tpu.memref_slice %arg3[%mul3A_4, %dma_wait3A_296] : memref<3136x512xi32, #tpu.memory_space<hbm>> -> memref<1x512xi32, #tpu.memory_space<hbm>>
        tpu.wait_dma2 semaphore(%arg12 : memref<!tpu.dma_semaphore, #tpu.memory_space<semaphore_mem>>) src(%dma_wait3A_297 : memref<1x512xi32, #tpu.memory_space<hbm>>) dst(%dma_wait3A_295 : memref<1x512xi32, #tpu.memory_space<vmem>>)
        %dma_start3A_298 = arith.constant 0 : i32
        %dma_start3A_299 = arith.constant 0 : i32
        %dma_start3A_300 = arith.constant 0 : i32
        %dma_start3A_301 = tpu.memref_slice %arg11[%dma_start3A_298, %dma_start3A_299, %dma_start3A_300] : memref<2x512x16xf32, #tpu.memory_space<vmem>> -> memref<1x512x16xf32, #tpu.memory_space<vmem>>
        %dma_start3A_302 = tpu.memref_squeeze %dma_start3A_301 : memref<1x512x16xf32, #tpu.memory_space<vmem>> -> memref<512x16xf32, #tpu.memory_space<vmem>>
        %dma_start3A_303 = arith.constant 0 : i32
        %dma_start3A_304 = tpu.memref_slice %arg9[%select_n3A_224, %dma_start3A_303] : memref<4x512xi32, #tpu.memory_space<vmem>> -> memref<1x512xi32, #tpu.memory_space<vmem>>
        %dma_start3A_305 = tpu.memref_squeeze %dma_start3A_304 : memref<1x512xi32, #tpu.memory_space<vmem>> -> memref<512xi32, #tpu.memory_space<vmem>>
        %dma_start3A_306 = arith.constant 0 : i32
        %dma_start3A_307 = arith.constant 0 : i32
        %dma_start3A_308 = tpu.memref_slice %arg4[%dma_start3A_306, %dma_start3A_307] : memref<100352x16xf32, #tpu.memory_space<hbm>> -> memref<100352x16xf32, #tpu.memory_space<hbm>>
        tpu.enqueue_indirect_dma source(%dma_start3A_308 : memref<100352x16xf32, #tpu.memory_space<hbm>>) target(%dma_start3A_302 : memref<512x16xf32, #tpu.memory_space<vmem>>) offsets(%dma_start3A_305 : memref<512xi32, #tpu.memory_space<vmem>>) semaphore(%arg13 : memref<!tpu.dma_semaphore, #tpu.memory_space<semaphore_mem>>)
      } else {
      }
      %jit3A_244 = arith.constant 4 : i32
      %eq3A_245 = arith.constant 0 : i32
      %eq3A_246 = arith.cmpi eq, %jit3A_244, %eq3A_245 : i32
      %jit3A_247 = arith.constant 1 : i32
      %select_n3A_248 = arith.select %eq3A_246, %jit3A_247, %jit3A_244 : i32
      %rem3A_249 = arith.remsi %add3A_206, %select_n3A_248 : i32
      %ne3A_250 = arith.constant 0 : i32
      %ne3A_251 = arith.cmpi ne, %rem3A_249, %ne3A_250 : i32
      %lt3A_252 = arith.constant 0 : i32
      %lt3A_253 = arith.cmpi slt, %rem3A_249, %lt3A_252 : i32
      %lt3A_254 = arith.constant 0 : i32
      %lt3A_255 = arith.cmpi slt, %select_n3A_248, %lt3A_254 : i32
      %ne3A_256 = arith.xori %lt3A_253, %lt3A_255 : i1
      %and3A_257 = arith.andi %ne3A_256, %ne3A_251 : i1
      %add3A_258 = arith.addi %rem3A_249, %select_n3A_248 : i32
      %select_n3A_259 = arith.select %and3A_257, %add3A_258, %rem3A_249 : i32
      %dma_wait3A_260 = arith.constant 1 : i32
      %dma_wait3A_261 = arith.constant 0 : i32
      %dma_wait3A_262 = arith.constant 0 : i32
      %dma_wait3A_263 = tpu.memref_slice %arg11[%dma_wait3A_260, %dma_wait3A_261, %dma_wait3A_262] : memref<2x512x16xf32, #tpu.memory_space<vmem>> -> memref<1x512x16xf32, #tpu.memory_space<vmem>>
      %dma_wait3A_264 = tpu.memref_squeeze %dma_wait3A_263 : memref<1x512x16xf32, #tpu.memory_space<vmem>> -> memref<512x16xf32, #tpu.memory_space<vmem>>
      %dma_wait3A_265 = arith.constant 0 : i32
      %dma_wait3A_266 = tpu.memref_slice %arg9[%select_n3A_259, %dma_wait3A_265] : memref<4x512xi32, #tpu.memory_space<vmem>> -> memref<1x512xi32, #tpu.memory_space<vmem>>
      %dma_wait3A_267 = tpu.memref_squeeze %dma_wait3A_266 : memref<1x512xi32, #tpu.memory_space<vmem>> -> memref<512xi32, #tpu.memory_space<vmem>>
      %dma_wait3A_268 = arith.constant 0 : i32
      %dma_wait3A_269 = arith.constant 0 : i32
      %dma_wait3A_270 = tpu.memref_slice %arg4[%dma_wait3A_268, %dma_wait3A_269] : memref<100352x16xf32, #tpu.memory_space<hbm>> -> memref<100352x16xf32, #tpu.memory_space<hbm>>
      tpu.wait_indirect_dma semaphore(%arg14 : memref<!tpu.dma_semaphore, #tpu.memory_space<semaphore_mem>>) src(%dma_wait3A_270 : memref<100352x16xf32, #tpu.memory_space<hbm>>) dst(%dma_wait3A_264 : memref<512x16xf32, #tpu.memory_space<vmem>>)
      %dma_start3A_271 = arith.constant 1 : i32
      %dma_start3A_272 = arith.constant 0 : i32
      %dma_start3A_273 = arith.constant 0 : i32
      %dma_start3A_274 = tpu.memref_slice %arg11[%dma_start3A_271, %dma_start3A_272, %dma_start3A_273] : memref<2x512x16xf32, #tpu.memory_space<vmem>> -> memref<1x512x16xf32, #tpu.memory_space<vmem>>
      %dma_start3A_275 = tpu.memref_squeeze %dma_start3A_274 : memref<1x512x16xf32, #tpu.memory_space<vmem>> -> memref<512x16xf32, #tpu.memory_space<vmem>>
      %dma_start3A_276 = arith.constant 0 : i32
      %dma_start3A_277 = tpu.memref_slice %arg10[%select_n3A_259, %dma_start3A_276] : memref<4x512xi32, #tpu.memory_space<vmem>> -> memref<1x512xi32, #tpu.memory_space<vmem>>
      %dma_start3A_278 = tpu.memref_squeeze %dma_start3A_277 : memref<1x512xi32, #tpu.memory_space<vmem>> -> memref<512xi32, #tpu.memory_space<vmem>>
      %dma_start3A_279 = arith.constant 0 : i32
      %dma_start3A_280 = arith.constant 0 : i32
      %dma_start3A_281 = tpu.memref_slice %arg8[%dma_start3A_279, %dma_start3A_280] : memref<100352x16xf32, #tpu.memory_space<vmem_shared>> -> memref<100352x16xf32, #tpu.memory_space<vmem_shared>>
      tpu.enqueue_indirect_dma source(%dma_start3A_275 : memref<512x16xf32, #tpu.memory_space<vmem>>) target(%dma_start3A_281 : memref<100352x16xf32, #tpu.memory_space<vmem_shared>>) offsets(%dma_start3A_278 : memref<512xi32, #tpu.memory_space<vmem>>) semaphore(%arg16 : memref<!tpu.dma_semaphore, #tpu.memory_space<semaphore_mem>>) {add = true}
    }
    %scan3A_111 = arith.constant 49 : i32
    %dma_wait3A_112 = arith.constant 1 : i32
    %dma_wait3A_113 = arith.constant 1 : i32
    %dma_wait3A_114 = arith.constant 0 : i32
    %dma_wait3A_115 = arith.constant 0 : i32
    %dma_wait3A_116 = tpu.memref_slice %arg11[%dma_wait3A_112, %dma_wait3A_114, %dma_wait3A_115] : memref<2x512x16xf32, #tpu.memory_space<vmem>> -> memref<1x512x16xf32, #tpu.memory_space<vmem>>
    %dma_wait3A_117 = tpu.memref_squeeze %dma_wait3A_116 : memref<1x512x16xf32, #tpu.memory_space<vmem>> -> memref<512x16xf32, #tpu.memory_space<vmem>>
    %dma_wait3A_118 = arith.constant 0 : i32
    %dma_wait3A_119 = tpu.memref_slice %arg10[%dma_wait3A_113, %dma_wait3A_118] : memref<4x512xi32, #tpu.memory_space<vmem>> -> memref<1x512xi32, #tpu.memory_space<vmem>>
    %dma_wait3A_120 = tpu.memref_squeeze %dma_wait3A_119 : memref<1x512xi32, #tpu.memory_space<vmem>> -> memref<512xi32, #tpu.memory_space<vmem>>
    %dma_wait3A_121 = arith.constant 0 : i32
    %dma_wait3A_122 = arith.constant 0 : i32
    %dma_wait3A_123 = tpu.memref_slice %arg8[%dma_wait3A_121, %dma_wait3A_122] : memref<100352x16xf32, #tpu.memory_space<vmem_shared>> -> memref<100352x16xf32, #tpu.memory_space<vmem_shared>>
    tpu.wait_indirect_dma semaphore(%arg16 : memref<!tpu.dma_semaphore, #tpu.memory_space<semaphore_mem>>) src(%dma_wait3A_117 : memref<512x16xf32, #tpu.memory_space<vmem>>) dst(%dma_wait3A_123 : memref<100352x16xf32, #tpu.memory_space<vmem_shared>>)
    %barrier3A_124 = arith.constant 0 : index
    tpu.barrier barrier_id(%barrier3A_124)
    %eq3A = arith.constant 0 : i32
    %eq3A_125 = arith.cmpi eq, %arg0, %eq3A : i32
    %convert_element_type3A = arith.extui %eq3A_125 : i1 to i32
    %cond3A = arith.constant 0 : i32
    %cond3A_126 = arith.cmpi ne, %convert_element_type3A, %cond3A : i32
    scf.if %cond3A_126 {
      "tpu.region"() ({
        %run_scoped3A = tpu.sem_alloc : memref<!tpu.dma_semaphore, #tpu.memory_space<semaphore_mem>>
        %dma_start3A_132 = arith.constant 0 : i32
        %dma_start3A_133 = tpu.memref_slice %arg6[%mul3A_0, %dma_start3A_132] : memref<100352x16xf32, #tpu.memory_space<hbm>> -> memref<6272x16xf32, #tpu.memory_space<hbm>>
        %dma_start3A_134 = arith.constant 0 : i32
        %dma_start3A_135 = tpu.memref_slice %arg8[%mul3A_0, %dma_start3A_134] : memref<100352x16xf32, #tpu.memory_space<vmem_shared>> -> memref<6272x16xf32, #tpu.memory_space<vmem_shared>>
        tpu.enqueue_dma source(%dma_start3A_135 : memref<6272x16xf32, #tpu.memory_space<vmem_shared>>) target(%dma_start3A_133 : memref<6272x16xf32, #tpu.memory_space<hbm>>) target_semaphore(%run_scoped3A : memref<!tpu.dma_semaphore, #tpu.memory_space<semaphore_mem>>)
        %dma_wait3A_136 = arith.constant 0 : i32
        %dma_wait3A_137 = tpu.memref_slice %arg6[%mul3A_0, %dma_wait3A_136] : memref<100352x16xf32, #tpu.memory_space<hbm>> -> memref<6272x16xf32, #tpu.memory_space<hbm>>
        %dma_wait3A_138 = arith.constant 0 : i32
        %dma_wait3A_139 = tpu.memref_slice %arg8[%mul3A_0, %dma_wait3A_138] : memref<100352x16xf32, #tpu.memory_space<vmem_shared>> -> memref<6272x16xf32, #tpu.memory_space<vmem_shared>>
        tpu.wait_dma2 semaphore(%run_scoped3A : memref<!tpu.dma_semaphore, #tpu.memory_space<semaphore_mem>>) src(%dma_wait3A_139 : memref<6272x16xf32, #tpu.memory_space<vmem_shared>>) dst(%dma_wait3A_137 : memref<6272x16xf32, #tpu.memory_space<hbm>>)
        tpu.yield
      }) : () -> ()
    } else {
    }
    %eq3A_127 = arith.constant 1 : i32
    %eq3A_128 = arith.cmpi eq, %arg0, %eq3A_127 : i32
    %convert_element_type3A_129 = arith.extui %eq3A_128 : i1 to i32
    %cond3A_130 = arith.constant 0 : i32
    %cond3A_131 = arith.cmpi ne, %convert_element_type3A_129, %cond3A_130 : i32
    scf.if %cond3A_131 {
      "tpu.region"() ({
        %run_scoped3A = tpu.sem_alloc : memref<!tpu.dma_semaphore, #tpu.memory_space<semaphore_mem>>
        %dma_start3A_132 = arith.constant 0 : i32
        %dma_start3A_133 = tpu.memref_slice %arg7[%mul3A_0, %dma_start3A_132] : memref<100352x16xf32, #tpu.memory_space<hbm>> -> memref<6272x16xf32, #tpu.memory_space<hbm>>
        %dma_start3A_134 = arith.constant 0 : i32
        %dma_start3A_135 = tpu.memref_slice %arg8[%mul3A_0, %dma_start3A_134] : memref<100352x16xf32, #tpu.memory_space<vmem_shared>> -> memref<6272x16xf32, #tpu.memory_space<vmem_shared>>
        tpu.enqueue_dma source(%dma_start3A_135 : memref<6272x16xf32, #tpu.memory_space<vmem_shared>>) target(%dma_start3A_133 : memref<6272x16xf32, #tpu.memory_space<hbm>>) target_semaphore(%run_scoped3A : memref<!tpu.dma_semaphore, #tpu.memory_space<semaphore_mem>>)
        %dma_wait3A_136 = arith.constant 0 : i32
        %dma_wait3A_137 = tpu.memref_slice %arg7[%mul3A_0, %dma_wait3A_136] : memref<100352x16xf32, #tpu.memory_space<hbm>> -> memref<6272x16xf32, #tpu.memory_space<hbm>>
        %dma_wait3A_138 = arith.constant 0 : i32
        %dma_wait3A_139 = tpu.memref_slice %arg8[%mul3A_0, %dma_wait3A_138] : memref<100352x16xf32, #tpu.memory_space<vmem_shared>> -> memref<6272x16xf32, #tpu.memory_space<vmem_shared>>
        tpu.wait_dma2 semaphore(%run_scoped3A : memref<!tpu.dma_semaphore, #tpu.memory_space<semaphore_mem>>) src(%dma_wait3A_139 : memref<6272x16xf32, #tpu.memory_space<vmem_shared>>) dst(%dma_wait3A_137 : memref<6272x16xf32, #tpu.memory_space<hbm>>)
        tpu.yield
      }) : () -> ()
    } else {
    }
    return
  }
}

#map = affine_map<(d0, d1) -> (0, 0)>
module attributes {stable_mosaic.version = 14 : i64} {
  func.func @_agg_body(%arg0: i32, %arg1: i32, %arg2: memref<3136x512xi32, #tpu.memory_space<hbm>>, %arg3: memref<3136x512xi32, #tpu.memory_space<hbm>>, %arg4: memref<100352x16xf32, #tpu.memory_space<hbm>>, %arg5: memref<6272x16xf32, #tpu.memory_space<hbm>>, %arg6: memref<100352x16xf32, #tpu.memory_space<hbm>>, %arg7: memref<100352x16xf32, #tpu.memory_space<hbm>>, %arg8: memref<100352x16xf32, #tpu.memory_space<vmem_shared>>, %arg9: memref<4x512xi32, #tpu.memory_space<vmem>>, %arg10: memref<4x512xi32, #tpu.memory_space<vmem>>, %arg11: memref<2x512x16xf32, #tpu.memory_space<vmem>>, %arg12: memref<!tpu.dma_semaphore, #tpu.memory_space<semaphore_mem>>, %arg13: memref<!tpu.dma_semaphore, #tpu.memory_space<semaphore_mem>>, %arg14: memref<!tpu.dma_semaphore, #tpu.memory_space<semaphore_mem>>, %arg15: memref<!tpu.dma_semaphore, #tpu.memory_space<semaphore_mem>>, %arg16: memref<!tpu.dma_semaphore, #tpu.memory_space<semaphore_mem>>) attributes {dimension_semantics = [#tpu.dimension_semantics<core_parallel>, #tpu.dimension_semantics<subcore_parallel>], iteration_bounds = array<i64: 2, 16>, scalar_prefetch = 0 : i64, scratch_operands = 9 : i64, tpu.core_type = #tpu.core_type<sc_vector_subcore>, window_params = [{transform_indices = #map}, {transform_indices = #map}, {transform_indices = #map}, {transform_indices = #map}, {transform_indices = #map}, {transform_indices = #map}]} {
    %mul3A = arith.constant 6272 : i32
    %mul3A_0 = arith.muli %arg1, %mul3A : i32
    "tpu.region"() ({
      %run_scoped3A = tpu.sem_alloc : memref<!tpu.dma_semaphore, #tpu.memory_space<semaphore_mem>>
      %dma_start3A_132 = arith.constant 0 : i32
      %dma_start3A_133 = tpu.memref_slice %arg8[%mul3A_0, %dma_start3A_132] : memref<100352x16xf32, #tpu.memory_space<vmem_shared>> -> memref<6272x16xf32, #tpu.memory_space<vmem_shared>>
      tpu.enqueue_dma source(%arg5 : memref<6272x16xf32, #tpu.memory_space<hbm>>) target(%dma_start3A_133 : memref<6272x16xf32, #tpu.memory_space<vmem_shared>>) target_semaphore(%run_scoped3A : memref<!tpu.dma_semaphore, #tpu.memory_space<semaphore_mem>>)
      %dma_wait3A_134 = arith.constant 0 : i32
      %dma_wait3A_135 = tpu.memref_slice %arg8[%mul3A_0, %dma_wait3A_134] : memref<100352x16xf32, #tpu.memory_space<vmem_shared>> -> memref<6272x16xf32, #tpu.memory_space<vmem_shared>>
      tpu.wait_dma2 semaphore(%run_scoped3A : memref<!tpu.dma_semaphore, #tpu.memory_space<semaphore_mem>>) src(%arg5 : memref<6272x16xf32, #tpu.memory_space<hbm>>) dst(%dma_wait3A_135 : memref<6272x16xf32, #tpu.memory_space<vmem_shared>>)
      tpu.yield
    }) : () -> ()
    %barrier3A = arith.constant 0 : index
    tpu.barrier barrier_id(%barrier3A)
    %mul3A_1 = arith.constant 16 : i32
    %mul3A_2 = arith.muli %arg0, %mul3A_1 : i32
    %add3A = arith.addi %mul3A_2, %arg1 : i32
    %mul3A_3 = arith.constant 98 : i32
    %mul3A_4 = arith.muli %add3A, %mul3A_3 : i32
    %add3A_5 = arith.constant 0 : i32
    %add3A_6 = arith.addi %mul3A_4, %add3A_5 : i32
    %dma_start3A = arith.constant 0 : i32
    %dma_start3A_7 = arith.constant 0 : i32
    %dma_start3A_8 = tpu.memref_slice %arg9[%dma_start3A, %dma_start3A_7] : memref<4x512xi32, #tpu.memory_space<vmem>> -> memref<1x512xi32, #tpu.memory_space<vmem>>
    %dma_start3A_9 = arith.constant 0 : i32
    %dma_start3A_10 = tpu.memref_slice %arg2[%add3A_6, %dma_start3A_9] : memref<3136x512xi32, #tpu.memory_space<hbm>> -> memref<1x512xi32, #tpu.memory_space<hbm>>
    %dma_start3A_11 = arith.constant 0 : i32
    %dma_start3A_12 = arith.constant 0 : i32
    %dma_start3A_13 = tpu.memref_slice %arg9[%dma_start3A_11, %dma_start3A_12] : memref<4x512xi32, #tpu.memory_space<vmem>> -> memref<1x512xi32, #tpu.memory_space<vmem>>
    %dma_start3A_14 = arith.constant 0 : i32
    %dma_start3A_15 = tpu.memref_slice %arg2[%add3A_6, %dma_start3A_14] : memref<3136x512xi32, #tpu.memory_space<hbm>> -> memref<1x512xi32, #tpu.memory_space<hbm>>
    tpu.enqueue_dma source(%dma_start3A_15 : memref<1x512xi32, #tpu.memory_space<hbm>>) target(%dma_start3A_13 : memref<1x512xi32, #tpu.memory_space<vmem>>) target_semaphore(%arg12 : memref<!tpu.dma_semaphore, #tpu.memory_space<semaphore_mem>>)
    %add3A_16 = arith.constant 0 : i32
    %add3A_17 = arith.addi %mul3A_4, %add3A_16 : i32
    %dma_start3A_18 = arith.constant 0 : i32
    %dma_start3A_19 = arith.constant 0 : i32
    %dma_start3A_20 = tpu.memref_slice %arg10[%dma_start3A_18, %dma_start3A_19] : memref<4x512xi32, #tpu.memory_space<vmem>> -> memref<1x512xi32, #tpu.memory_space<vmem>>
    %dma_start3A_21 = arith.constant 0 : i32
    %dma_start3A_22 = tpu.memref_slice %arg3[%add3A_17, %dma_start3A_21] : memref<3136x512xi32, #tpu.memory_space<hbm>> -> memref<1x512xi32, #tpu.memory_space<hbm>>
    %dma_start3A_23 = arith.constant 0 : i32
    %dma_start3A_24 = arith.constant 0 : i32
    %dma_start3A_25 = tpu.memref_slice %arg10[%dma_start3A_23, %dma_start3A_24] : memref<4x512xi32, #tpu.memory_space<vmem>> -> memref<1x512xi32, #tpu.memory_space<vmem>>
    %dma_start3A_26 = arith.constant 0 : i32
    %dma_start3A_27 = tpu.memref_slice %arg3[%add3A_17, %dma_start3A_26] : memref<3136x512xi32, #tpu.memory_space<hbm>> -> memref<1x512xi32, #tpu.memory_space<hbm>>
    tpu.enqueue_dma source(%dma_start3A_27 : memref<1x512xi32, #tpu.memory_space<hbm>>) target(%dma_start3A_25 : memref<1x512xi32, #tpu.memory_space<vmem>>) target_semaphore(%arg12 : memref<!tpu.dma_semaphore, #tpu.memory_space<semaphore_mem>>)
    %add3A_28 = arith.constant 1 : i32
    %add3A_29 = arith.addi %mul3A_4, %add3A_28 : i32
    %dma_start3A_30 = arith.constant 1 : i32
    %dma_start3A_31 = arith.constant 0 : i32
    %dma_start3A_32 = tpu.memref_slice %arg9[%dma_start3A_30, %dma_start3A_31] : memref<4x512xi32, #tpu.memory_space<vmem>> -> memref<1x512xi32, #tpu.memory_space<vmem>>
    %dma_start3A_33 = arith.constant 0 : i32
    %dma_start3A_34 = tpu.memref_slice %arg2[%add3A_29, %dma_start3A_33] : memref<3136x512xi32, #tpu.memory_space<hbm>> -> memref<1x512xi32, #tpu.memory_space<hbm>>
    %dma_start3A_35 = arith.constant 1 : i32
    %dma_start3A_36 = arith.constant 0 : i32
    %dma_start3A_37 = tpu.memref_slice %arg9[%dma_start3A_35, %dma_start3A_36] : memref<4x512xi32, #tpu.memory_space<vmem>> -> memref<1x512xi32, #tpu.memory_space<vmem>>
    %dma_start3A_38 = arith.constant 0 : i32
    %dma_start3A_39 = tpu.memref_slice %arg2[%add3A_29, %dma_start3A_38] : memref<3136x512xi32, #tpu.memory_space<hbm>> -> memref<1x512xi32, #tpu.memory_space<hbm>>
    tpu.enqueue_dma source(%dma_start3A_39 : memref<1x512xi32, #tpu.memory_space<hbm>>) target(%dma_start3A_37 : memref<1x512xi32, #tpu.memory_space<vmem>>) target_semaphore(%arg12 : memref<!tpu.dma_semaphore, #tpu.memory_space<semaphore_mem>>)
    %add3A_40 = arith.constant 1 : i32
    %add3A_41 = arith.addi %mul3A_4, %add3A_40 : i32
    %dma_start3A_42 = arith.constant 1 : i32
    %dma_start3A_43 = arith.constant 0 : i32
    %dma_start3A_44 = tpu.memref_slice %arg10[%dma_start3A_42, %dma_start3A_43] : memref<4x512xi32, #tpu.memory_space<vmem>> -> memref<1x512xi32, #tpu.memory_space<vmem>>
    %dma_start3A_45 = arith.constant 0 : i32
    %dma_start3A_46 = tpu.memref_slice %arg3[%add3A_41, %dma_start3A_45] : memref<3136x512xi32, #tpu.memory_space<hbm>> -> memref<1x512xi32, #tpu.memory_space<hbm>>
    %dma_start3A_47 = arith.constant 1 : i32
    %dma_start3A_48 = arith.constant 0 : i32
    %dma_start3A_49 = tpu.memref_slice %arg10[%dma_start3A_47, %dma_start3A_48] : memref<4x512xi32, #tpu.memory_space<vmem>> -> memref<1x512xi32, #tpu.memory_space<vmem>>
    %dma_start3A_50 = arith.constant 0 : i32
    %dma_start3A_51 = tpu.memref_slice %arg3[%add3A_41, %dma_start3A_50] : memref<3136x512xi32, #tpu.memory_space<hbm>> -> memref<1x512xi32, #tpu.memory_space<hbm>>
    tpu.enqueue_dma source(%dma_start3A_51 : memref<1x512xi32, #tpu.memory_space<hbm>>) target(%dma_start3A_49 : memref<1x512xi32, #tpu.memory_space<vmem>>) target_semaphore(%arg12 : memref<!tpu.dma_semaphore, #tpu.memory_space<semaphore_mem>>)
    %add3A_52 = arith.constant 2 : i32
    %add3A_53 = arith.addi %mul3A_4, %add3A_52 : i32
    %dma_start3A_54 = arith.constant 2 : i32
    %dma_start3A_55 = arith.constant 0 : i32
    %dma_start3A_56 = tpu.memref_slice %arg9[%dma_start3A_54, %dma_start3A_55] : memref<4x512xi32, #tpu.memory_space<vmem>> -> memref<1x512xi32, #tpu.memory_space<vmem>>
    %dma_start3A_57 = arith.constant 0 : i32
    %dma_start3A_58 = tpu.memref_slice %arg2[%add3A_53, %dma_start3A_57] : memref<3136x512xi32, #tpu.memory_space<hbm>> -> memref<1x512xi32, #tpu.memory_space<hbm>>
    %dma_start3A_59 = arith.constant 2 : i32
    %dma_start3A_60 = arith.constant 0 : i32
    %dma_start3A_61 = tpu.memref_slice %arg9[%dma_start3A_59, %dma_start3A_60] : memref<4x512xi32, #tpu.memory_space<vmem>> -> memref<1x512xi32, #tpu.memory_space<vmem>>
    %dma_start3A_62 = arith.constant 0 : i32
    %dma_start3A_63 = tpu.memref_slice %arg2[%add3A_53, %dma_start3A_62] : memref<3136x512xi32, #tpu.memory_space<hbm>> -> memref<1x512xi32, #tpu.memory_space<hbm>>
    tpu.enqueue_dma source(%dma_start3A_63 : memref<1x512xi32, #tpu.memory_space<hbm>>) target(%dma_start3A_61 : memref<1x512xi32, #tpu.memory_space<vmem>>) target_semaphore(%arg12 : memref<!tpu.dma_semaphore, #tpu.memory_space<semaphore_mem>>)
    %add3A_64 = arith.constant 2 : i32
    %add3A_65 = arith.addi %mul3A_4, %add3A_64 : i32
    %dma_start3A_66 = arith.constant 2 : i32
    %dma_start3A_67 = arith.constant 0 : i32
    %dma_start3A_68 = tpu.memref_slice %arg10[%dma_start3A_66, %dma_start3A_67] : memref<4x512xi32, #tpu.memory_space<vmem>> -> memref<1x512xi32, #tpu.memory_space<vmem>>
    %dma_start3A_69 = arith.constant 0 : i32
    %dma_start3A_70 = tpu.memref_slice %arg3[%add3A_65, %dma_start3A_69] : memref<3136x512xi32, #tpu.memory_space<hbm>> -> memref<1x512xi32, #tpu.memory_space<hbm>>
    %dma_start3A_71 = arith.constant 2 : i32
    %dma_start3A_72 = arith.constant 0 : i32
    %dma_start3A_73 = tpu.memref_slice %arg10[%dma_start3A_71, %dma_start3A_72] : memref<4x512xi32, #tpu.memory_space<vmem>> -> memref<1x512xi32, #tpu.memory_space<vmem>>
    %dma_start3A_74 = arith.constant 0 : i32
    %dma_start3A_75 = tpu.memref_slice %arg3[%add3A_65, %dma_start3A_74] : memref<3136x512xi32, #tpu.memory_space<hbm>> -> memref<1x512xi32, #tpu.memory_space<hbm>>
    tpu.enqueue_dma source(%dma_start3A_75 : memref<1x512xi32, #tpu.memory_space<hbm>>) target(%dma_start3A_73 : memref<1x512xi32, #tpu.memory_space<vmem>>) target_semaphore(%arg12 : memref<!tpu.dma_semaphore, #tpu.memory_space<semaphore_mem>>)
    %dma_wait3A = arith.constant 0 : i32
    %dma_wait3A_76 = arith.constant 0 : i32
    %dma_wait3A_77 = tpu.memref_slice %arg9[%dma_wait3A, %dma_wait3A_76] : memref<4x512xi32, #tpu.memory_space<vmem>> -> memref<1x512xi32, #tpu.memory_space<vmem>>
    %dma_wait3A_78 = arith.constant 0 : i32
    %dma_wait3A_79 = tpu.memref_slice %arg2[%mul3A_4, %dma_wait3A_78] : memref<3136x512xi32, #tpu.memory_space<hbm>> -> memref<1x512xi32, #tpu.memory_space<hbm>>
    %dma_wait3A_80 = arith.constant 0 : i32
    %dma_wait3A_81 = arith.constant 0 : i32
    %dma_wait3A_82 = tpu.memref_slice %arg9[%dma_wait3A_80, %dma_wait3A_81] : memref<4x512xi32, #tpu.memory_space<vmem>> -> memref<1x512xi32, #tpu.memory_space<vmem>>
    %dma_wait3A_83 = arith.constant 0 : i32
    %dma_wait3A_84 = tpu.memref_slice %arg2[%mul3A_4, %dma_wait3A_83] : memref<3136x512xi32, #tpu.memory_space<hbm>> -> memref<1x512xi32, #tpu.memory_space<hbm>>
    tpu.wait_dma2 semaphore(%arg12 : memref<!tpu.dma_semaphore, #tpu.memory_space<semaphore_mem>>) src(%dma_wait3A_84 : memref<1x512xi32, #tpu.memory_space<hbm>>) dst(%dma_wait3A_82 : memref<1x512xi32, #tpu.memory_space<vmem>>)
    %dma_wait3A_85 = arith.constant 0 : i32
    %dma_wait3A_86 = arith.constant 0 : i32
    %dma_wait3A_87 = tpu.memref_slice %arg10[%dma_wait3A_85, %dma_wait3A_86] : memref<4x512xi32, #tpu.memory_space<vmem>> -> memref<1x512xi32, #tpu.memory_space<vmem>>
    %dma_wait3A_88 = arith.constant 0 : i32
    %dma_wait3A_89 = tpu.memref_slice %arg3[%mul3A_4, %dma_wait3A_88] : memref<3136x512xi32, #tpu.memory_space<hbm>> -> memref<1x512xi32, #tpu.memory_space<hbm>>
    %dma_wait3A_90 = arith.constant 0 : i32
    %dma_wait3A_91 = arith.constant 0 : i32
    %dma_wait3A_92 = tpu.memref_slice %arg10[%dma_wait3A_90, %dma_wait3A_91] : memref<4x512xi32, #tpu.memory_space<vmem>> -> memref<1x512xi32, #tpu.memory_space<vmem>>
    %dma_wait3A_93 = arith.constant 0 : i32
    %dma_wait3A_94 = tpu.memref_slice %arg3[%mul3A_4, %dma_wait3A_93] : memref<3136x512xi32, #tpu.memory_space<hbm>> -> memref<1x512xi32, #tpu.memory_space<hbm>>
    tpu.wait_dma2 semaphore(%arg12 : memref<!tpu.dma_semaphore, #tpu.memory_space<semaphore_mem>>) src(%dma_wait3A_94 : memref<1x512xi32, #tpu.memory_space<hbm>>) dst(%dma_wait3A_92 : memref<1x512xi32, #tpu.memory_space<vmem>>)
    %dma_start3A_95 = arith.constant 0 : i32
    %dma_start3A_96 = arith.constant 0 : i32
    %dma_start3A_97 = arith.constant 0 : i32
    %dma_start3A_98 = arith.constant 0 : i32
    %dma_start3A_99 = tpu.memref_slice %arg11[%dma_start3A_96, %dma_start3A_97, %dma_start3A_98] : memref<2x512x16xf32, #tpu.memory_space<vmem>> -> memref<1x512x16xf32, #tpu.memory_space<vmem>>
    %dma_start3A_100 = tpu.memref_squeeze %dma_start3A_99 : memref<1x512x16xf32, #tpu.memory_space<vmem>> -> memref<512x16xf32, #tpu.memory_space<vmem>>
    %dma_start3A_101 = arith.constant 0 : i32
    %dma_start3A_102 = tpu.memref_slice %arg9[%dma_start3A_95, %dma_start3A_101] : memref<4x512xi32, #tpu.memory_space<vmem>> -> memref<1x512xi32, #tpu.memory_space<vmem>>
    %dma_start3A_103 = tpu.memref_squeeze %dma_start3A_102 : memref<1x512xi32, #tpu.memory_space<vmem>> -> memref<512xi32, #tpu.memory_space<vmem>>
    %dma_start3A_104 = arith.constant 0 : i32
    %dma_start3A_105 = arith.constant 0 : i32
    %dma_start3A_106 = tpu.memref_slice %arg4[%dma_start3A_104, %dma_start3A_105] : memref<100352x16xf32, #tpu.memory_space<hbm>> -> memref<100352x16xf32, #tpu.memory_space<hbm>>
    tpu.enqueue_indirect_dma source(%dma_start3A_106 : memref<100352x16xf32, #tpu.memory_space<hbm>>) target(%dma_start3A_100 : memref<512x16xf32, #tpu.memory_space<vmem>>) offsets(%dma_start3A_103 : memref<512xi32, #tpu.memory_space<vmem>>) semaphore(%arg13 : memref<!tpu.dma_semaphore, #tpu.memory_space<semaphore_mem>>)
    %scan3A = arith.constant 0 : i32
    %scan3A_107 = arith.constant 0 : i32
    %scan3A_108 = arith.constant 49 : i32
    %scan3A_109 = arith.addi %scan3A_107, %scan3A_108 : i32
    %scan3A_110 = arith.constant 1 : i32
    scf.for %scan3A_132 = %scan3A_107 to %scan3A_109 step %scan3A_110  : i32 {
      %mul3A_133 = arith.constant 2 : i32
      %mul3A_134 = arith.muli %mul3A_133, %scan3A_132 : i32
      %add3A_135 = arith.constant 1 : i32
      %add3A_136 = arith.addi %mul3A_134, %add3A_135 : i32
      %jit3A = arith.constant 4 : i32
      %eq3A_137 = arith.constant 0 : i32
      %eq3A_138 = arith.cmpi eq, %jit3A, %eq3A_137 : i32
      %jit3A_139 = arith.constant 1 : i32
      %select_n3A = arith.select %eq3A_138, %jit3A_139, %jit3A : i32
      %rem3A = arith.remsi %add3A_136, %select_n3A : i32
      %ne3A = arith.constant 0 : i32
      %ne3A_140 = arith.cmpi ne, %rem3A, %ne3A : i32
      %lt3A = arith.constant 0 : i32
      %lt3A_141 = arith.cmpi slt, %rem3A, %lt3A : i32
      %lt3A_142 = arith.constant 0 : i32
      %lt3A_143 = arith.cmpi slt, %select_n3A, %lt3A_142 : i32
      %ne3A_144 = arith.xori %lt3A_141, %lt3A_143 : i1
      %and3A = arith.andi %ne3A_144, %ne3A_140 : i1
      %add3A_145 = arith.addi %rem3A, %select_n3A : i32
      %select_n3A_146 = arith.select %and3A, %add3A_145, %rem3A : i32
      %ge3A = arith.constant 1 : i32
      %ge3A_147 = arith.cmpi sge, %mul3A_134, %ge3A : i32
      %convert_element_type3A_148 = arith.extui %ge3A_147 : i1 to i32
      %cond3A_149 = arith.constant 0 : i32
      %cond3A_150 = arith.cmpi ne, %convert_element_type3A_148, %cond3A_149 : i32
      scf.if %cond3A_150 {
        %dma_wait3A_282 = arith.constant 1 : i32
        %dma_wait3A_283 = arith.constant 1 : i32
        %dma_wait3A_284 = arith.constant 0 : i32
        %dma_wait3A_285 = arith.constant 0 : i32
        %dma_wait3A_286 = tpu.memref_slice %arg11[%dma_wait3A_282, %dma_wait3A_284, %dma_wait3A_285] : memref<2x512x16xf32, #tpu.memory_space<vmem>> -> memref<1x512x16xf32, #tpu.memory_space<vmem>>
        %dma_wait3A_287 = tpu.memref_squeeze %dma_wait3A_286 : memref<1x512x16xf32, #tpu.memory_space<vmem>> -> memref<512x16xf32, #tpu.memory_space<vmem>>
        %dma_wait3A_288 = arith.constant 0 : i32
        %dma_wait3A_289 = tpu.memref_slice %arg10[%dma_wait3A_283, %dma_wait3A_288] : memref<4x512xi32, #tpu.memory_space<vmem>> -> memref<1x512xi32, #tpu.memory_space<vmem>>
        %dma_wait3A_290 = tpu.memref_squeeze %dma_wait3A_289 : memref<1x512xi32, #tpu.memory_space<vmem>> -> memref<512xi32, #tpu.memory_space<vmem>>
        %dma_wait3A_291 = arith.constant 0 : i32
        %dma_wait3A_292 = arith.constant 0 : i32
        %dma_wait3A_293 = tpu.memref_slice %arg8[%dma_wait3A_291, %dma_wait3A_292] : memref<100352x16xf32, #tpu.memory_space<vmem_shared>> -> memref<100352x16xf32, #tpu.memory_space<vmem_shared>>
        tpu.wait_indirect_dma semaphore(%arg16 : memref<!tpu.dma_semaphore, #tpu.memory_space<semaphore_mem>>) src(%dma_wait3A_287 : memref<512x16xf32, #tpu.memory_space<vmem>>) dst(%dma_wait3A_293 : memref<100352x16xf32, #tpu.memory_space<vmem_shared>>)
      } else {
      }
      %add3A_151 = arith.constant 3 : i32
      %add3A_152 = arith.addi %mul3A_134, %add3A_151 : i32
      %lt3A_153 = arith.constant 98 : i32
      %lt3A_154 = arith.cmpi slt, %add3A_152, %lt3A_153 : i32
      %convert_element_type3A_155 = arith.extui %lt3A_154 : i1 to i32
      %cond3A_156 = arith.constant 0 : i32
      %cond3A_157 = arith.cmpi ne, %convert_element_type3A_155, %cond3A_156 : i32
      scf.if %cond3A_157 {
        %add3A_282 = arith.addi %mul3A_4, %mul3A_134 : i32
        %add3A_283 = arith.constant 3 : i32
        %add3A_284 = arith.addi %add3A_282, %add3A_283 : i32
        %add3A_285 = arith.constant 3 : i32
        %add3A_286 = arith.addi %mul3A_134, %add3A_285 : i32
        %jit3A_287 = arith.constant 4 : i32
        %eq3A_288 = arith.constant 0 : i32
        %eq3A_289 = arith.cmpi eq, %jit3A_287, %eq3A_288 : i32
        %jit3A_290 = arith.constant 1 : i32
        %select_n3A_291 = arith.select %eq3A_289, %jit3A_290, %jit3A_287 : i32
        %rem3A_292 = arith.remsi %add3A_286, %select_n3A_291 : i32
        %ne3A_293 = arith.constant 0 : i32
        %ne3A_294 = arith.cmpi ne, %rem3A_292, %ne3A_293 : i32
        %lt3A_295 = arith.constant 0 : i32
        %lt3A_296 = arith.cmpi slt, %rem3A_292, %lt3A_295 : i32
        %lt3A_297 = arith.constant 0 : i32
        %lt3A_298 = arith.cmpi slt, %select_n3A_291, %lt3A_297 : i32
        %ne3A_299 = arith.xori %lt3A_296, %lt3A_298 : i1
        %and3A_300 = arith.andi %ne3A_299, %ne3A_294 : i1
        %add3A_301 = arith.addi %rem3A_292, %select_n3A_291 : i32
        %select_n3A_302 = arith.select %and3A_300, %add3A_301, %rem3A_292 : i32
        %dma_start3A_303 = arith.constant 0 : i32
        %dma_start3A_304 = tpu.memref_slice %arg9[%select_n3A_302, %dma_start3A_303] : memref<4x512xi32, #tpu.memory_space<vmem>> -> memref<1x512xi32, #tpu.memory_space<vmem>>
        %dma_start3A_305 = arith.constant 0 : i32
        %dma_start3A_306 = tpu.memref_slice %arg2[%add3A_284, %dma_start3A_305] : memref<3136x512xi32, #tpu.memory_space<hbm>> -> memref<1x512xi32, #tpu.memory_space<hbm>>
        %dma_start3A_307 = arith.constant 0 : i32
        %dma_start3A_308 = tpu.memref_slice %arg9[%select_n3A_302, %dma_start3A_307] : memref<4x512xi32, #tpu.memory_space<vmem>> -> memref<1x512xi32, #tpu.memory_space<vmem>>
        %dma_start3A_309 = arith.constant 0 : i32
        %dma_start3A_310 = tpu.memref_slice %arg2[%add3A_284, %dma_start3A_309] : memref<3136x512xi32, #tpu.memory_space<hbm>> -> memref<1x512xi32, #tpu.memory_space<hbm>>
        tpu.enqueue_dma source(%dma_start3A_310 : memref<1x512xi32, #tpu.memory_space<hbm>>) target(%dma_start3A_308 : memref<1x512xi32, #tpu.memory_space<vmem>>) target_semaphore(%arg12 : memref<!tpu.dma_semaphore, #tpu.memory_space<semaphore_mem>>)
        %add3A_311 = arith.addi %mul3A_4, %mul3A_134 : i32
        %add3A_312 = arith.constant 3 : i32
        %add3A_313 = arith.addi %add3A_311, %add3A_312 : i32
        %add3A_314 = arith.constant 3 : i32
        %add3A_315 = arith.addi %mul3A_134, %add3A_314 : i32
        %jit3A_316 = arith.constant 4 : i32
        %eq3A_317 = arith.constant 0 : i32
        %eq3A_318 = arith.cmpi eq, %jit3A_316, %eq3A_317 : i32
        %jit3A_319 = arith.constant 1 : i32
        %select_n3A_320 = arith.select %eq3A_318, %jit3A_319, %jit3A_316 : i32
        %rem3A_321 = arith.remsi %add3A_315, %select_n3A_320 : i32
        %ne3A_322 = arith.constant 0 : i32
        %ne3A_323 = arith.cmpi ne, %rem3A_321, %ne3A_322 : i32
        %lt3A_324 = arith.constant 0 : i32
        %lt3A_325 = arith.cmpi slt, %rem3A_321, %lt3A_324 : i32
        %lt3A_326 = arith.constant 0 : i32
        %lt3A_327 = arith.cmpi slt, %select_n3A_320, %lt3A_326 : i32
        %ne3A_328 = arith.xori %lt3A_325, %lt3A_327 : i1
        %and3A_329 = arith.andi %ne3A_328, %ne3A_323 : i1
        %add3A_330 = arith.addi %rem3A_321, %select_n3A_320 : i32
        %select_n3A_331 = arith.select %and3A_329, %add3A_330, %rem3A_321 : i32
        %dma_start3A_332 = arith.constant 0 : i32
        %dma_start3A_333 = tpu.memref_slice %arg10[%select_n3A_331, %dma_start3A_332] : memref<4x512xi32, #tpu.memory_space<vmem>> -> memref<1x512xi32, #tpu.memory_space<vmem>>
        %dma_start3A_334 = arith.constant 0 : i32
        %dma_start3A_335 = tpu.memref_slice %arg3[%add3A_313, %dma_start3A_334] : memref<3136x512xi32, #tpu.memory_space<hbm>> -> memref<1x512xi32, #tpu.memory_space<hbm>>
        %dma_start3A_336 = arith.constant 0 : i32
        %dma_start3A_337 = tpu.memref_slice %arg10[%select_n3A_331, %dma_start3A_336] : memref<4x512xi32, #tpu.memory_space<vmem>> -> memref<1x512xi32, #tpu.memory_space<vmem>>
        %dma_start3A_338 = arith.constant 0 : i32
        %dma_start3A_339 = tpu.memref_slice %arg3[%add3A_313, %dma_start3A_338] : memref<3136x512xi32, #tpu.memory_space<hbm>> -> memref<1x512xi32, #tpu.memory_space<hbm>>
        tpu.enqueue_dma source(%dma_start3A_339 : memref<1x512xi32, #tpu.memory_space<hbm>>) target(%dma_start3A_337 : memref<1x512xi32, #tpu.memory_space<vmem>>) target_semaphore(%arg12 : memref<!tpu.dma_semaphore, #tpu.memory_space<semaphore_mem>>)
      } else {
      }
      %add3A_158 = arith.constant 1 : i32
      %add3A_159 = arith.addi %mul3A_134, %add3A_158 : i32
      %lt3A_160 = arith.constant 98 : i32
      %lt3A_161 = arith.cmpi slt, %add3A_159, %lt3A_160 : i32
      %convert_element_type3A_162 = arith.extui %lt3A_161 : i1 to i32
      %cond3A_163 = arith.constant 0 : i32
      %cond3A_164 = arith.cmpi ne, %convert_element_type3A_162, %cond3A_163 : i32
      scf.if %cond3A_164 {
        %dma_wait3A_282 = arith.constant 0 : i32
        %dma_wait3A_283 = tpu.memref_slice %arg9[%select_n3A_146, %dma_wait3A_282] : memref<4x512xi32, #tpu.memory_space<vmem>> -> memref<1x512xi32, #tpu.memory_space<vmem>>
        %dma_wait3A_284 = arith.constant 0 : i32
        %dma_wait3A_285 = tpu.memref_slice %arg2[%mul3A_4, %dma_wait3A_284] : memref<3136x512xi32, #tpu.memory_space<hbm>> -> memref<1x512xi32, #tpu.memory_space<hbm>>
        %dma_wait3A_286 = arith.constant 0 : i32
        %dma_wait3A_287 = tpu.memref_slice %arg9[%select_n3A_146, %dma_wait3A_286] : memref<4x512xi32, #tpu.memory_space<vmem>> -> memref<1x512xi32, #tpu.memory_space<vmem>>
        %dma_wait3A_288 = arith.constant 0 : i32
        %dma_wait3A_289 = tpu.memref_slice %arg2[%mul3A_4, %dma_wait3A_288] : memref<3136x512xi32, #tpu.memory_space<hbm>> -> memref<1x512xi32, #tpu.memory_space<hbm>>
        tpu.wait_dma2 semaphore(%arg12 : memref<!tpu.dma_semaphore, #tpu.memory_space<semaphore_mem>>) src(%dma_wait3A_289 : memref<1x512xi32, #tpu.memory_space<hbm>>) dst(%dma_wait3A_287 : memref<1x512xi32, #tpu.memory_space<vmem>>)
        %dma_wait3A_290 = arith.constant 0 : i32
        %dma_wait3A_291 = tpu.memref_slice %arg10[%select_n3A_146, %dma_wait3A_290] : memref<4x512xi32, #tpu.memory_space<vmem>> -> memref<1x512xi32, #tpu.memory_space<vmem>>
        %dma_wait3A_292 = arith.constant 0 : i32
        %dma_wait3A_293 = tpu.memref_slice %arg3[%mul3A_4, %dma_wait3A_292] : memref<3136x512xi32, #tpu.memory_space<hbm>> -> memref<1x512xi32, #tpu.memory_space<hbm>>
        %dma_wait3A_294 = arith.constant 0 : i32
        %dma_wait3A_295 = tpu.memref_slice %arg10[%select_n3A_146, %dma_wait3A_294] : memref<4x512xi32, #tpu.memory_space<vmem>> -> memref<1x512xi32, #tpu.memory_space<vmem>>
        %dma_wait3A_296 = arith.constant 0 : i32
        %dma_wait3A_297 = tpu.memref_slice %arg3[%mul3A_4, %dma_wait3A_296] : memref<3136x512xi32, #tpu.memory_space<hbm>> -> memref<1x512xi32, #tpu.memory_space<hbm>>
        tpu.wait_dma2 semaphore(%arg12 : memref<!tpu.dma_semaphore, #tpu.memory_space<semaphore_mem>>) src(%dma_wait3A_297 : memref<1x512xi32, #tpu.memory_space<hbm>>) dst(%dma_wait3A_295 : memref<1x512xi32, #tpu.memory_space<vmem>>)
        %dma_start3A_298 = arith.constant 1 : i32
        %dma_start3A_299 = arith.constant 0 : i32
        %dma_start3A_300 = arith.constant 0 : i32
        %dma_start3A_301 = tpu.memref_slice %arg11[%dma_start3A_298, %dma_start3A_299, %dma_start3A_300] : memref<2x512x16xf32, #tpu.memory_space<vmem>> -> memref<1x512x16xf32, #tpu.memory_space<vmem>>
        %dma_start3A_302 = tpu.memref_squeeze %dma_start3A_301 : memref<1x512x16xf32, #tpu.memory_space<vmem>> -> memref<512x16xf32, #tpu.memory_space<vmem>>
        %dma_start3A_303 = arith.constant 0 : i32
        %dma_start3A_304 = tpu.memref_slice %arg9[%select_n3A_146, %dma_start3A_303] : memref<4x512xi32, #tpu.memory_space<vmem>> -> memref<1x512xi32, #tpu.memory_space<vmem>>
        %dma_start3A_305 = tpu.memref_squeeze %dma_start3A_304 : memref<1x512xi32, #tpu.memory_space<vmem>> -> memref<512xi32, #tpu.memory_space<vmem>>
        %dma_start3A_306 = arith.constant 0 : i32
        %dma_start3A_307 = arith.constant 0 : i32
        %dma_start3A_308 = tpu.memref_slice %arg4[%dma_start3A_306, %dma_start3A_307] : memref<100352x16xf32, #tpu.memory_space<hbm>> -> memref<100352x16xf32, #tpu.memory_space<hbm>>
        tpu.enqueue_indirect_dma source(%dma_start3A_308 : memref<100352x16xf32, #tpu.memory_space<hbm>>) target(%dma_start3A_302 : memref<512x16xf32, #tpu.memory_space<vmem>>) offsets(%dma_start3A_305 : memref<512xi32, #tpu.memory_space<vmem>>) semaphore(%arg14 : memref<!tpu.dma_semaphore, #tpu.memory_space<semaphore_mem>>)
      } else {
      }
      %jit3A_165 = arith.constant 4 : i32
      %eq3A_166 = arith.constant 0 : i32
      %eq3A_167 = arith.cmpi eq, %jit3A_165, %eq3A_166 : i32
      %jit3A_168 = arith.constant 1 : i32
      %select_n3A_169 = arith.select %eq3A_167, %jit3A_168, %jit3A_165 : i32
      %rem3A_170 = arith.remsi %mul3A_134, %select_n3A_169 : i32
      %ne3A_171 = arith.constant 0 : i32
      %ne3A_172 = arith.cmpi ne, %rem3A_170, %ne3A_171 : i32
      %lt3A_173 = arith.constant 0 : i32
      %lt3A_174 = arith.cmpi slt, %rem3A_170, %lt3A_173 : i32
      %lt3A_175 = arith.constant 0 : i32
      %lt3A_176 = arith.cmpi slt, %select_n3A_169, %lt3A_175 : i32
      %ne3A_177 = arith.xori %lt3A_174, %lt3A_176 : i1
      %and3A_178 = arith.andi %ne3A_177, %ne3A_172 : i1
      %add3A_179 = arith.addi %rem3A_170, %select_n3A_169 : i32
      %select_n3A_180 = arith.select %and3A_178, %add3A_179, %rem3A_170 : i32
      %dma_wait3A_181 = arith.constant 0 : i32
      %dma_wait3A_182 = arith.constant 0 : i32
      %dma_wait3A_183 = arith.constant 0 : i32
      %dma_wait3A_184 = tpu.memref_slice %arg11[%dma_wait3A_181, %dma_wait3A_182, %dma_wait3A_183] : memref<2x512x16xf32, #tpu.memory_space<vmem>> -> memref<1x512x16xf32, #tpu.memory_space<vmem>>
      %dma_wait3A_185 = tpu.memref_squeeze %dma_wait3A_184 : memref<1x512x16xf32, #tpu.memory_space<vmem>> -> memref<512x16xf32, #tpu.memory_space<vmem>>
      %dma_wait3A_186 = arith.constant 0 : i32
      %dma_wait3A_187 = tpu.memref_slice %arg9[%select_n3A_180, %dma_wait3A_186] : memref<4x512xi32, #tpu.memory_space<vmem>> -> memref<1x512xi32, #tpu.memory_space<vmem>>
      %dma_wait3A_188 = tpu.memref_squeeze %dma_wait3A_187 : memref<1x512xi32, #tpu.memory_space<vmem>> -> memref<512xi32, #tpu.memory_space<vmem>>
      %dma_wait3A_189 = arith.constant 0 : i32
      %dma_wait3A_190 = arith.constant 0 : i32
      %dma_wait3A_191 = tpu.memref_slice %arg4[%dma_wait3A_189, %dma_wait3A_190] : memref<100352x16xf32, #tpu.memory_space<hbm>> -> memref<100352x16xf32, #tpu.memory_space<hbm>>
      tpu.wait_indirect_dma semaphore(%arg13 : memref<!tpu.dma_semaphore, #tpu.memory_space<semaphore_mem>>) src(%dma_wait3A_191 : memref<100352x16xf32, #tpu.memory_space<hbm>>) dst(%dma_wait3A_185 : memref<512x16xf32, #tpu.memory_space<vmem>>)
      %dma_start3A_192 = arith.constant 0 : i32
      %dma_start3A_193 = arith.constant 0 : i32
      %dma_start3A_194 = arith.constant 0 : i32
      %dma_start3A_195 = tpu.memref_slice %arg11[%dma_start3A_192, %dma_start3A_193, %dma_start3A_194] : memref<2x512x16xf32, #tpu.memory_space<vmem>> -> memref<1x512x16xf32, #tpu.memory_space<vmem>>
      %dma_start3A_196 = tpu.memref_squeeze %dma_start3A_195 : memref<1x512x16xf32, #tpu.memory_space<vmem>> -> memref<512x16xf32, #tpu.memory_space<vmem>>
      %dma_start3A_197 = arith.constant 0 : i32
      %dma_start3A_198 = tpu.memref_slice %arg10[%select_n3A_180, %dma_start3A_197] : memref<4x512xi32, #tpu.memory_space<vmem>> -> memref<1x512xi32, #tpu.memory_space<vmem>>
      %dma_start3A_199 = tpu.memref_squeeze %dma_start3A_198 : memref<1x512xi32, #tpu.memory_space<vmem>> -> memref<512xi32, #tpu.memory_space<vmem>>
      %dma_start3A_200 = arith.constant 0 : i32
      %dma_start3A_201 = arith.constant 0 : i32
      %dma_start3A_202 = tpu.memref_slice %arg8[%dma_start3A_200, %dma_start3A_201] : memref<100352x16xf32, #tpu.memory_space<vmem_shared>> -> memref<100352x16xf32, #tpu.memory_space<vmem_shared>>
      tpu.enqueue_indirect_dma source(%dma_start3A_196 : memref<512x16xf32, #tpu.memory_space<vmem>>) target(%dma_start3A_202 : memref<100352x16xf32, #tpu.memory_space<vmem_shared>>) offsets(%dma_start3A_199 : memref<512xi32, #tpu.memory_space<vmem>>) semaphore(%arg15 : memref<!tpu.dma_semaphore, #tpu.memory_space<semaphore_mem>>) {add = true}
      %mul3A_203 = arith.constant 2 : i32
      %mul3A_204 = arith.muli %mul3A_203, %scan3A_132 : i32
      %add3A_205 = arith.constant 1 : i32
      %add3A_206 = arith.addi %mul3A_204, %add3A_205 : i32
      %add3A_207 = arith.constant 1 : i32
      %add3A_208 = arith.addi %add3A_206, %add3A_207 : i32
      %jit3A_209 = arith.constant 4 : i32
      %eq3A_210 = arith.constant 0 : i32
      %eq3A_211 = arith.cmpi eq, %jit3A_209, %eq3A_210 : i32
      %jit3A_212 = arith.constant 1 : i32
      %select_n3A_213 = arith.select %eq3A_211, %jit3A_212, %jit3A_209 : i32
      %rem3A_214 = arith.remsi %add3A_208, %select_n3A_213 : i32
      %ne3A_215 = arith.constant 0 : i32
      %ne3A_216 = arith.cmpi ne, %rem3A_214, %ne3A_215 : i32
      %lt3A_217 = arith.constant 0 : i32
      %lt3A_218 = arith.cmpi slt, %rem3A_214, %lt3A_217 : i32
      %lt3A_219 = arith.constant 0 : i32
      %lt3A_220 = arith.cmpi slt, %select_n3A_213, %lt3A_219 : i32
      %ne3A_221 = arith.xori %lt3A_218, %lt3A_220 : i1
      %and3A_222 = arith.andi %ne3A_221, %ne3A_216 : i1
      %add3A_223 = arith.addi %rem3A_214, %select_n3A_213 : i32
      %select_n3A_224 = arith.select %and3A_222, %add3A_223, %rem3A_214 : i32
      %ge3A_225 = arith.constant 1 : i32
      %ge3A_226 = arith.cmpi sge, %add3A_206, %ge3A_225 : i32
      %convert_element_type3A_227 = arith.extui %ge3A_226 : i1 to i32
      %cond3A_228 = arith.constant 0 : i32
      %cond3A_229 = arith.cmpi ne, %convert_element_type3A_227, %cond3A_228 : i32
      scf.if %cond3A_229 {
        %dma_wait3A_282 = arith.constant 0 : i32
        %dma_wait3A_283 = arith.constant 0 : i32
        %dma_wait3A_284 = arith.constant 0 : i32
        %dma_wait3A_285 = arith.constant 0 : i32
        %dma_wait3A_286 = tpu.memref_slice %arg11[%dma_wait3A_282, %dma_wait3A_284, %dma_wait3A_285] : memref<2x512x16xf32, #tpu.memory_space<vmem>> -> memref<1x512x16xf32, #tpu.memory_space<vmem>>
        %dma_wait3A_287 = tpu.memref_squeeze %dma_wait3A_286 : memref<1x512x16xf32, #tpu.memory_space<vmem>> -> memref<512x16xf32, #tpu.memory_space<vmem>>
        %dma_wait3A_288 = arith.constant 0 : i32
        %dma_wait3A_289 = tpu.memref_slice %arg10[%dma_wait3A_283, %dma_wait3A_288] : memref<4x512xi32, #tpu.memory_space<vmem>> -> memref<1x512xi32, #tpu.memory_space<vmem>>
        %dma_wait3A_290 = tpu.memref_squeeze %dma_wait3A_289 : memref<1x512xi32, #tpu.memory_space<vmem>> -> memref<512xi32, #tpu.memory_space<vmem>>
        %dma_wait3A_291 = arith.constant 0 : i32
        %dma_wait3A_292 = arith.constant 0 : i32
        %dma_wait3A_293 = tpu.memref_slice %arg8[%dma_wait3A_291, %dma_wait3A_292] : memref<100352x16xf32, #tpu.memory_space<vmem_shared>> -> memref<100352x16xf32, #tpu.memory_space<vmem_shared>>
        tpu.wait_indirect_dma semaphore(%arg15 : memref<!tpu.dma_semaphore, #tpu.memory_space<semaphore_mem>>) src(%dma_wait3A_287 : memref<512x16xf32, #tpu.memory_space<vmem>>) dst(%dma_wait3A_293 : memref<100352x16xf32, #tpu.memory_space<vmem_shared>>)
      } else {
      }
      %add3A_230 = arith.constant 3 : i32
      %add3A_231 = arith.addi %add3A_206, %add3A_230 : i32
      %lt3A_232 = arith.constant 98 : i32
      %lt3A_233 = arith.cmpi slt, %add3A_231, %lt3A_232 : i32
      %convert_element_type3A_234 = arith.extui %lt3A_233 : i1 to i32
      %cond3A_235 = arith.constant 0 : i32
      %cond3A_236 = arith.cmpi ne, %convert_element_type3A_234, %cond3A_235 : i32
      scf.if %cond3A_236 {
        %add3A_282 = arith.addi %mul3A_4, %add3A_206 : i32
        %add3A_283 = arith.constant 3 : i32
        %add3A_284 = arith.addi %add3A_282, %add3A_283 : i32
        %add3A_285 = arith.constant 3 : i32
        %add3A_286 = arith.addi %add3A_206, %add3A_285 : i32
        %jit3A_287 = arith.constant 4 : i32
        %eq3A_288 = arith.constant 0 : i32
        %eq3A_289 = arith.cmpi eq, %jit3A_287, %eq3A_288 : i32
        %jit3A_290 = arith.constant 1 : i32
        %select_n3A_291 = arith.select %eq3A_289, %jit3A_290, %jit3A_287 : i32
        %rem3A_292 = arith.remsi %add3A_286, %select_n3A_291 : i32
        %ne3A_293 = arith.constant 0 : i32
        %ne3A_294 = arith.cmpi ne, %rem3A_292, %ne3A_293 : i32
        %lt3A_295 = arith.constant 0 : i32
        %lt3A_296 = arith.cmpi slt, %rem3A_292, %lt3A_295 : i32
        %lt3A_297 = arith.constant 0 : i32
        %lt3A_298 = arith.cmpi slt, %select_n3A_291, %lt3A_297 : i32
        %ne3A_299 = arith.xori %lt3A_296, %lt3A_298 : i1
        %and3A_300 = arith.andi %ne3A_299, %ne3A_294 : i1
        %add3A_301 = arith.addi %rem3A_292, %select_n3A_291 : i32
        %select_n3A_302 = arith.select %and3A_300, %add3A_301, %rem3A_292 : i32
        %dma_start3A_303 = arith.constant 0 : i32
        %dma_start3A_304 = tpu.memref_slice %arg9[%select_n3A_302, %dma_start3A_303] : memref<4x512xi32, #tpu.memory_space<vmem>> -> memref<1x512xi32, #tpu.memory_space<vmem>>
        %dma_start3A_305 = arith.constant 0 : i32
        %dma_start3A_306 = tpu.memref_slice %arg2[%add3A_284, %dma_start3A_305] : memref<3136x512xi32, #tpu.memory_space<hbm>> -> memref<1x512xi32, #tpu.memory_space<hbm>>
        %dma_start3A_307 = arith.constant 0 : i32
        %dma_start3A_308 = tpu.memref_slice %arg9[%select_n3A_302, %dma_start3A_307] : memref<4x512xi32, #tpu.memory_space<vmem>> -> memref<1x512xi32, #tpu.memory_space<vmem>>
        %dma_start3A_309 = arith.constant 0 : i32
        %dma_start3A_310 = tpu.memref_slice %arg2[%add3A_284, %dma_start3A_309] : memref<3136x512xi32, #tpu.memory_space<hbm>> -> memref<1x512xi32, #tpu.memory_space<hbm>>
        tpu.enqueue_dma source(%dma_start3A_310 : memref<1x512xi32, #tpu.memory_space<hbm>>) target(%dma_start3A_308 : memref<1x512xi32, #tpu.memory_space<vmem>>) target_semaphore(%arg12 : memref<!tpu.dma_semaphore, #tpu.memory_space<semaphore_mem>>)
        %add3A_311 = arith.addi %mul3A_4, %add3A_206 : i32
        %add3A_312 = arith.constant 3 : i32
        %add3A_313 = arith.addi %add3A_311, %add3A_312 : i32
        %add3A_314 = arith.constant 3 : i32
        %add3A_315 = arith.addi %add3A_206, %add3A_314 : i32
        %jit3A_316 = arith.constant 4 : i32
        %eq3A_317 = arith.constant 0 : i32
        %eq3A_318 = arith.cmpi eq, %jit3A_316, %eq3A_317 : i32
        %jit3A_319 = arith.constant 1 : i32
        %select_n3A_320 = arith.select %eq3A_318, %jit3A_319, %jit3A_316 : i32
        %rem3A_321 = arith.remsi %add3A_315, %select_n3A_320 : i32
        %ne3A_322 = arith.constant 0 : i32
        %ne3A_323 = arith.cmpi ne, %rem3A_321, %ne3A_322 : i32
        %lt3A_324 = arith.constant 0 : i32
        %lt3A_325 = arith.cmpi slt, %rem3A_321, %lt3A_324 : i32
        %lt3A_326 = arith.constant 0 : i32
        %lt3A_327 = arith.cmpi slt, %select_n3A_320, %lt3A_326 : i32
        %ne3A_328 = arith.xori %lt3A_325, %lt3A_327 : i1
        %and3A_329 = arith.andi %ne3A_328, %ne3A_323 : i1
        %add3A_330 = arith.addi %rem3A_321, %select_n3A_320 : i32
        %select_n3A_331 = arith.select %and3A_329, %add3A_330, %rem3A_321 : i32
        %dma_start3A_332 = arith.constant 0 : i32
        %dma_start3A_333 = tpu.memref_slice %arg10[%select_n3A_331, %dma_start3A_332] : memref<4x512xi32, #tpu.memory_space<vmem>> -> memref<1x512xi32, #tpu.memory_space<vmem>>
        %dma_start3A_334 = arith.constant 0 : i32
        %dma_start3A_335 = tpu.memref_slice %arg3[%add3A_313, %dma_start3A_334] : memref<3136x512xi32, #tpu.memory_space<hbm>> -> memref<1x512xi32, #tpu.memory_space<hbm>>
        %dma_start3A_336 = arith.constant 0 : i32
        %dma_start3A_337 = tpu.memref_slice %arg10[%select_n3A_331, %dma_start3A_336] : memref<4x512xi32, #tpu.memory_space<vmem>> -> memref<1x512xi32, #tpu.memory_space<vmem>>
        %dma_start3A_338 = arith.constant 0 : i32
        %dma_start3A_339 = tpu.memref_slice %arg3[%add3A_313, %dma_start3A_338] : memref<3136x512xi32, #tpu.memory_space<hbm>> -> memref<1x512xi32, #tpu.memory_space<hbm>>
        tpu.enqueue_dma source(%dma_start3A_339 : memref<1x512xi32, #tpu.memory_space<hbm>>) target(%dma_start3A_337 : memref<1x512xi32, #tpu.memory_space<vmem>>) target_semaphore(%arg12 : memref<!tpu.dma_semaphore, #tpu.memory_space<semaphore_mem>>)
      } else {
      }
      %add3A_237 = arith.constant 1 : i32
      %add3A_238 = arith.addi %add3A_206, %add3A_237 : i32
      %lt3A_239 = arith.constant 98 : i32
      %lt3A_240 = arith.cmpi slt, %add3A_238, %lt3A_239 : i32
      %convert_element_type3A_241 = arith.extui %lt3A_240 : i1 to i32
      %cond3A_242 = arith.constant 0 : i32
      %cond3A_243 = arith.cmpi ne, %convert_element_type3A_241, %cond3A_242 : i32
      scf.if %cond3A_243 {
        %dma_wait3A_282 = arith.constant 0 : i32
        %dma_wait3A_283 = tpu.memref_slice %arg9[%select_n3A_224, %dma_wait3A_282] : memref<4x512xi32, #tpu.memory_space<vmem>> -> memref<1x512xi32, #tpu.memory_space<vmem>>
        %dma_wait3A_284 = arith.constant 0 : i32
        %dma_wait3A_285 = tpu.memref_slice %arg2[%mul3A_4, %dma_wait3A_284] : memref<3136x512xi32, #tpu.memory_space<hbm>> -> memref<1x512xi32, #tpu.memory_space<hbm>>
        %dma_wait3A_286 = arith.constant 0 : i32
        %dma_wait3A_287 = tpu.memref_slice %arg9[%select_n3A_224, %dma_wait3A_286] : memref<4x512xi32, #tpu.memory_space<vmem>> -> memref<1x512xi32, #tpu.memory_space<vmem>>
        %dma_wait3A_288 = arith.constant 0 : i32
        %dma_wait3A_289 = tpu.memref_slice %arg2[%mul3A_4, %dma_wait3A_288] : memref<3136x512xi32, #tpu.memory_space<hbm>> -> memref<1x512xi32, #tpu.memory_space<hbm>>
        tpu.wait_dma2 semaphore(%arg12 : memref<!tpu.dma_semaphore, #tpu.memory_space<semaphore_mem>>) src(%dma_wait3A_289 : memref<1x512xi32, #tpu.memory_space<hbm>>) dst(%dma_wait3A_287 : memref<1x512xi32, #tpu.memory_space<vmem>>)
        %dma_wait3A_290 = arith.constant 0 : i32
        %dma_wait3A_291 = tpu.memref_slice %arg10[%select_n3A_224, %dma_wait3A_290] : memref<4x512xi32, #tpu.memory_space<vmem>> -> memref<1x512xi32, #tpu.memory_space<vmem>>
        %dma_wait3A_292 = arith.constant 0 : i32
        %dma_wait3A_293 = tpu.memref_slice %arg3[%mul3A_4, %dma_wait3A_292] : memref<3136x512xi32, #tpu.memory_space<hbm>> -> memref<1x512xi32, #tpu.memory_space<hbm>>
        %dma_wait3A_294 = arith.constant 0 : i32
        %dma_wait3A_295 = tpu.memref_slice %arg10[%select_n3A_224, %dma_wait3A_294] : memref<4x512xi32, #tpu.memory_space<vmem>> -> memref<1x512xi32, #tpu.memory_space<vmem>>
        %dma_wait3A_296 = arith.constant 0 : i32
        %dma_wait3A_297 = tpu.memref_slice %arg3[%mul3A_4, %dma_wait3A_296] : memref<3136x512xi32, #tpu.memory_space<hbm>> -> memref<1x512xi32, #tpu.memory_space<hbm>>
        tpu.wait_dma2 semaphore(%arg12 : memref<!tpu.dma_semaphore, #tpu.memory_space<semaphore_mem>>) src(%dma_wait3A_297 : memref<1x512xi32, #tpu.memory_space<hbm>>) dst(%dma_wait3A_295 : memref<1x512xi32, #tpu.memory_space<vmem>>)
        %dma_start3A_298 = arith.constant 0 : i32
        %dma_start3A_299 = arith.constant 0 : i32
        %dma_start3A_300 = arith.constant 0 : i32
        %dma_start3A_301 = tpu.memref_slice %arg11[%dma_start3A_298, %dma_start3A_299, %dma_start3A_300] : memref<2x512x16xf32, #tpu.memory_space<vmem>> -> memref<1x512x16xf32, #tpu.memory_space<vmem>>
        %dma_start3A_302 = tpu.memref_squeeze %dma_start3A_301 : memref<1x512x16xf32, #tpu.memory_space<vmem>> -> memref<512x16xf32, #tpu.memory_space<vmem>>
        %dma_start3A_303 = arith.constant 0 : i32
        %dma_start3A_304 = tpu.memref_slice %arg9[%select_n3A_224, %dma_start3A_303] : memref<4x512xi32, #tpu.memory_space<vmem>> -> memref<1x512xi32, #tpu.memory_space<vmem>>
        %dma_start3A_305 = tpu.memref_squeeze %dma_start3A_304 : memref<1x512xi32, #tpu.memory_space<vmem>> -> memref<512xi32, #tpu.memory_space<vmem>>
        %dma_start3A_306 = arith.constant 0 : i32
        %dma_start3A_307 = arith.constant 0 : i32
        %dma_start3A_308 = tpu.memref_slice %arg4[%dma_start3A_306, %dma_start3A_307] : memref<100352x16xf32, #tpu.memory_space<hbm>> -> memref<100352x16xf32, #tpu.memory_space<hbm>>
        tpu.enqueue_indirect_dma source(%dma_start3A_308 : memref<100352x16xf32, #tpu.memory_space<hbm>>) target(%dma_start3A_302 : memref<512x16xf32, #tpu.memory_space<vmem>>) offsets(%dma_start3A_305 : memref<512xi32, #tpu.memory_space<vmem>>) semaphore(%arg13 : memref<!tpu.dma_semaphore, #tpu.memory_space<semaphore_mem>>)
      } else {
      }
      %jit3A_244 = arith.constant 4 : i32
      %eq3A_245 = arith.constant 0 : i32
      %eq3A_246 = arith.cmpi eq, %jit3A_244, %eq3A_245 : i32
      %jit3A_247 = arith.constant 1 : i32
      %select_n3A_248 = arith.select %eq3A_246, %jit3A_247, %jit3A_244 : i32
      %rem3A_249 = arith.remsi %add3A_206, %select_n3A_248 : i32
      %ne3A_250 = arith.constant 0 : i32
      %ne3A_251 = arith.cmpi ne, %rem3A_249, %ne3A_250 : i32
      %lt3A_252 = arith.constant 0 : i32
      %lt3A_253 = arith.cmpi slt, %rem3A_249, %lt3A_252 : i32
      %lt3A_254 = arith.constant 0 : i32
      %lt3A_255 = arith.cmpi slt, %select_n3A_248, %lt3A_254 : i32
      %ne3A_256 = arith.xori %lt3A_253, %lt3A_255 : i1
      %and3A_257 = arith.andi %ne3A_256, %ne3A_251 : i1
      %add3A_258 = arith.addi %rem3A_249, %select_n3A_248 : i32
      %select_n3A_259 = arith.select %and3A_257, %add3A_258, %rem3A_249 : i32
      %dma_wait3A_260 = arith.constant 1 : i32
      %dma_wait3A_261 = arith.constant 0 : i32
      %dma_wait3A_262 = arith.constant 0 : i32
      %dma_wait3A_263 = tpu.memref_slice %arg11[%dma_wait3A_260, %dma_wait3A_261, %dma_wait3A_262] : memref<2x512x16xf32, #tpu.memory_space<vmem>> -> memref<1x512x16xf32, #tpu.memory_space<vmem>>
      %dma_wait3A_264 = tpu.memref_squeeze %dma_wait3A_263 : memref<1x512x16xf32, #tpu.memory_space<vmem>> -> memref<512x16xf32, #tpu.memory_space<vmem>>
      %dma_wait3A_265 = arith.constant 0 : i32
      %dma_wait3A_266 = tpu.memref_slice %arg9[%select_n3A_259, %dma_wait3A_265] : memref<4x512xi32, #tpu.memory_space<vmem>> -> memref<1x512xi32, #tpu.memory_space<vmem>>
      %dma_wait3A_267 = tpu.memref_squeeze %dma_wait3A_266 : memref<1x512xi32, #tpu.memory_space<vmem>> -> memref<512xi32, #tpu.memory_space<vmem>>
      %dma_wait3A_268 = arith.constant 0 : i32
      %dma_wait3A_269 = arith.constant 0 : i32
      %dma_wait3A_270 = tpu.memref_slice %arg4[%dma_wait3A_268, %dma_wait3A_269] : memref<100352x16xf32, #tpu.memory_space<hbm>> -> memref<100352x16xf32, #tpu.memory_space<hbm>>
      tpu.wait_indirect_dma semaphore(%arg14 : memref<!tpu.dma_semaphore, #tpu.memory_space<semaphore_mem>>) src(%dma_wait3A_270 : memref<100352x16xf32, #tpu.memory_space<hbm>>) dst(%dma_wait3A_264 : memref<512x16xf32, #tpu.memory_space<vmem>>)
      %dma_start3A_271 = arith.constant 1 : i32
      %dma_start3A_272 = arith.constant 0 : i32
      %dma_start3A_273 = arith.constant 0 : i32
      %dma_start3A_274 = tpu.memref_slice %arg11[%dma_start3A_271, %dma_start3A_272, %dma_start3A_273] : memref<2x512x16xf32, #tpu.memory_space<vmem>> -> memref<1x512x16xf32, #tpu.memory_space<vmem>>
      %dma_start3A_275 = tpu.memref_squeeze %dma_start3A_274 : memref<1x512x16xf32, #tpu.memory_space<vmem>> -> memref<512x16xf32, #tpu.memory_space<vmem>>
      %dma_start3A_276 = arith.constant 0 : i32
      %dma_start3A_277 = tpu.memref_slice %arg10[%select_n3A_259, %dma_start3A_276] : memref<4x512xi32, #tpu.memory_space<vmem>> -> memref<1x512xi32, #tpu.memory_space<vmem>>
      %dma_start3A_278 = tpu.memref_squeeze %dma_start3A_277 : memref<1x512xi32, #tpu.memory_space<vmem>> -> memref<512xi32, #tpu.memory_space<vmem>>
      %dma_start3A_279 = arith.constant 0 : i32
      %dma_start3A_280 = arith.constant 0 : i32
      %dma_start3A_281 = tpu.memref_slice %arg8[%dma_start3A_279, %dma_start3A_280] : memref<100352x16xf32, #tpu.memory_space<vmem_shared>> -> memref<100352x16xf32, #tpu.memory_space<vmem_shared>>
      tpu.enqueue_indirect_dma source(%dma_start3A_275 : memref<512x16xf32, #tpu.memory_space<vmem>>) target(%dma_start3A_281 : memref<100352x16xf32, #tpu.memory_space<vmem_shared>>) offsets(%dma_start3A_278 : memref<512xi32, #tpu.memory_space<vmem>>) semaphore(%arg16 : memref<!tpu.dma_semaphore, #tpu.memory_space<semaphore_mem>>) {add = true}
    }
    %scan3A_111 = arith.constant 49 : i32
    %dma_wait3A_112 = arith.constant 1 : i32
    %dma_wait3A_113 = arith.constant 1 : i32
    %dma_wait3A_114 = arith.constant 0 : i32
    %dma_wait3A_115 = arith.constant 0 : i32
    %dma_wait3A_116 = tpu.memref_slice %arg11[%dma_wait3A_112, %dma_wait3A_114, %dma_wait3A_115] : memref<2x512x16xf32, #tpu.memory_space<vmem>> -> memref<1x512x16xf32, #tpu.memory_space<vmem>>
    %dma_wait3A_117 = tpu.memref_squeeze %dma_wait3A_116 : memref<1x512x16xf32, #tpu.memory_space<vmem>> -> memref<512x16xf32, #tpu.memory_space<vmem>>
    %dma_wait3A_118 = arith.constant 0 : i32
    %dma_wait3A_119 = tpu.memref_slice %arg10[%dma_wait3A_113, %dma_wait3A_118] : memref<4x512xi32, #tpu.memory_space<vmem>> -> memref<1x512xi32, #tpu.memory_space<vmem>>
    %dma_wait3A_120 = tpu.memref_squeeze %dma_wait3A_119 : memref<1x512xi32, #tpu.memory_space<vmem>> -> memref<512xi32, #tpu.memory_space<vmem>>
    %dma_wait3A_121 = arith.constant 0 : i32
    %dma_wait3A_122 = arith.constant 0 : i32
    %dma_wait3A_123 = tpu.memref_slice %arg8[%dma_wait3A_121, %dma_wait3A_122] : memref<100352x16xf32, #tpu.memory_space<vmem_shared>> -> memref<100352x16xf32, #tpu.memory_space<vmem_shared>>
    tpu.wait_indirect_dma semaphore(%arg16 : memref<!tpu.dma_semaphore, #tpu.memory_space<semaphore_mem>>) src(%dma_wait3A_117 : memref<512x16xf32, #tpu.memory_space<vmem>>) dst(%dma_wait3A_123 : memref<100352x16xf32, #tpu.memory_space<vmem_shared>>)
    %barrier3A_124 = arith.constant 0 : index
    tpu.barrier barrier_id(%barrier3A_124)
    %eq3A = arith.constant 0 : i32
    %eq3A_125 = arith.cmpi eq, %arg0, %eq3A : i32
    %convert_element_type3A = arith.extui %eq3A_125 : i1 to i32
    %cond3A = arith.constant 0 : i32
    %cond3A_126 = arith.cmpi ne, %convert_element_type3A, %cond3A : i32
    scf.if %cond3A_126 {
      "tpu.region"() ({
        %run_scoped3A = tpu.sem_alloc : memref<!tpu.dma_semaphore, #tpu.memory_space<semaphore_mem>>
        %dma_start3A_132 = arith.constant 0 : i32
        %dma_start3A_133 = tpu.memref_slice %arg6[%mul3A_0, %dma_start3A_132] : memref<100352x16xf32, #tpu.memory_space<hbm>> -> memref<6272x16xf32, #tpu.memory_space<hbm>>
        %dma_start3A_134 = arith.constant 0 : i32
        %dma_start3A_135 = tpu.memref_slice %arg8[%mul3A_0, %dma_start3A_134] : memref<100352x16xf32, #tpu.memory_space<vmem_shared>> -> memref<6272x16xf32, #tpu.memory_space<vmem_shared>>
        tpu.enqueue_dma source(%dma_start3A_135 : memref<6272x16xf32, #tpu.memory_space<vmem_shared>>) target(%dma_start3A_133 : memref<6272x16xf32, #tpu.memory_space<hbm>>) target_semaphore(%run_scoped3A : memref<!tpu.dma_semaphore, #tpu.memory_space<semaphore_mem>>)
        %dma_wait3A_136 = arith.constant 0 : i32
        %dma_wait3A_137 = tpu.memref_slice %arg6[%mul3A_0, %dma_wait3A_136] : memref<100352x16xf32, #tpu.memory_space<hbm>> -> memref<6272x16xf32, #tpu.memory_space<hbm>>
        %dma_wait3A_138 = arith.constant 0 : i32
        %dma_wait3A_139 = tpu.memref_slice %arg8[%mul3A_0, %dma_wait3A_138] : memref<100352x16xf32, #tpu.memory_space<vmem_shared>> -> memref<6272x16xf32, #tpu.memory_space<vmem_shared>>
        tpu.wait_dma2 semaphore(%run_scoped3A : memref<!tpu.dma_semaphore, #tpu.memory_space<semaphore_mem>>) src(%dma_wait3A_139 : memref<6272x16xf32, #tpu.memory_space<vmem_shared>>) dst(%dma_wait3A_137 : memref<6272x16xf32, #tpu.memory_space<hbm>>)
        tpu.yield
      }) : () -> ()
    } else {
    }
    %eq3A_127 = arith.constant 1 : i32
    %eq3A_128 = arith.cmpi eq, %arg0, %eq3A_127 : i32
    %convert_element_type3A_129 = arith.extui %eq3A_128 : i1 to i32
    %cond3A_130 = arith.constant 0 : i32
    %cond3A_131 = arith.cmpi ne, %convert_element_type3A_129, %cond3A_130 : i32
    scf.if %cond3A_131 {
      "tpu.region"() ({
        %run_scoped3A = tpu.sem_alloc : memref<!tpu.dma_semaphore, #tpu.memory_space<semaphore_mem>>
        %dma_start3A_132 = arith.constant 0 : i32
        %dma_start3A_133 = tpu.memref_slice %arg7[%mul3A_0, %dma_start3A_132] : memref<100352x16xf32, #tpu.memory_space<hbm>> -> memref<6272x16xf32, #tpu.memory_space<hbm>>
        %dma_start3A_134 = arith.constant 0 : i32
        %dma_start3A_135 = tpu.memref_slice %arg8[%mul3A_0, %dma_start3A_134] : memref<100352x16xf32, #tpu.memory_space<vmem_shared>> -> memref<6272x16xf32, #tpu.memory_space<vmem_shared>>
        tpu.enqueue_dma source(%dma_start3A_135 : memref<6272x16xf32, #tpu.memory_space<vmem_shared>>) target(%dma_start3A_133 : memref<6272x16xf32, #tpu.memory_space<hbm>>) target_semaphore(%run_scoped3A : memref<!tpu.dma_semaphore, #tpu.memory_space<semaphore_mem>>)
        %dma_wait3A_136 = arith.constant 0 : i32
        %dma_wait3A_137 = tpu.memref_slice %arg7[%mul3A_0, %dma_wait3A_136] : memref<100352x16xf32, #tpu.memory_space<hbm>> -> memref<6272x16xf32, #tpu.memory_space<hbm>>
        %dma_wait3A_138 = arith.constant 0 : i32
        %dma_wait3A_139 = tpu.memref_slice %arg8[%mul3A_0, %dma_wait3A_138] : memref<100352x16xf32, #tpu.memory_space<vmem_shared>> -> memref<6272x16xf32, #tpu.memory_space<vmem_shared>>
        tpu.wait_dma2 semaphore(%run_scoped3A : memref<!tpu.dma_semaphore, #tpu.memory_space<semaphore_mem>>) src(%dma_wait3A_139 : memref<6272x16xf32, #tpu.memory_space<vmem_shared>>) dst(%dma_wait3A_137 : memref<6272x16xf32, #tpu.memory_space<hbm>>)
        tpu.yield
      }) : () -> ()
    } else {
    }
    return
  }
}

#map = affine_map<(d0, d1) -> (0, 0)>
#map1 = affine_map<(d0, d1) -> (0)>
module attributes {stable_mosaic.version = 14 : i64} {
  func.func @_deg_body(%arg0: i32, %arg1: i32, %arg2: memref<3136x512xi32, #tpu.memory_space<hbm>>, %arg3: memref<6272xf32, #tpu.memory_space<hbm>>, %arg4: memref<512xf32, #tpu.memory_space<hbm>>, %arg5: memref<100352xf32, #tpu.memory_space<hbm>>, %arg6: memref<100352xf32, #tpu.memory_space<hbm>>, %arg7: memref<100352xf32, #tpu.memory_space<vmem_shared>>, %arg8: memref<98x512xi32, #tpu.memory_space<vmem>>, %arg9: memref<512xf32, #tpu.memory_space<vmem>>, %arg10: memref<!tpu.dma_semaphore, #tpu.memory_space<semaphore_mem>>) attributes {dimension_semantics = [#tpu.dimension_semantics<core_parallel>, #tpu.dimension_semantics<subcore_parallel>], iteration_bounds = array<i64: 2, 16>, scalar_prefetch = 0 : i64, scratch_operands = 4 : i64, tpu.core_type = #tpu.core_type<sc_vector_subcore>, window_params = [{transform_indices = #map}, {transform_indices = #map1}, {transform_indices = #map1}, {transform_indices = #map1}, {transform_indices = #map1}]} {
    %mul3A = arith.constant 6272 : i32
    %mul3A_0 = arith.muli %arg1, %mul3A : i32
    "tpu.region"() ({
      %run_scoped3A = tpu.sem_alloc : memref<!tpu.dma_semaphore, #tpu.memory_space<semaphore_mem>>
      %dma_start3A = tpu.memref_slice %arg7[%mul3A_0] : memref<100352xf32, #tpu.memory_space<vmem_shared>> -> memref<6272xf32, #tpu.memory_space<vmem_shared>>
      tpu.enqueue_dma source(%arg3 : memref<6272xf32, #tpu.memory_space<hbm>>) target(%dma_start3A : memref<6272xf32, #tpu.memory_space<vmem_shared>>) target_semaphore(%run_scoped3A : memref<!tpu.dma_semaphore, #tpu.memory_space<semaphore_mem>>)
      %dma_wait3A_23 = tpu.memref_slice %arg7[%mul3A_0] : memref<100352xf32, #tpu.memory_space<vmem_shared>> -> memref<6272xf32, #tpu.memory_space<vmem_shared>>
      tpu.wait_dma2 semaphore(%run_scoped3A : memref<!tpu.dma_semaphore, #tpu.memory_space<semaphore_mem>>) src(%arg3 : memref<6272xf32, #tpu.memory_space<hbm>>) dst(%dma_wait3A_23 : memref<6272xf32, #tpu.memory_space<vmem_shared>>)
      tpu.yield
    }) : () -> ()
    "tpu.region"() ({
      %run_scoped3A = tpu.sem_alloc : memref<!tpu.dma_semaphore, #tpu.memory_space<semaphore_mem>>
      tpu.enqueue_dma source(%arg4 : memref<512xf32, #tpu.memory_space<hbm>>) target(%arg9 : memref<512xf32, #tpu.memory_space<vmem>>) target_semaphore(%run_scoped3A : memref<!tpu.dma_semaphore, #tpu.memory_space<semaphore_mem>>)
      tpu.wait_dma2 semaphore(%run_scoped3A : memref<!tpu.dma_semaphore, #tpu.memory_space<semaphore_mem>>) src(%arg4 : memref<512xf32, #tpu.memory_space<hbm>>) dst(%arg9 : memref<512xf32, #tpu.memory_space<vmem>>)
      tpu.yield
    }) : () -> ()
    %barrier3A = arith.constant 0 : index
    tpu.barrier barrier_id(%barrier3A)
    %mul3A_1 = arith.constant 16 : i32
    %mul3A_2 = arith.muli %arg0, %mul3A_1 : i32
    %add3A = arith.addi %mul3A_2, %arg1 : i32
    %mul3A_3 = arith.constant 98 : i32
    %mul3A_4 = arith.muli %add3A, %mul3A_3 : i32
    "tpu.region"() ({
      %run_scoped3A = tpu.sem_alloc : memref<!tpu.dma_semaphore, #tpu.memory_space<semaphore_mem>>
      %dma_start3A = arith.constant 0 : i32
      %dma_start3A_23 = tpu.memref_slice %arg2[%mul3A_4, %dma_start3A] : memref<3136x512xi32, #tpu.memory_space<hbm>> -> memref<98x512xi32, #tpu.memory_space<hbm>>
      %dma_start3A_24 = arith.constant 0 : i32
      %dma_start3A_25 = tpu.memref_slice %arg2[%mul3A_4, %dma_start3A_24] : memref<3136x512xi32, #tpu.memory_space<hbm>> -> memref<98x512xi32, #tpu.memory_space<hbm>>
      tpu.enqueue_dma source(%dma_start3A_25 : memref<98x512xi32, #tpu.memory_space<hbm>>) target(%arg8 : memref<98x512xi32, #tpu.memory_space<vmem>>) target_semaphore(%run_scoped3A : memref<!tpu.dma_semaphore, #tpu.memory_space<semaphore_mem>>)
      %dma_wait3A_26 = arith.constant 0 : i32
      %dma_wait3A_27 = tpu.memref_slice %arg2[%mul3A_4, %dma_wait3A_26] : memref<3136x512xi32, #tpu.memory_space<hbm>> -> memref<98x512xi32, #tpu.memory_space<hbm>>
      %dma_wait3A_28 = arith.constant 0 : i32
      %dma_wait3A_29 = tpu.memref_slice %arg2[%mul3A_4, %dma_wait3A_28] : memref<3136x512xi32, #tpu.memory_space<hbm>> -> memref<98x512xi32, #tpu.memory_space<hbm>>
      tpu.wait_dma2 semaphore(%run_scoped3A : memref<!tpu.dma_semaphore, #tpu.memory_space<semaphore_mem>>) src(%dma_wait3A_29 : memref<98x512xi32, #tpu.memory_space<hbm>>) dst(%arg8 : memref<98x512xi32, #tpu.memory_space<vmem>>)
      tpu.yield
    }) : () -> ()
    %scan3A = arith.constant 0 : i32
    %scan3A_5 = arith.constant 0 : i32
    %scan3A_6 = arith.constant 98 : i32
    %scan3A_7 = arith.addi %scan3A_5, %scan3A_6 : i32
    %scan3A_8 = arith.constant 1 : i32
    scf.for %scan3A_23 = %scan3A_5 to %scan3A_7 step %scan3A_8  : i32 {
      %dma_start3A = arith.constant 0 : i32
      %dma_start3A_24 = tpu.memref_slice %arg8[%scan3A_23, %dma_start3A] : memref<98x512xi32, #tpu.memory_space<vmem>> -> memref<1x512xi32, #tpu.memory_space<vmem>>
      %dma_start3A_25 = tpu.memref_squeeze %dma_start3A_24 : memref<1x512xi32, #tpu.memory_space<vmem>> -> memref<512xi32, #tpu.memory_space<vmem>>
      %dma_start3A_26 = arith.constant 0 : i32
      %dma_start3A_27 = tpu.memref_slice %arg7[%dma_start3A_26] : memref<100352xf32, #tpu.memory_space<vmem_shared>> -> memref<100352xf32, #tpu.memory_space<vmem_shared>>
      tpu.enqueue_indirect_dma source(%arg9 : memref<512xf32, #tpu.memory_space<vmem>>) target(%dma_start3A_27 : memref<100352xf32, #tpu.memory_space<vmem_shared>>) offsets(%dma_start3A_25 : memref<512xi32, #tpu.memory_space<vmem>>) semaphore(%arg10 : memref<!tpu.dma_semaphore, #tpu.memory_space<semaphore_mem>>) {add = true}
      %gt3A = arith.constant 0 : i32
      %gt3A_28 = arith.cmpi sgt, %scan3A_23, %gt3A : i32
      %convert_element_type3A_29 = arith.extui %gt3A_28 : i1 to i32
      %cond3A_30 = arith.constant 0 : i32
      %cond3A_31 = arith.cmpi ne, %convert_element_type3A_29, %cond3A_30 : i32
      scf.if %cond3A_31 {
        %sub3A = arith.constant 1 : i32
        %sub3A_32 = arith.subi %scan3A_23, %sub3A : i32
        %dma_wait3A_33 = arith.constant 0 : i32
        %dma_wait3A_34 = tpu.memref_slice %arg8[%sub3A_32, %dma_wait3A_33] : memref<98x512xi32, #tpu.memory_space<vmem>> -> memref<1x512xi32, #tpu.memory_space<vmem>>
        %dma_wait3A_35 = tpu.memref_squeeze %dma_wait3A_34 : memref<1x512xi32, #tpu.memory_space<vmem>> -> memref<512xi32, #tpu.memory_space<vmem>>
        %dma_wait3A_36 = arith.constant 0 : i32
        %dma_wait3A_37 = tpu.memref_slice %arg7[%dma_wait3A_36] : memref<100352xf32, #tpu.memory_space<vmem_shared>> -> memref<100352xf32, #tpu.memory_space<vmem_shared>>
        tpu.wait_indirect_dma semaphore(%arg10 : memref<!tpu.dma_semaphore, #tpu.memory_space<semaphore_mem>>) src(%arg9 : memref<512xf32, #tpu.memory_space<vmem>>) dst(%dma_wait3A_37 : memref<100352xf32, #tpu.memory_space<vmem_shared>>)
      } else {
      }
    }
    %scan3A_9 = arith.constant 98 : i32
    %dma_wait3A = arith.constant 97 : i32
    %dma_wait3A_10 = arith.constant 0 : i32
    %dma_wait3A_11 = tpu.memref_slice %arg8[%dma_wait3A, %dma_wait3A_10] : memref<98x512xi32, #tpu.memory_space<vmem>> -> memref<1x512xi32, #tpu.memory_space<vmem>>
    %dma_wait3A_12 = tpu.memref_squeeze %dma_wait3A_11 : memref<1x512xi32, #tpu.memory_space<vmem>> -> memref<512xi32, #tpu.memory_space<vmem>>
    %dma_wait3A_13 = arith.constant 0 : i32
    %dma_wait3A_14 = tpu.memref_slice %arg7[%dma_wait3A_13] : memref<100352xf32, #tpu.memory_space<vmem_shared>> -> memref<100352xf32, #tpu.memory_space<vmem_shared>>
    tpu.wait_indirect_dma semaphore(%arg10 : memref<!tpu.dma_semaphore, #tpu.memory_space<semaphore_mem>>) src(%arg9 : memref<512xf32, #tpu.memory_space<vmem>>) dst(%dma_wait3A_14 : memref<100352xf32, #tpu.memory_space<vmem_shared>>)
    %barrier3A_15 = arith.constant 0 : index
    tpu.barrier barrier_id(%barrier3A_15)
    %eq3A = arith.constant 0 : i32
    %eq3A_16 = arith.cmpi eq, %arg0, %eq3A : i32
    %convert_element_type3A = arith.extui %eq3A_16 : i1 to i32
    %cond3A = arith.constant 0 : i32
    %cond3A_17 = arith.cmpi ne, %convert_element_type3A, %cond3A : i32
    scf.if %cond3A_17 {
      "tpu.region"() ({
        %run_scoped3A = tpu.sem_alloc : memref<!tpu.dma_semaphore, #tpu.memory_space<semaphore_mem>>
        %dma_start3A = tpu.memref_slice %arg5[%mul3A_0] : memref<100352xf32, #tpu.memory_space<hbm>> -> memref<6272xf32, #tpu.memory_space<hbm>>
        %dma_start3A_23 = tpu.memref_slice %arg7[%mul3A_0] : memref<100352xf32, #tpu.memory_space<vmem_shared>> -> memref<6272xf32, #tpu.memory_space<vmem_shared>>
        tpu.enqueue_dma source(%dma_start3A_23 : memref<6272xf32, #tpu.memory_space<vmem_shared>>) target(%dma_start3A : memref<6272xf32, #tpu.memory_space<hbm>>) target_semaphore(%run_scoped3A : memref<!tpu.dma_semaphore, #tpu.memory_space<semaphore_mem>>)
        %dma_wait3A_24 = tpu.memref_slice %arg5[%mul3A_0] : memref<100352xf32, #tpu.memory_space<hbm>> -> memref<6272xf32, #tpu.memory_space<hbm>>
        %dma_wait3A_25 = tpu.memref_slice %arg7[%mul3A_0] : memref<100352xf32, #tpu.memory_space<vmem_shared>> -> memref<6272xf32, #tpu.memory_space<vmem_shared>>
        tpu.wait_dma2 semaphore(%run_scoped3A : memref<!tpu.dma_semaphore, #tpu.memory_space<semaphore_mem>>) src(%dma_wait3A_25 : memref<6272xf32, #tpu.memory_space<vmem_shared>>) dst(%dma_wait3A_24 : memref<6272xf32, #tpu.memory_space<hbm>>)
        tpu.yield
      }) : () -> ()
    } else {
    }
    %eq3A_18 = arith.constant 1 : i32
    %eq3A_19 = arith.cmpi eq, %arg0, %eq3A_18 : i32
    %convert_element_type3A_20 = arith.extui %eq3A_19 : i1 to i32
    %cond3A_21 = arith.constant 0 : i32
    %cond3A_22 = arith.cmpi ne, %convert_element_type3A_20, %cond3A_21 : i32
    scf.if %cond3A_22 {
      "tpu.region"() ({
        %run_scoped3A = tpu.sem_alloc : memref<!tpu.dma_semaphore, #tpu.memory_space<semaphore_mem>>
        %dma_start3A = tpu.memref_slice %arg6[%mul3A_0] : memref<100352xf32, #tpu.memory_space<hbm>> -> memref<6272xf32, #tpu.memory_space<hbm>>
        %dma_start3A_23 = tpu.memref_slice %arg7[%mul3A_0] : memref<100352xf32, #tpu.memory_space<vmem_shared>> -> memref<6272xf32, #tpu.memory_space<vmem_shared>>
        tpu.enqueue_dma source(%dma_start3A_23 : memref<6272xf32, #tpu.memory_space<vmem_shared>>) target(%dma_start3A : memref<6272xf32, #tpu.memory_space<hbm>>) target_semaphore(%run_scoped3A : memref<!tpu.dma_semaphore, #tpu.memory_space<semaphore_mem>>)
        %dma_wait3A_24 = tpu.memref_slice %arg6[%mul3A_0] : memref<100352xf32, #tpu.memory_space<hbm>> -> memref<6272xf32, #tpu.memory_space<hbm>>
        %dma_wait3A_25 = tpu.memref_slice %arg7[%mul3A_0] : memref<100352xf32, #tpu.memory_space<vmem_shared>> -> memref<6272xf32, #tpu.memory_space<vmem_shared>>
        tpu.wait_dma2 semaphore(%run_scoped3A : memref<!tpu.dma_semaphore, #tpu.memory_space<semaphore_mem>>) src(%dma_wait3A_25 : memref<6272xf32, #tpu.memory_space<vmem_shared>>) dst(%dma_wait3A_24 : memref<6272xf32, #tpu.memory_space<hbm>>)
        tpu.yield
      }) : () -> ()
    } else {
    }
    return
  }
}

#map = affine_map<(d0, d1) -> (0)>
#map1 = affine_map<(d0, d1) -> (0, 0)>
module attributes {stable_mosaic.version = 14 : i64} {
  func.func @_dinv_body(%arg0: i32, %arg1: i32, %arg2: memref<100352xf32, #tpu.memory_space<hbm>>, %arg3: memref<100352xf32, #tpu.memory_space<hbm>>, %arg4: memref<12544x128xf32, #tpu.memory_space<hbm>>, %arg5: memref<3136xf32, #tpu.memory_space<vmem>>, %arg6: memref<3136xf32, #tpu.memory_space<vmem>>, %arg7: memref<3136xf32, #tpu.memory_space<vmem>>, %arg8: memref<392x128xf32, #tpu.memory_space<vmem>>) attributes {dimension_semantics = [#tpu.dimension_semantics<core_parallel>, #tpu.dimension_semantics<subcore_parallel>], iteration_bounds = array<i64: 2, 16>, scalar_prefetch = 0 : i64, scratch_operands = 4 : i64, tpu.core_type = #tpu.core_type<sc_vector_subcore>, window_params = [{transform_indices = #map}, {transform_indices = #map}, {transform_indices = #map1}]} {
    %mul3A = arith.constant 16 : i32
    %mul3A_0 = arith.muli %arg0, %mul3A : i32
    %add3A = arith.addi %mul3A_0, %arg1 : i32
    %mul3A_1 = arith.constant 3136 : i32
    %mul3A_2 = arith.muli %add3A, %mul3A_1 : i32
    "tpu.region"() ({
      %run_scoped3A = tpu.sem_alloc : memref<!tpu.dma_semaphore, #tpu.memory_space<semaphore_mem>>
      %dma_start3A = tpu.memref_slice %arg2[%mul3A_2] : memref<100352xf32, #tpu.memory_space<hbm>> -> memref<3136xf32, #tpu.memory_space<hbm>>
      %dma_start3A_16 = tpu.memref_slice %arg2[%mul3A_2] : memref<100352xf32, #tpu.memory_space<hbm>> -> memref<3136xf32, #tpu.memory_space<hbm>>
      tpu.enqueue_dma source(%dma_start3A_16 : memref<3136xf32, #tpu.memory_space<hbm>>) target(%arg5 : memref<3136xf32, #tpu.memory_space<vmem>>) target_semaphore(%run_scoped3A : memref<!tpu.dma_semaphore, #tpu.memory_space<semaphore_mem>>)
      %dma_wait3A = tpu.memref_slice %arg2[%mul3A_2] : memref<100352xf32, #tpu.memory_space<hbm>> -> memref<3136xf32, #tpu.memory_space<hbm>>
      %dma_wait3A_17 = tpu.memref_slice %arg2[%mul3A_2] : memref<100352xf32, #tpu.memory_space<hbm>> -> memref<3136xf32, #tpu.memory_space<hbm>>
      tpu.wait_dma2 semaphore(%run_scoped3A : memref<!tpu.dma_semaphore, #tpu.memory_space<semaphore_mem>>) src(%dma_wait3A_17 : memref<3136xf32, #tpu.memory_space<hbm>>) dst(%arg5 : memref<3136xf32, #tpu.memory_space<vmem>>)
      tpu.yield
    }) : () -> ()
    "tpu.region"() ({
      %run_scoped3A = tpu.sem_alloc : memref<!tpu.dma_semaphore, #tpu.memory_space<semaphore_mem>>
      %dma_start3A = tpu.memref_slice %arg3[%mul3A_2] : memref<100352xf32, #tpu.memory_space<hbm>> -> memref<3136xf32, #tpu.memory_space<hbm>>
      %dma_start3A_16 = tpu.memref_slice %arg3[%mul3A_2] : memref<100352xf32, #tpu.memory_space<hbm>> -> memref<3136xf32, #tpu.memory_space<hbm>>
      tpu.enqueue_dma source(%dma_start3A_16 : memref<3136xf32, #tpu.memory_space<hbm>>) target(%arg6 : memref<3136xf32, #tpu.memory_space<vmem>>) target_semaphore(%run_scoped3A : memref<!tpu.dma_semaphore, #tpu.memory_space<semaphore_mem>>)
      %dma_wait3A = tpu.memref_slice %arg3[%mul3A_2] : memref<100352xf32, #tpu.memory_space<hbm>> -> memref<3136xf32, #tpu.memory_space<hbm>>
      %dma_wait3A_17 = tpu.memref_slice %arg3[%mul3A_2] : memref<100352xf32, #tpu.memory_space<hbm>> -> memref<3136xf32, #tpu.memory_space<hbm>>
      tpu.wait_dma2 semaphore(%run_scoped3A : memref<!tpu.dma_semaphore, #tpu.memory_space<semaphore_mem>>) src(%dma_wait3A_17 : memref<3136xf32, #tpu.memory_space<hbm>>) dst(%arg6 : memref<3136xf32, #tpu.memory_space<vmem>>)
      tpu.yield
    }) : () -> ()
    %scan3A = arith.constant 0 : i32
    %scan3A_3 = arith.constant 0 : i32
    %scan3A_4 = arith.constant 196 : i32
    %scan3A_5 = arith.addi %scan3A_3, %scan3A_4 : i32
    %scan3A_6 = arith.constant 1 : i32
    scf.for %scan3A_16 = %scan3A_3 to %scan3A_5 step %scan3A_6  : i32 {
      %mul3A_17 = arith.constant 16 : i32
      %mul3A_18 = arith.muli %scan3A_16, %mul3A_17 : i32
      %get3A = arith.index_cast %mul3A_18 : i32 to index
      %get3A_19 = tpu.vector_load %arg5[%get3A] {strides = array<i32>} : memref<3136xf32, #tpu.memory_space<vmem>>, vector<16xf32>,
      %get3A_20 = vector.shape_cast %get3A_19 : vector<16xf32> to vector<16xf32>
      %mul3A_21 = arith.constant 16 : i32
      %mul3A_22 = arith.muli %scan3A_16, %mul3A_21 : i32
      %get3A_23 = arith.index_cast %mul3A_22 : i32 to index
      %get3A_24 = tpu.vector_load %arg6[%get3A_23] {strides = array<i32>} : memref<3136xf32, #tpu.memory_space<vmem>>, vector<16xf32>,
      %get3A_25 = vector.shape_cast %get3A_24 : vector<16xf32> to vector<16xf32>
      %add3A_26 = arith.addf %get3A_20, %get3A_25 : vector<16xf32>
      %add3A_27 = arith.constant 1.000000e+00 : f32
      %add3A_28 = vector.broadcast %add3A_27 : f32 to vector<16xf32>
      %add3A_29 = arith.addf %add3A_26, %add3A_28 : vector<16xf32>
      %bitcast_convert_type3A = tpu.bitcast %add3A_29 : vector<16xf32> -> vector<16xi32>
      %shift_right_logical3A = arith.constant 1 : i32
      %shift_right_logical3A_30 = vector.broadcast %shift_right_logical3A : i32 to vector<16xi32>
      %shift_right_logical3A_31 = arith.shrui %bitcast_convert_type3A, %shift_right_logical3A_30 : vector<16xi32>
      %sub3A = arith.constant 1597463007 : i32
      %sub3A_32 = vector.broadcast %sub3A : i32 to vector<16xi32>
      %sub3A_33 = arith.subi %sub3A_32, %shift_right_logical3A_31 : vector<16xi32>
      %bitcast_convert_type3A_34 = tpu.bitcast %sub3A_33 : vector<16xi32> -> vector<16xf32>
      %mul3A_35 = arith.constant 5.000000e-01 : f32
      %mul3A_36 = vector.broadcast %mul3A_35 : f32 to vector<16xf32>
      %mul3A_37 = arith.mulf %mul3A_36, %add3A_29 : vector<16xf32>
      %mul3A_38 = arith.mulf %mul3A_37, %bitcast_convert_type3A_34 : vector<16xf32>
      %mul3A_39 = arith.mulf %mul3A_38, %bitcast_convert_type3A_34 : vector<16xf32>
      %sub3A_40 = arith.constant 1.500000e+00 : f32
      %sub3A_41 = vector.broadcast %sub3A_40 : f32 to vector<16xf32>
      %sub3A_42 = arith.subf %sub3A_41, %mul3A_39 : vector<16xf32>
      %mul3A_43 = arith.mulf %bitcast_convert_type3A_34, %sub3A_42 : vector<16xf32>
      %mul3A_44 = arith.constant 5.000000e-01 : f32
      %mul3A_45 = vector.broadcast %mul3A_44 : f32 to vector<16xf32>
      %mul3A_46 = arith.mulf %mul3A_45, %add3A_29 : vector<16xf32>
      %mul3A_47 = arith.mulf %mul3A_46, %mul3A_43 : vector<16xf32>
      %mul3A_48 = arith.mulf %mul3A_47, %mul3A_43 : vector<16xf32>
      %sub3A_49 = arith.constant 1.500000e+00 : f32
      %sub3A_50 = vector.broadcast %sub3A_49 : f32 to vector<16xf32>
      %sub3A_51 = arith.subf %sub3A_50, %mul3A_48 : vector<16xf32>
      %mul3A_52 = arith.mulf %mul3A_43, %sub3A_51 : vector<16xf32>
      %mul3A_53 = arith.constant 5.000000e-01 : f32
      %mul3A_54 = vector.broadcast %mul3A_53 : f32 to vector<16xf32>
      %mul3A_55 = arith.mulf %mul3A_54, %add3A_29 : vector<16xf32>
      %mul3A_56 = arith.mulf %mul3A_55, %mul3A_52 : vector<16xf32>
      %mul3A_57 = arith.mulf %mul3A_56, %mul3A_52 : vector<16xf32>
      %sub3A_58 = arith.constant 1.500000e+00 : f32
      %sub3A_59 = vector.broadcast %sub3A_58 : f32 to vector<16xf32>
      %sub3A_60 = arith.subf %sub3A_59, %mul3A_57 : vector<16xf32>
      %mul3A_61 = arith.mulf %mul3A_52, %sub3A_60 : vector<16xf32>
      %mul3A_62 = arith.constant 16 : i32
      %mul3A_63 = arith.muli %scan3A_16, %mul3A_62 : i32
      %swap3A = arith.index_cast %mul3A_63 : i32 to index
      %swap3A_64 = tpu.vector_load %arg7[%swap3A] {strides = array<i32>} : memref<3136xf32, #tpu.memory_space<vmem>>, vector<16xf32>,
      %swap3A_65 = vector.shape_cast %swap3A_64 : vector<16xf32> to vector<16xf32>
      %swap3A_66 = vector.shape_cast %mul3A_61 : vector<16xf32> to vector<16xf32>
      tpu.vector_store %arg7[%swap3A], %swap3A_66 {strides = array<i32>} : memref<3136xf32, #tpu.memory_space<vmem>>, vector<16xf32>,
    }
    %scan3A_7 = arith.constant 196 : i32
    %scan3A_8 = arith.constant 0 : i32
    %scan3A_9 = arith.constant 0 : i32
    %scan3A_10 = arith.constant 196 : i32
    %scan3A_11 = arith.addi %scan3A_9, %scan3A_10 : i32
    %scan3A_12 = arith.constant 1 : i32
    scf.for %scan3A_16 = %scan3A_9 to %scan3A_11 step %scan3A_12  : i32 {
      %mul3A_17 = arith.constant 16 : i32
      %mul3A_18 = arith.muli %scan3A_16, %mul3A_17 : i32
      %get3A = arith.index_cast %mul3A_18 : i32 to index
      %get3A_19 = tpu.vector_load %arg7[%get3A] {strides = array<i32>} : memref<3136xf32, #tpu.memory_space<vmem>>, vector<16xf32>,
      %get3A_20 = vector.shape_cast %get3A_19 : vector<16xf32> to vector<16xf32>
      %slice3A = vector.extract_strided_slice %get3A_20 {offsets = [0], sizes = [1], strides = [1]} : vector<16xf32> to vector<1xf32>
      %squeeze3A = vector.extract %slice3A[0] : f32 from vector<1xf32>
      %broadcast_in_dim3A = vector.broadcast %squeeze3A : f32 to vector<16xf32>
      %mul3A_21 = arith.constant 2 : i32
      %mul3A_22 = arith.muli %mul3A_21, %scan3A_16 : i32
      %add3A_23 = arith.constant 0 : i32
      %add3A_24 = arith.addi %mul3A_22, %add3A_23 : i32
      %swap3A = arith.index_cast %add3A_24 : i32 to index
      %swap3A_25 = arith.constant 0 : index
      %swap3A_26 = tpu.vector_load %arg8[%swap3A, %swap3A_25] {strides = array<i32>} : memref<392x128xf32, #tpu.memory_space<vmem>>, vector<1x16xf32>,
      %swap3A_27 = vector.shape_cast %swap3A_26 : vector<1x16xf32> to vector<16xf32>
      %swap3A_28 = vector.shape_cast %broadcast_in_dim3A : vector<16xf32> to vector<1x16xf32>
      tpu.vector_store %arg8[%swap3A, %swap3A_25], %swap3A_28 {strides = array<i32>} : memref<392x128xf32, #tpu.memory_space<vmem>>, vector<1x16xf32>,
      %slice3A_29 = vector.extract_strided_slice %get3A_20 {offsets = [1], sizes = [1], strides = [1]} : vector<16xf32> to vector<1xf32>
      %squeeze3A_30 = vector.extract %slice3A_29[0] : f32 from vector<1xf32>
      %broadcast_in_dim3A_31 = vector.broadcast %squeeze3A_30 : f32 to vector<16xf32>
      %mul3A_32 = arith.constant 2 : i32
      %mul3A_33 = arith.muli %mul3A_32, %scan3A_16 : i32
      %add3A_34 = arith.constant 0 : i32
      %add3A_35 = arith.addi %mul3A_33, %add3A_34 : i32
      %swap3A_36 = arith.index_cast %add3A_35 : i32 to index
      %swap3A_37 = arith.constant 16 : index
      %swap3A_38 = tpu.vector_load %arg8[%swap3A_36, %swap3A_37] {strides = array<i32>} : memref<392x128xf32, #tpu.memory_space<vmem>>, vector<1x16xf32>,
      %swap3A_39 = vector.shape_cast %swap3A_38 : vector<1x16xf32> to vector<16xf32>
      %swap3A_40 = vector.shape_cast %broadcast_in_dim3A_31 : vector<16xf32> to vector<1x16xf32>
      tpu.vector_store %arg8[%swap3A_36, %swap3A_37], %swap3A_40 {strides = array<i32>} : memref<392x128xf32, #tpu.memory_space<vmem>>, vector<1x16xf32>,
      %slice3A_41 = vector.extract_strided_slice %get3A_20 {offsets = [2], sizes = [1], strides = [1]} : vector<16xf32> to vector<1xf32>
      %squeeze3A_42 = vector.extract %slice3A_41[0] : f32 from vector<1xf32>
      %broadcast_in_dim3A_43 = vector.broadcast %squeeze3A_42 : f32 to vector<16xf32>
      %mul3A_44 = arith.constant 2 : i32
      %mul3A_45 = arith.muli %mul3A_44, %scan3A_16 : i32
      %add3A_46 = arith.constant 0 : i32
      %add3A_47 = arith.addi %mul3A_45, %add3A_46 : i32
      %swap3A_48 = arith.index_cast %add3A_47 : i32 to index
      %swap3A_49 = arith.constant 32 : index
      %swap3A_50 = tpu.vector_load %arg8[%swap3A_48, %swap3A_49] {strides = array<i32>} : memref<392x128xf32, #tpu.memory_space<vmem>>, vector<1x16xf32>,
      %swap3A_51 = vector.shape_cast %swap3A_50 : vector<1x16xf32> to vector<16xf32>
      %swap3A_52 = vector.shape_cast %broadcast_in_dim3A_43 : vector<16xf32> to vector<1x16xf32>
      tpu.vector_store %arg8[%swap3A_48, %swap3A_49], %swap3A_52 {strides = array<i32>} : memref<392x128xf32, #tpu.memory_space<vmem>>, vector<1x16xf32>,
      %slice3A_53 = vector.extract_strided_slice %get3A_20 {offsets = [3], sizes = [1], strides = [1]} : vector<16xf32> to vector<1xf32>
      %squeeze3A_54 = vector.extract %slice3A_53[0] : f32 from vector<1xf32>
      %broadcast_in_dim3A_55 = vector.broadcast %squeeze3A_54 : f32 to vector<16xf32>
      %mul3A_56 = arith.constant 2 : i32
      %mul3A_57 = arith.muli %mul3A_56, %scan3A_16 : i32
      %add3A_58 = arith.constant 0 : i32
      %add3A_59 = arith.addi %mul3A_57, %add3A_58 : i32
      %swap3A_60 = arith.index_cast %add3A_59 : i32 to index
      %swap3A_61 = arith.constant 48 : index
      %swap3A_62 = tpu.vector_load %arg8[%swap3A_60, %swap3A_61] {strides = array<i32>} : memref<392x128xf32, #tpu.memory_space<vmem>>, vector<1x16xf32>,
      %swap3A_63 = vector.shape_cast %swap3A_62 : vector<1x16xf32> to vector<16xf32>
      %swap3A_64 = vector.shape_cast %broadcast_in_dim3A_55 : vector<16xf32> to vector<1x16xf32>
      tpu.vector_store %arg8[%swap3A_60, %swap3A_61], %swap3A_64 {strides = array<i32>} : memref<392x128xf32, #tpu.memory_space<vmem>>, vector<1x16xf32>,
      %slice3A_65 = vector.extract_strided_slice %get3A_20 {offsets = [4], sizes = [1], strides = [1]} : vector<16xf32> to vector<1xf32>
      %squeeze3A_66 = vector.extract %slice3A_65[0] : f32 from vector<1xf32>
      %broadcast_in_dim3A_67 = vector.broadcast %squeeze3A_66 : f32 to vector<16xf32>
      %mul3A_68 = arith.constant 2 : i32
      %mul3A_69 = arith.muli %mul3A_68, %scan3A_16 : i32
      %add3A_70 = arith.constant 0 : i32
      %add3A_71 = arith.addi %mul3A_69, %add3A_70 : i32
      %swap3A_72 = arith.index_cast %add3A_71 : i32 to index
      %swap3A_73 = arith.constant 64 : index
      %swap3A_74 = tpu.vector_load %arg8[%swap3A_72, %swap3A_73] {strides = array<i32>} : memref<392x128xf32, #tpu.memory_space<vmem>>, vector<1x16xf32>,
      %swap3A_75 = vector.shape_cast %swap3A_74 : vector<1x16xf32> to vector<16xf32>
      %swap3A_76 = vector.shape_cast %broadcast_in_dim3A_67 : vector<16xf32> to vector<1x16xf32>
      tpu.vector_store %arg8[%swap3A_72, %swap3A_73], %swap3A_76 {strides = array<i32>} : memref<392x128xf32, #tpu.memory_space<vmem>>, vector<1x16xf32>,
      %slice3A_77 = vector.extract_strided_slice %get3A_20 {offsets = [5], sizes = [1], strides = [1]} : vector<16xf32> to vector<1xf32>
      %squeeze3A_78 = vector.extract %slice3A_77[0] : f32 from vector<1xf32>
      %broadcast_in_dim3A_79 = vector.broadcast %squeeze3A_78 : f32 to vector<16xf32>
      %mul3A_80 = arith.constant 2 : i32
      %mul3A_81 = arith.muli %mul3A_80, %scan3A_16 : i32
      %add3A_82 = arith.constant 0 : i32
      %add3A_83 = arith.addi %mul3A_81, %add3A_82 : i32
      %swap3A_84 = arith.index_cast %add3A_83 : i32 to index
      %swap3A_85 = arith.constant 80 : index
      %swap3A_86 = tpu.vector_load %arg8[%swap3A_84, %swap3A_85] {strides = array<i32>} : memref<392x128xf32, #tpu.memory_space<vmem>>, vector<1x16xf32>,
      %swap3A_87 = vector.shape_cast %swap3A_86 : vector<1x16xf32> to vector<16xf32>
      %swap3A_88 = vector.shape_cast %broadcast_in_dim3A_79 : vector<16xf32> to vector<1x16xf32>
      tpu.vector_store %arg8[%swap3A_84, %swap3A_85], %swap3A_88 {strides = array<i32>} : memref<392x128xf32, #tpu.memory_space<vmem>>, vector<1x16xf32>,
      %slice3A_89 = vector.extract_strided_slice %get3A_20 {offsets = [6], sizes = [1], strides = [1]} : vector<16xf32> to vector<1xf32>
      %squeeze3A_90 = vector.extract %slice3A_89[0] : f32 from vector<1xf32>
      %broadcast_in_dim3A_91 = vector.broadcast %squeeze3A_90 : f32 to vector<16xf32>
      %mul3A_92 = arith.constant 2 : i32
      %mul3A_93 = arith.muli %mul3A_92, %scan3A_16 : i32
      %add3A_94 = arith.constant 0 : i32
      %add3A_95 = arith.addi %mul3A_93, %add3A_94 : i32
      %swap3A_96 = arith.index_cast %add3A_95 : i32 to index
      %swap3A_97 = arith.constant 96 : index
      %swap3A_98 = tpu.vector_load %arg8[%swap3A_96, %swap3A_97] {strides = array<i32>} : memref<392x128xf32, #tpu.memory_space<vmem>>, vector<1x16xf32>,
      %swap3A_99 = vector.shape_cast %swap3A_98 : vector<1x16xf32> to vector<16xf32>
      %swap3A_100 = vector.shape_cast %broadcast_in_dim3A_91 : vector<16xf32> to vector<1x16xf32>
      tpu.vector_store %arg8[%swap3A_96, %swap3A_97], %swap3A_100 {strides = array<i32>} : memref<392x128xf32, #tpu.memory_space<vmem>>, vector<1x16xf32>,
      %slice3A_101 = vector.extract_strided_slice %get3A_20 {offsets = [7], sizes = [1], strides = [1]} : vector<16xf32> to vector<1xf32>
      %squeeze3A_102 = vector.extract %slice3A_101[0] : f32 from vector<1xf32>
      %broadcast_in_dim3A_103 = vector.broadcast %squeeze3A_102 : f32 to vector<16xf32>
      %mul3A_104 = arith.constant 2 : i32
      %mul3A_105 = arith.muli %mul3A_104, %scan3A_16 : i32
      %add3A_106 = arith.constant 0 : i32
      %add3A_107 = arith.addi %mul3A_105, %add3A_106 : i32
      %swap3A_108 = arith.index_cast %add3A_107 : i32 to index
      %swap3A_109 = arith.constant 112 : index
      %swap3A_110 = tpu.vector_load %arg8[%swap3A_108, %swap3A_109] {strides = array<i32>} : memref<392x128xf32, #tpu.memory_space<vmem>>, vector<1x16xf32>,
      %swap3A_111 = vector.shape_cast %swap3A_110 : vector<1x16xf32> to vector<16xf32>
      %swap3A_112 = vector.shape_cast %broadcast_in_dim3A_103 : vector<16xf32> to vector<1x16xf32>
      tpu.vector_store %arg8[%swap3A_108, %swap3A_109], %swap3A_112 {strides = array<i32>} : memref<392x128xf32, #tpu.memory_space<vmem>>, vector<1x16xf32>,
      %slice3A_113 = vector.extract_strided_slice %get3A_20 {offsets = [8], sizes = [1], strides = [1]} : vector<16xf32> to vector<1xf32>
      %squeeze3A_114 = vector.extract %slice3A_113[0] : f32 from vector<1xf32>
      %broadcast_in_dim3A_115 = vector.broadcast %squeeze3A_114 : f32 to vector<16xf32>
      %mul3A_116 = arith.constant 2 : i32
      %mul3A_117 = arith.muli %mul3A_116, %scan3A_16 : i32
      %add3A_118 = arith.constant 1 : i32
      %add3A_119 = arith.addi %mul3A_117, %add3A_118 : i32
      %swap3A_120 = arith.index_cast %add3A_119 : i32 to index
      %swap3A_121 = arith.constant 0 : index
      %swap3A_122 = tpu.vector_load %arg8[%swap3A_120, %swap3A_121] {strides = array<i32>} : memref<392x128xf32, #tpu.memory_space<vmem>>, vector<1x16xf32>,
      %swap3A_123 = vector.shape_cast %swap3A_122 : vector<1x16xf32> to vector<16xf32>
      %swap3A_124 = vector.shape_cast %broadcast_in_dim3A_115 : vector<16xf32> to vector<1x16xf32>
      tpu.vector_store %arg8[%swap3A_120, %swap3A_121], %swap3A_124 {strides = array<i32>} : memref<392x128xf32, #tpu.memory_space<vmem>>, vector<1x16xf32>,
      %slice3A_125 = vector.extract_strided_slice %get3A_20 {offsets = [9], sizes = [1], strides = [1]} : vector<16xf32> to vector<1xf32>
      %squeeze3A_126 = vector.extract %slice3A_125[0] : f32 from vector<1xf32>
      %broadcast_in_dim3A_127 = vector.broadcast %squeeze3A_126 : f32 to vector<16xf32>
      %mul3A_128 = arith.constant 2 : i32
      %mul3A_129 = arith.muli %mul3A_128, %scan3A_16 : i32
      %add3A_130 = arith.constant 1 : i32
      %add3A_131 = arith.addi %mul3A_129, %add3A_130 : i32
      %swap3A_132 = arith.index_cast %add3A_131 : i32 to index
      %swap3A_133 = arith.constant 16 : index
      %swap3A_134 = tpu.vector_load %arg8[%swap3A_132, %swap3A_133] {strides = array<i32>} : memref<392x128xf32, #tpu.memory_space<vmem>>, vector<1x16xf32>,
      %swap3A_135 = vector.shape_cast %swap3A_134 : vector<1x16xf32> to vector<16xf32>
      %swap3A_136 = vector.shape_cast %broadcast_in_dim3A_127 : vector<16xf32> to vector<1x16xf32>
      tpu.vector_store %arg8[%swap3A_132, %swap3A_133], %swap3A_136 {strides = array<i32>} : memref<392x128xf32, #tpu.memory_space<vmem>>, vector<1x16xf32>,
      %slice3A_137 = vector.extract_strided_slice %get3A_20 {offsets = [10], sizes = [1], strides = [1]} : vector<16xf32> to vector<1xf32>
      %squeeze3A_138 = vector.extract %slice3A_137[0] : f32 from vector<1xf32>
      %broadcast_in_dim3A_139 = vector.broadcast %squeeze3A_138 : f32 to vector<16xf32>
      %mul3A_140 = arith.constant 2 : i32
      %mul3A_141 = arith.muli %mul3A_140, %scan3A_16 : i32
      %add3A_142 = arith.constant 1 : i32
      %add3A_143 = arith.addi %mul3A_141, %add3A_142 : i32
      %swap3A_144 = arith.index_cast %add3A_143 : i32 to index
      %swap3A_145 = arith.constant 32 : index
      %swap3A_146 = tpu.vector_load %arg8[%swap3A_144, %swap3A_145] {strides = array<i32>} : memref<392x128xf32, #tpu.memory_space<vmem>>, vector<1x16xf32>,
      %swap3A_147 = vector.shape_cast %swap3A_146 : vector<1x16xf32> to vector<16xf32>
      %swap3A_148 = vector.shape_cast %broadcast_in_dim3A_139 : vector<16xf32> to vector<1x16xf32>
      tpu.vector_store %arg8[%swap3A_144, %swap3A_145], %swap3A_148 {strides = array<i32>} : memref<392x128xf32, #tpu.memory_space<vmem>>, vector<1x16xf32>,
      %slice3A_149 = vector.extract_strided_slice %get3A_20 {offsets = [11], sizes = [1], strides = [1]} : vector<16xf32> to vector<1xf32>
      %squeeze3A_150 = vector.extract %slice3A_149[0] : f32 from vector<1xf32>
      %broadcast_in_dim3A_151 = vector.broadcast %squeeze3A_150 : f32 to vector<16xf32>
      %mul3A_152 = arith.constant 2 : i32
      %mul3A_153 = arith.muli %mul3A_152, %scan3A_16 : i32
      %add3A_154 = arith.constant 1 : i32
      %add3A_155 = arith.addi %mul3A_153, %add3A_154 : i32
      %swap3A_156 = arith.index_cast %add3A_155 : i32 to index
      %swap3A_157 = arith.constant 48 : index
      %swap3A_158 = tpu.vector_load %arg8[%swap3A_156, %swap3A_157] {strides = array<i32>} : memref<392x128xf32, #tpu.memory_space<vmem>>, vector<1x16xf32>,
      %swap3A_159 = vector.shape_cast %swap3A_158 : vector<1x16xf32> to vector<16xf32>
      %swap3A_160 = vector.shape_cast %broadcast_in_dim3A_151 : vector<16xf32> to vector<1x16xf32>
      tpu.vector_store %arg8[%swap3A_156, %swap3A_157], %swap3A_160 {strides = array<i32>} : memref<392x128xf32, #tpu.memory_space<vmem>>, vector<1x16xf32>,
      %slice3A_161 = vector.extract_strided_slice %get3A_20 {offsets = [12], sizes = [1], strides = [1]} : vector<16xf32> to vector<1xf32>
      %squeeze3A_162 = vector.extract %slice3A_161[0] : f32 from vector<1xf32>
      %broadcast_in_dim3A_163 = vector.broadcast %squeeze3A_162 : f32 to vector<16xf32>
      %mul3A_164 = arith.constant 2 : i32
      %mul3A_165 = arith.muli %mul3A_164, %scan3A_16 : i32
      %add3A_166 = arith.constant 1 : i32
      %add3A_167 = arith.addi %mul3A_165, %add3A_166 : i32
      %swap3A_168 = arith.index_cast %add3A_167 : i32 to index
      %swap3A_169 = arith.constant 64 : index
      %swap3A_170 = tpu.vector_load %arg8[%swap3A_168, %swap3A_169] {strides = array<i32>} : memref<392x128xf32, #tpu.memory_space<vmem>>, vector<1x16xf32>,
      %swap3A_171 = vector.shape_cast %swap3A_170 : vector<1x16xf32> to vector<16xf32>
      %swap3A_172 = vector.shape_cast %broadcast_in_dim3A_163 : vector<16xf32> to vector<1x16xf32>
      tpu.vector_store %arg8[%swap3A_168, %swap3A_169], %swap3A_172 {strides = array<i32>} : memref<392x128xf32, #tpu.memory_space<vmem>>, vector<1x16xf32>,
      %slice3A_173 = vector.extract_strided_slice %get3A_20 {offsets = [13], sizes = [1], strides = [1]} : vector<16xf32> to vector<1xf32>
      %squeeze3A_174 = vector.extract %slice3A_173[0] : f32 from vector<1xf32>
      %broadcast_in_dim3A_175 = vector.broadcast %squeeze3A_174 : f32 to vector<16xf32>
      %mul3A_176 = arith.constant 2 : i32
      %mul3A_177 = arith.muli %mul3A_176, %scan3A_16 : i32
      %add3A_178 = arith.constant 1 : i32
      %add3A_179 = arith.addi %mul3A_177, %add3A_178 : i32
      %swap3A_180 = arith.index_cast %add3A_179 : i32 to index
      %swap3A_181 = arith.constant 80 : index
      %swap3A_182 = tpu.vector_load %arg8[%swap3A_180, %swap3A_181] {strides = array<i32>} : memref<392x128xf32, #tpu.memory_space<vmem>>, vector<1x16xf32>,
      %swap3A_183 = vector.shape_cast %swap3A_182 : vector<1x16xf32> to vector<16xf32>
      %swap3A_184 = vector.shape_cast %broadcast_in_dim3A_175 : vector<16xf32> to vector<1x16xf32>
      tpu.vector_store %arg8[%swap3A_180, %swap3A_181], %swap3A_184 {strides = array<i32>} : memref<392x128xf32, #tpu.memory_space<vmem>>, vector<1x16xf32>,
      %slice3A_185 = vector.extract_strided_slice %get3A_20 {offsets = [14], sizes = [1], strides = [1]} : vector<16xf32> to vector<1xf32>
      %squeeze3A_186 = vector.extract %slice3A_185[0] : f32 from vector<1xf32>
      %broadcast_in_dim3A_187 = vector.broadcast %squeeze3A_186 : f32 to vector<16xf32>
      %mul3A_188 = arith.constant 2 : i32
      %mul3A_189 = arith.muli %mul3A_188, %scan3A_16 : i32
      %add3A_190 = arith.constant 1 : i32
      %add3A_191 = arith.addi %mul3A_189, %add3A_190 : i32
      %swap3A_192 = arith.index_cast %add3A_191 : i32 to index
      %swap3A_193 = arith.constant 96 : index
      %swap3A_194 = tpu.vector_load %arg8[%swap3A_192, %swap3A_193] {strides = array<i32>} : memref<392x128xf32, #tpu.memory_space<vmem>>, vector<1x16xf32>,
      %swap3A_195 = vector.shape_cast %swap3A_194 : vector<1x16xf32> to vector<16xf32>
      %swap3A_196 = vector.shape_cast %broadcast_in_dim3A_187 : vector<16xf32> to vector<1x16xf32>
      tpu.vector_store %arg8[%swap3A_192, %swap3A_193], %swap3A_196 {strides = array<i32>} : memref<392x128xf32, #tpu.memory_space<vmem>>, vector<1x16xf32>,
      %slice3A_197 = vector.extract_strided_slice %get3A_20 {offsets = [15], sizes = [1], strides = [1]} : vector<16xf32> to vector<1xf32>
      %squeeze3A_198 = vector.extract %slice3A_197[0] : f32 from vector<1xf32>
      %broadcast_in_dim3A_199 = vector.broadcast %squeeze3A_198 : f32 to vector<16xf32>
      %mul3A_200 = arith.constant 2 : i32
      %mul3A_201 = arith.muli %mul3A_200, %scan3A_16 : i32
      %add3A_202 = arith.constant 1 : i32
      %add3A_203 = arith.addi %mul3A_201, %add3A_202 : i32
      %swap3A_204 = arith.index_cast %add3A_203 : i32 to index
      %swap3A_205 = arith.constant 112 : index
      %swap3A_206 = tpu.vector_load %arg8[%swap3A_204, %swap3A_205] {strides = array<i32>} : memref<392x128xf32, #tpu.memory_space<vmem>>, vector<1x16xf32>,
      %swap3A_207 = vector.shape_cast %swap3A_206 : vector<1x16xf32> to vector<16xf32>
      %swap3A_208 = vector.shape_cast %broadcast_in_dim3A_199 : vector<16xf32> to vector<1x16xf32>
      tpu.vector_store %arg8[%swap3A_204, %swap3A_205], %swap3A_208 {strides = array<i32>} : memref<392x128xf32, #tpu.memory_space<vmem>>, vector<1x16xf32>,
    }
    %scan3A_13 = arith.constant 196 : i32
    %mul3A_14 = arith.constant 392 : i32
    %mul3A_15 = arith.muli %add3A, %mul3A_14 : i32
    "tpu.region"() ({
      %run_scoped3A = tpu.sem_alloc : memref<!tpu.dma_semaphore, #tpu.memory_space<semaphore_mem>>
      %dma_start3A = arith.constant 0 : i32
      %dma_start3A_16 = tpu.memref_slice %arg4[%mul3A_15, %dma_start3A] : memref<12544x128xf32, #tpu.memory_space<hbm>> -> memref<392x128xf32, #tpu.memory_space<hbm>>
      %dma_start3A_17 = arith.constant 0 : i32
      %dma_start3A_18 = tpu.memref_slice %arg4[%mul3A_15, %dma_start3A_17] : memref<12544x128xf32, #tpu.memory_space<hbm>> -> memref<392x128xf32, #tpu.memory_space<hbm>>
      tpu.enqueue_dma source(%arg8 : memref<392x128xf32, #tpu.memory_space<vmem>>) target(%dma_start3A_18 : memref<392x128xf32, #tpu.memory_space<hbm>>) target_semaphore(%run_scoped3A : memref<!tpu.dma_semaphore, #tpu.memory_space<semaphore_mem>>)
      %dma_wait3A = arith.constant 0 : i32
      %dma_wait3A_19 = tpu.memref_slice %arg4[%mul3A_15, %dma_wait3A] : memref<12544x128xf32, #tpu.memory_space<hbm>> -> memref<392x128xf32, #tpu.memory_space<hbm>>
      %dma_wait3A_20 = arith.constant 0 : i32
      %dma_wait3A_21 = tpu.memref_slice %arg4[%mul3A_15, %dma_wait3A_20] : memref<12544x128xf32, #tpu.memory_space<hbm>> -> memref<392x128xf32, #tpu.memory_space<hbm>>
      tpu.wait_dma2 semaphore(%run_scoped3A : memref<!tpu.dma_semaphore, #tpu.memory_space<semaphore_mem>>) src(%arg8 : memref<392x128xf32, #tpu.memory_space<vmem>>) dst(%dma_wait3A_21 : memref<392x128xf32, #tpu.memory_space<hbm>>)
      tpu.yield
    }) : () -> ()
    return
  }
}

module attributes {stable_mosaic.version = 14 : i64} {
  func.func @_mm1_body(%arg0: i32, %arg1: memref<256x8x128xf32, #tpu.memory_space<vmem>>, %arg2: memref<128x16xf32, #tpu.memory_space<vmem>>, %arg3: memref<256x128xf32, #tpu.memory_space<vmem>>, %arg4: memref<256x128xf32, #tpu.memory_space<vmem>>) attributes {dimension_semantics = [#tpu.dimension_semantics<arbitrary>], iteration_bounds = array<i64: 49>, scalar_prefetch = 0 : i64, scratch_operands = 0 : i64, tpu.core_type = #tpu.core_type<tc>, window_params = [{transform_indices = @transform_0, window_bounds = array<i64: 256, 8, 128>}, {pipeline_mode = #tpu.pipeline_mode<synchronous>, transform_indices = @transform_1, window_bounds = array<i64: 128, 16>}, {transform_indices = @transform_2, window_bounds = array<i64: 256, 128>}, {transform_indices = @transform_3, window_bounds = array<i64: 256, 128>}]} {
    %get3A = arith.constant 0 : index
    %get3A_0 = arith.constant 0 : index
    %get3A_1 = arith.constant 0 : index
    %get3A_2 = vector.load %arg1[%get3A, %get3A_0, %get3A_1] : memref<256x8x128xf32, #tpu.memory_space<vmem>>, vector<256x1x128xf32>
    %get3A_3 = vector.shape_cast %get3A_2 : vector<256x1x128xf32> to vector<256x128xf32>
    %get3A_4 = arith.constant 0 : index
    %get3A_5 = arith.constant 0 : index
    %get3A_6 = vector.load %arg2[%get3A_4, %get3A_5] : memref<128x16xf32, #tpu.memory_space<vmem>>, vector<128x16xf32>
    %dot_general3A = arith.constant dense<0.000000e+00> : vector<256x16xf32>
    %dot_general3A_7 = tpu.matmul %get3A_3, %get3A_6, %dot_general3A {dimension_numbers = #tpu.dot_dimension_numbers<[1], [0], [0], [1], [0, 0, 1, 1], [], []>, transpose_lhs_hint = false} : vector<256x128xf32>, vector<128x16xf32>, vector<256x16xf32> -> vector<256x16xf32>
    %get3A_8 = arith.constant 0 : index
    %get3A_9 = arith.constant 0 : index
    %get3A_10 = vector.load %arg3[%get3A_8, %get3A_9] : memref<256x128xf32, #tpu.memory_space<vmem>>, vector<256x16xf32>
    %mul3A = arith.mulf %dot_general3A_7, %get3A_10 : vector<256x16xf32>
    %swap3A = arith.constant 0 : index
    %swap3A_11 = arith.constant 0 : index
    %swap3A_12 = vector.load %arg4[%swap3A, %swap3A_11] : memref<256x128xf32, #tpu.memory_space<vmem>>, vector<256x16xf32>
    tpu.vector_store %arg4[%swap3A, %swap3A_11], %mul3A {strides = array<i32>} : memref<256x128xf32, #tpu.memory_space<vmem>>, vector<256x16xf32>,
    %get3A_13 = arith.constant 0 : index
    %get3A_14 = arith.constant 1 : index
    %get3A_15 = arith.constant 0 : index
    %get3A_16 = vector.load %arg1[%get3A_13, %get3A_14, %get3A_15] : memref<256x8x128xf32, #tpu.memory_space<vmem>>, vector<256x1x128xf32>
    %get3A_17 = vector.shape_cast %get3A_16 : vector<256x1x128xf32> to vector<256x128xf32>
    %get3A_18 = arith.constant 0 : index
    %get3A_19 = arith.constant 0 : index
    %get3A_20 = vector.load %arg2[%get3A_18, %get3A_19] : memref<128x16xf32, #tpu.memory_space<vmem>>, vector<128x16xf32>
    %dot_general3A_21 = arith.constant dense<0.000000e+00> : vector<256x16xf32>
    %dot_general3A_22 = tpu.matmul %get3A_17, %get3A_20, %dot_general3A_21 {dimension_numbers = #tpu.dot_dimension_numbers<[1], [0], [0], [1], [0, 0, 1, 1], [], []>, transpose_lhs_hint = false} : vector<256x128xf32>, vector<128x16xf32>, vector<256x16xf32> -> vector<256x16xf32>
    %get3A_23 = arith.constant 0 : index
    %get3A_24 = arith.constant 16 : index
    %get3A_25 = vector.load %arg3[%get3A_23, %get3A_24] : memref<256x128xf32, #tpu.memory_space<vmem>>, vector<256x16xf32>
    %mul3A_26 = arith.mulf %dot_general3A_22, %get3A_25 : vector<256x16xf32>
    %swap3A_27 = arith.constant 0 : index
    %swap3A_28 = arith.constant 16 : index
    %swap3A_29 = vector.load %arg4[%swap3A_27, %swap3A_28] : memref<256x128xf32, #tpu.memory_space<vmem>>, vector<256x16xf32>
    tpu.vector_store %arg4[%swap3A_27, %swap3A_28], %mul3A_26 {strides = array<i32>} : memref<256x128xf32, #tpu.memory_space<vmem>>, vector<256x16xf32>,
    %get3A_30 = arith.constant 0 : index
    %get3A_31 = arith.constant 2 : index
    %get3A_32 = arith.constant 0 : index
    %get3A_33 = vector.load %arg1[%get3A_30, %get3A_31, %get3A_32] : memref<256x8x128xf32, #tpu.memory_space<vmem>>, vector<256x1x128xf32>
    %get3A_34 = vector.shape_cast %get3A_33 : vector<256x1x128xf32> to vector<256x128xf32>
    %get3A_35 = arith.constant 0 : index
    %get3A_36 = arith.constant 0 : index
    %get3A_37 = vector.load %arg2[%get3A_35, %get3A_36] : memref<128x16xf32, #tpu.memory_space<vmem>>, vector<128x16xf32>
    %dot_general3A_38 = arith.constant dense<0.000000e+00> : vector<256x16xf32>
    %dot_general3A_39 = tpu.matmul %get3A_34, %get3A_37, %dot_general3A_38 {dimension_numbers = #tpu.dot_dimension_numbers<[1], [0], [0], [1], [0, 0, 1, 1], [], []>, transpose_lhs_hint = false} : vector<256x128xf32>, vector<128x16xf32>, vector<256x16xf32> -> vector<256x16xf32>
    %get3A_40 = arith.constant 0 : index
    %get3A_41 = arith.constant 32 : index
    %get3A_42 = vector.load %arg3[%get3A_40, %get3A_41] : memref<256x128xf32, #tpu.memory_space<vmem>>, vector<256x16xf32>
    %mul3A_43 = arith.mulf %dot_general3A_39, %get3A_42 : vector<256x16xf32>
    %swap3A_44 = arith.constant 0 : index
    %swap3A_45 = arith.constant 32 : index
    %swap3A_46 = vector.load %arg4[%swap3A_44, %swap3A_45] : memref<256x128xf32, #tpu.memory_space<vmem>>, vector<256x16xf32>
    tpu.vector_store %arg4[%swap3A_44, %swap3A_45], %mul3A_43 {strides = array<i32>} : memref<256x128xf32, #tpu.memory_space<vmem>>, vector<256x16xf32>,
    %get3A_47 = arith.constant 0 : index
    %get3A_48 = arith.constant 3 : index
    %get3A_49 = arith.constant 0 : index
    %get3A_50 = vector.load %arg1[%get3A_47, %get3A_48, %get3A_49] : memref<256x8x128xf32, #tpu.memory_space<vmem>>, vector<256x1x128xf32>
    %get3A_51 = vector.shape_cast %get3A_50 : vector<256x1x128xf32> to vector<256x128xf32>
    %get3A_52 = arith.constant 0 : index
    %get3A_53 = arith.constant 0 : index
    %get3A_54 = vector.load %arg2[%get3A_52, %get3A_53] : memref<128x16xf32, #tpu.memory_space<vmem>>, vector<128x16xf32>
    %dot_general3A_55 = arith.constant dense<0.000000e+00> : vector<256x16xf32>
    %dot_general3A_56 = tpu.matmul %get3A_51, %get3A_54, %dot_general3A_55 {dimension_numbers = #tpu.dot_dimension_numbers<[1], [0], [0], [1], [0, 0, 1, 1], [], []>, transpose_lhs_hint = false} : vector<256x128xf32>, vector<128x16xf32>, vector<256x16xf32> -> vector<256x16xf32>
    %get3A_57 = arith.constant 0 : index
    %get3A_58 = arith.constant 48 : index
    %get3A_59 = vector.load %arg3[%get3A_57, %get3A_58] : memref<256x128xf32, #tpu.memory_space<vmem>>, vector<256x16xf32>
    %mul3A_60 = arith.mulf %dot_general3A_56, %get3A_59 : vector<256x16xf32>
    %swap3A_61 = arith.constant 0 : index
    %swap3A_62 = arith.constant 48 : index
    %swap3A_63 = vector.load %arg4[%swap3A_61, %swap3A_62] : memref<256x128xf32, #tpu.memory_space<vmem>>, vector<256x16xf32>
    tpu.vector_store %arg4[%swap3A_61, %swap3A_62], %mul3A_60 {strides = array<i32>} : memref<256x128xf32, #tpu.memory_space<vmem>>, vector<256x16xf32>,
    %get3A_64 = arith.constant 0 : index
    %get3A_65 = arith.constant 4 : index
    %get3A_66 = arith.constant 0 : index
    %get3A_67 = vector.load %arg1[%get3A_64, %get3A_65, %get3A_66] : memref<256x8x128xf32, #tpu.memory_space<vmem>>, vector<256x1x128xf32>
    %get3A_68 = vector.shape_cast %get3A_67 : vector<256x1x128xf32> to vector<256x128xf32>
    %get3A_69 = arith.constant 0 : index
    %get3A_70 = arith.constant 0 : index
    %get3A_71 = vector.load %arg2[%get3A_69, %get3A_70] : memref<128x16xf32, #tpu.memory_space<vmem>>, vector<128x16xf32>
    %dot_general3A_72 = arith.constant dense<0.000000e+00> : vector<256x16xf32>
    %dot_general3A_73 = tpu.matmul %get3A_68, %get3A_71, %dot_general3A_72 {dimension_numbers = #tpu.dot_dimension_numbers<[1], [0], [0], [1], [0, 0, 1, 1], [], []>, transpose_lhs_hint = false} : vector<256x128xf32>, vector<128x16xf32>, vector<256x16xf32> -> vector<256x16xf32>
    %get3A_74 = arith.constant 0 : index
    %get3A_75 = arith.constant 64 : index
    %get3A_76 = vector.load %arg3[%get3A_74, %get3A_75] : memref<256x128xf32, #tpu.memory_space<vmem>>, vector<256x16xf32>
    %mul3A_77 = arith.mulf %dot_general3A_73, %get3A_76 : vector<256x16xf32>
    %swap3A_78 = arith.constant 0 : index
    %swap3A_79 = arith.constant 64 : index
    %swap3A_80 = vector.load %arg4[%swap3A_78, %swap3A_79] : memref<256x128xf32, #tpu.memory_space<vmem>>, vector<256x16xf32>
    tpu.vector_store %arg4[%swap3A_78, %swap3A_79], %mul3A_77 {strides = array<i32>} : memref<256x128xf32, #tpu.memory_space<vmem>>, vector<256x16xf32>,
    %get3A_81 = arith.constant 0 : index
    %get3A_82 = arith.constant 5 : index
    %get3A_83 = arith.constant 0 : index
    %get3A_84 = vector.load %arg1[%get3A_81, %get3A_82, %get3A_83] : memref<256x8x128xf32, #tpu.memory_space<vmem>>, vector<256x1x128xf32>
    %get3A_85 = vector.shape_cast %get3A_84 : vector<256x1x128xf32> to vector<256x128xf32>
    %get3A_86 = arith.constant 0 : index
    %get3A_87 = arith.constant 0 : index
    %get3A_88 = vector.load %arg2[%get3A_86, %get3A_87] : memref<128x16xf32, #tpu.memory_space<vmem>>, vector<128x16xf32>
    %dot_general3A_89 = arith.constant dense<0.000000e+00> : vector<256x16xf32>
    %dot_general3A_90 = tpu.matmul %get3A_85, %get3A_88, %dot_general3A_89 {dimension_numbers = #tpu.dot_dimension_numbers<[1], [0], [0], [1], [0, 0, 1, 1], [], []>, transpose_lhs_hint = false} : vector<256x128xf32>, vector<128x16xf32>, vector<256x16xf32> -> vector<256x16xf32>
    %get3A_91 = arith.constant 0 : index
    %get3A_92 = arith.constant 80 : index
    %get3A_93 = vector.load %arg3[%get3A_91, %get3A_92] : memref<256x128xf32, #tpu.memory_space<vmem>>, vector<256x16xf32>
    %mul3A_94 = arith.mulf %dot_general3A_90, %get3A_93 : vector<256x16xf32>
    %swap3A_95 = arith.constant 0 : index
    %swap3A_96 = arith.constant 80 : index
    %swap3A_97 = vector.load %arg4[%swap3A_95, %swap3A_96] : memref<256x128xf32, #tpu.memory_space<vmem>>, vector<256x16xf32>
    tpu.vector_store %arg4[%swap3A_95, %swap3A_96], %mul3A_94 {strides = array<i32>} : memref<256x128xf32, #tpu.memory_space<vmem>>, vector<256x16xf32>,
    %get3A_98 = arith.constant 0 : index
    %get3A_99 = arith.constant 6 : index
    %get3A_100 = arith.constant 0 : index
    %get3A_101 = vector.load %arg1[%get3A_98, %get3A_99, %get3A_100] : memref<256x8x128xf32, #tpu.memory_space<vmem>>, vector<256x1x128xf32>
    %get3A_102 = vector.shape_cast %get3A_101 : vector<256x1x128xf32> to vector<256x128xf32>
    %get3A_103 = arith.constant 0 : index
    %get3A_104 = arith.constant 0 : index
    %get3A_105 = vector.load %arg2[%get3A_103, %get3A_104] : memref<128x16xf32, #tpu.memory_space<vmem>>, vector<128x16xf32>
    %dot_general3A_106 = arith.constant dense<0.000000e+00> : vector<256x16xf32>
    %dot_general3A_107 = tpu.matmul %get3A_102, %get3A_105, %dot_general3A_106 {dimension_numbers = #tpu.dot_dimension_numbers<[1], [0], [0], [1], [0, 0, 1, 1], [], []>, transpose_lhs_hint = false} : vector<256x128xf32>, vector<128x16xf32>, vector<256x16xf32> -> vector<256x16xf32>
    %get3A_108 = arith.constant 0 : index
    %get3A_109 = arith.constant 96 : index
    %get3A_110 = vector.load %arg3[%get3A_108, %get3A_109] : memref<256x128xf32, #tpu.memory_space<vmem>>, vector<256x16xf32>
    %mul3A_111 = arith.mulf %dot_general3A_107, %get3A_110 : vector<256x16xf32>
    %swap3A_112 = arith.constant 0 : index
    %swap3A_113 = arith.constant 96 : index
    %swap3A_114 = vector.load %arg4[%swap3A_112, %swap3A_113] : memref<256x128xf32, #tpu.memory_space<vmem>>, vector<256x16xf32>
    tpu.vector_store %arg4[%swap3A_112, %swap3A_113], %mul3A_111 {strides = array<i32>} : memref<256x128xf32, #tpu.memory_space<vmem>>, vector<256x16xf32>,
    %get3A_115 = arith.constant 0 : index
    %get3A_116 = arith.constant 7 : index
    %get3A_117 = arith.constant 0 : index
    %get3A_118 = vector.load %arg1[%get3A_115, %get3A_116, %get3A_117] : memref<256x8x128xf32, #tpu.memory_space<vmem>>, vector<256x1x128xf32>
    %get3A_119 = vector.shape_cast %get3A_118 : vector<256x1x128xf32> to vector<256x128xf32>
    %get3A_120 = arith.constant 0 : index
    %get3A_121 = arith.constant 0 : index
    %get3A_122 = vector.load %arg2[%get3A_120, %get3A_121] : memref<128x16xf32, #tpu.memory_space<vmem>>, vector<128x16xf32>
    %dot_general3A_123 = arith.constant dense<0.000000e+00> : vector<256x16xf32>
    %dot_general3A_124 = tpu.matmul %get3A_119, %get3A_122, %dot_general3A_123 {dimension_numbers = #tpu.dot_dimension_numbers<[1], [0], [0], [1], [0, 0, 1, 1], [], []>, transpose_lhs_hint = false} : vector<256x128xf32>, vector<128x16xf32>, vector<256x16xf32> -> vector<256x16xf32>
    %get3A_125 = arith.constant 0 : index
    %get3A_126 = arith.constant 112 : index
    %get3A_127 = vector.load %arg3[%get3A_125, %get3A_126] : memref<256x128xf32, #tpu.memory_space<vmem>>, vector<256x16xf32>
    %mul3A_128 = arith.mulf %dot_general3A_124, %get3A_127 : vector<256x16xf32>
    %swap3A_129 = arith.constant 0 : index
    %swap3A_130 = arith.constant 112 : index
    %swap3A_131 = vector.load %arg4[%swap3A_129, %swap3A_130] : memref<256x128xf32, #tpu.memory_space<vmem>>, vector<256x16xf32>
    tpu.vector_store %arg4[%swap3A_129, %swap3A_130], %mul3A_128 {strides = array<i32>} : memref<256x128xf32, #tpu.memory_space<vmem>>, vector<256x16xf32>,
    return
  }
  func.func @transform_0(%arg0: i32) -> (i32, i32, i32) {
    %c0_i32 = arith.constant 0 : i32
    %c0_i32_0 = arith.constant 0 : i32
    %c0_i32_1 = arith.constant 0 : i32
    return %arg0, %c0_i32, %c0_i32_0 : i32, i32, i32
  }
  func.func @transform_1(%arg0: i32) -> (i32, i32) {
    %c0_i32 = arith.constant 0 : i32
    %c0_i32_0 = arith.constant 0 : i32
    %c0_i32_1 = arith.constant 0 : i32
    return %c0_i32, %c0_i32_0 : i32, i32
  }
  func.func @transform_2(%arg0: i32) -> (i32, i32) {
    %c0_i32 = arith.constant 0 : i32
    %c0_i32_0 = arith.constant 0 : i32
    return %arg0, %c0_i32 : i32, i32
  }
  func.func @transform_3(%arg0: i32) -> (i32, i32) {
    %c0_i32 = arith.constant 0 : i32
    %c0_i32_0 = arith.constant 0 : i32
    return %arg0, %c0_i32 : i32, i32
  }
}

module attributes {stable_mosaic.version = 14 : i64} {
  func.func @_mm2_body(%arg0: i32, %arg1: memref<256x128xf32, #tpu.memory_space<vmem>>, %arg2: memref<256x128xf32, #tpu.memory_space<vmem>>, %arg3: memref<256x128xf32, #tpu.memory_space<vmem>>, %arg4: memref<256x128xf32, #tpu.memory_space<vmem>>, %arg5: memref<1x128xf32, #tpu.memory_space<vmem>>, %arg6: memref<128x128xf32, #tpu.memory_space<vmem>>, %arg7: memref<256x128xf32, #tpu.memory_space<vmem>>) attributes {dimension_semantics = [#tpu.dimension_semantics<arbitrary>], iteration_bounds = array<i64: 49>, scalar_prefetch = 0 : i64, scratch_operands = 0 : i64, tpu.core_type = #tpu.core_type<tc>, window_params = [{transform_indices = @transform_0, window_bounds = array<i64: 256, 128>}, {transform_indices = @transform_1, window_bounds = array<i64: 256, 128>}, {transform_indices = @transform_2, window_bounds = array<i64: 256, 128>}, {transform_indices = @transform_3, window_bounds = array<i64: 256, 128>}, {pipeline_mode = #tpu.pipeline_mode<synchronous>, transform_indices = @transform_4, window_bounds = array<i64: 1, 128>}, {pipeline_mode = #tpu.pipeline_mode<synchronous>, transform_indices = @transform_5, window_bounds = array<i64: 128, 128>}, {transform_indices = @transform_6, window_bounds = array<i64: 256, 128>}]} {
    %get3A = arith.constant 0 : index
    %get3A_0 = arith.constant 0 : index
    %get3A_1 = vector.load %arg1[%get3A, %get3A_0] : memref<256x128xf32, #tpu.memory_space<vmem>>, vector<256x128xf32>
    %get3A_2 = arith.constant 0 : index
    %get3A_3 = arith.constant 0 : index
    %get3A_4 = vector.load %arg2[%get3A_2, %get3A_3] : memref<256x128xf32, #tpu.memory_space<vmem>>, vector<256x128xf32>
    %add3A = arith.addf %get3A_1, %get3A_4 : vector<256x128xf32>
    %get3A_5 = arith.constant 0 : index
    %get3A_6 = arith.constant 0 : index
    %get3A_7 = vector.load %arg3[%get3A_5, %get3A_6] : memref<256x128xf32, #tpu.memory_space<vmem>>, vector<256x128xf32>
    %add3A_8 = arith.addf %add3A, %get3A_7 : vector<256x128xf32>
    %get3A_9 = arith.constant 0 : index
    %get3A_10 = arith.constant 0 : index
    %get3A_11 = vector.load %arg4[%get3A_9, %get3A_10] : memref<256x128xf32, #tpu.memory_space<vmem>>, vector<256x128xf32>
    %mul3A = arith.mulf %add3A_8, %get3A_11 : vector<256x128xf32>
    %get3A_12 = arith.constant 0 : index
    %get3A_13 = arith.constant 0 : index
    %get3A_14 = vector.load %arg5[%get3A_12, %get3A_13] : memref<1x128xf32, #tpu.memory_space<vmem>>, vector<1x128xf32>
    %add3A_15 = vector.broadcast %get3A_14 : vector<1x128xf32> to vector<256x128xf32>
    %add3A_16 = arith.addf %mul3A, %add3A_15 : vector<256x128xf32>
    %max3A = arith.constant 0.000000e+00 : f32
    %max3A_17 = vector.broadcast %max3A : f32 to vector<256x128xf32>
    %max3A_18 = arith.maximumf %add3A_16, %max3A_17 : vector<256x128xf32>
    %get3A_19 = arith.constant 0 : index
    %get3A_20 = arith.constant 0 : index
    %get3A_21 = vector.load %arg6[%get3A_19, %get3A_20] : memref<128x128xf32, #tpu.memory_space<vmem>>, vector<128x128xf32>
    %dot_general3A = arith.constant dense<0.000000e+00> : vector<256x128xf32>
    %dot_general3A_22 = tpu.matmul %max3A_18, %get3A_21, %dot_general3A {dimension_numbers = #tpu.dot_dimension_numbers<[1], [0], [0], [1], [0, 0, 1, 1], [], []>, transpose_lhs_hint = false} : vector<256x128xf32>, vector<128x128xf32>, vector<256x128xf32> -> vector<256x128xf32>
    %mul3A_23 = arith.mulf %dot_general3A_22, %get3A_11 : vector<256x128xf32>
    %swap3A = arith.constant 0 : index
    %swap3A_24 = arith.constant 0 : index
    %swap3A_25 = vector.load %arg7[%swap3A, %swap3A_24] : memref<256x128xf32, #tpu.memory_space<vmem>>, vector<256x128xf32>
    tpu.vector_store %arg7[%swap3A, %swap3A_24], %mul3A_23 {strides = array<i32>} : memref<256x128xf32, #tpu.memory_space<vmem>>, vector<256x128xf32>,
    return
  }
  func.func @transform_0(%arg0: i32) -> (i32, i32) {
    %c0_i32 = arith.constant 0 : i32
    %c0_i32_0 = arith.constant 0 : i32
    return %arg0, %c0_i32 : i32, i32
  }
  func.func @transform_1(%arg0: i32) -> (i32, i32) {
    %c0_i32 = arith.constant 0 : i32
    %c0_i32_0 = arith.constant 0 : i32
    return %arg0, %c0_i32 : i32, i32
  }
  func.func @transform_2(%arg0: i32) -> (i32, i32) {
    %c0_i32 = arith.constant 0 : i32
    %c0_i32_0 = arith.constant 0 : i32
    return %arg0, %c0_i32 : i32, i32
  }
  func.func @transform_3(%arg0: i32) -> (i32, i32) {
    %c0_i32 = arith.constant 0 : i32
    %c0_i32_0 = arith.constant 0 : i32
    return %arg0, %c0_i32 : i32, i32
  }
  func.func @transform_4(%arg0: i32) -> (i32, i32) {
    %c0_i32 = arith.constant 0 : i32
    %c0_i32_0 = arith.constant 0 : i32
    %c0_i32_1 = arith.constant 0 : i32
    return %c0_i32, %c0_i32_0 : i32, i32
  }
  func.func @transform_5(%arg0: i32) -> (i32, i32) {
    %c0_i32 = arith.constant 0 : i32
    %c0_i32_0 = arith.constant 0 : i32
    %c0_i32_1 = arith.constant 0 : i32
    return %c0_i32, %c0_i32_0 : i32, i32
  }
  func.func @transform_6(%arg0: i32) -> (i32, i32) {
    %c0_i32 = arith.constant 0 : i32
    %c0_i32_0 = arith.constant 0 : i32
    return %arg0, %c0_i32 : i32, i32
  }
}

module attributes {stable_mosaic.version = 14 : i64} {
  func.func @_fin_body(%arg0: i32, %arg1: memref<256x128xf32, #tpu.memory_space<vmem>>, %arg2: memref<256x128xf32, #tpu.memory_space<vmem>>, %arg3: memref<256x128xf32, #tpu.memory_space<vmem>>, %arg4: memref<256x128xf32, #tpu.memory_space<vmem>>, %arg5: memref<1x128xf32, #tpu.memory_space<vmem>>, %arg6: memref<256x56xf32, #tpu.memory_space<vmem>>) attributes {dimension_semantics = [#tpu.dimension_semantics<arbitrary>], iteration_bounds = array<i64: 49>, scalar_prefetch = 0 : i64, scratch_operands = 0 : i64, tpu.core_type = #tpu.core_type<tc>, window_params = [{transform_indices = @transform_0, window_bounds = array<i64: 256, 128>}, {transform_indices = @transform_1, window_bounds = array<i64: 256, 128>}, {transform_indices = @transform_2, window_bounds = array<i64: 256, 128>}, {transform_indices = @transform_3, window_bounds = array<i64: 256, 128>}, {pipeline_mode = #tpu.pipeline_mode<synchronous>, transform_indices = @transform_4, window_bounds = array<i64: 1, 128>}, {transform_indices = @transform_5, window_bounds = array<i64: 256, 56>}]} {
    %get3A = arith.constant 0 : index
    %get3A_0 = arith.constant 0 : index
    %get3A_1 = vector.load %arg1[%get3A, %get3A_0] : memref<256x128xf32, #tpu.memory_space<vmem>>, vector<256x128xf32>
    %get3A_2 = arith.constant 0 : index
    %get3A_3 = arith.constant 0 : index
    %get3A_4 = vector.load %arg2[%get3A_2, %get3A_3] : memref<256x128xf32, #tpu.memory_space<vmem>>, vector<256x128xf32>
    %add3A = arith.addf %get3A_1, %get3A_4 : vector<256x128xf32>
    %get3A_5 = arith.constant 0 : index
    %get3A_6 = arith.constant 0 : index
    %get3A_7 = vector.load %arg3[%get3A_5, %get3A_6] : memref<256x128xf32, #tpu.memory_space<vmem>>, vector<256x128xf32>
    %add3A_8 = arith.addf %add3A, %get3A_7 : vector<256x128xf32>
    %get3A_9 = arith.constant 0 : index
    %get3A_10 = arith.constant 0 : index
    %get3A_11 = vector.load %arg4[%get3A_9, %get3A_10] : memref<256x128xf32, #tpu.memory_space<vmem>>, vector<256x128xf32>
    %mul3A = arith.mulf %add3A_8, %get3A_11 : vector<256x128xf32>
    %get3A_12 = arith.constant 0 : index
    %get3A_13 = arith.constant 0 : index
    %get3A_14 = vector.load %arg5[%get3A_12, %get3A_13] : memref<1x128xf32, #tpu.memory_space<vmem>>, vector<1x128xf32>
    %add3A_15 = vector.broadcast %get3A_14 : vector<1x128xf32> to vector<256x128xf32>
    %add3A_16 = arith.addf %mul3A, %add3A_15 : vector<256x128xf32>
    %iota3A = tpu.iota {dimensions = array<i32: 1>} : vector<256x128xi32>
    %jit3A = arith.constant 16 : i32
    %eq3A = arith.constant 0 : i32
    %eq3A_17 = arith.cmpi eq, %jit3A, %eq3A : i32
    %jit3A_18 = arith.constant 1 : i32
    %select_n3A = arith.select %eq3A_17, %jit3A_18, %jit3A : i32
    %rem3A = vector.broadcast %select_n3A : i32 to vector<256x128xi32>
    %rem3A_19 = arith.remsi %iota3A, %rem3A : vector<256x128xi32>
    %ne3A = arith.constant 0 : i32
    %ne3A_20 = vector.broadcast %ne3A : i32 to vector<256x128xi32>
    %ne3A_21 = arith.cmpi ne, %rem3A_19, %ne3A_20 : vector<256x128xi32>
    %lt3A = arith.constant 0 : i32
    %lt3A_22 = vector.broadcast %lt3A : i32 to vector<256x128xi32>
    %lt3A_23 = arith.cmpi slt, %rem3A_19, %lt3A_22 : vector<256x128xi32>
    %lt3A_24 = arith.constant 0 : i32
    %lt3A_25 = arith.cmpi slt, %select_n3A, %lt3A_24 : i32
    %ne3A_26 = vector.broadcast %lt3A_25 : i1 to vector<256x128xi1>
    %ne3A_27 = vector.broadcast %ne3A_26 : vector<256x128xi1> to vector<256x128xi1>
    %ne3A_28 = arith.xori %lt3A_23, %ne3A_27 : vector<256x128xi1>
    %and3A = arith.andi %ne3A_28, %ne3A_21 : vector<256x128xi1>
    %add3A_29 = vector.broadcast %select_n3A : i32 to vector<256x128xi32>
    %add3A_30 = arith.addi %rem3A_19, %add3A_29 : vector<256x128xi32>
    %select_n3A_31 = arith.select %and3A, %add3A_30, %rem3A_19 : vector<256x128xi1>, vector<256x128xi32>
    %lt3A_32 = arith.constant 7 : i32
    %lt3A_33 = vector.broadcast %lt3A_32 : i32 to vector<256x128xi32>
    %lt3A_34 = arith.cmpi slt, %select_n3A_31, %lt3A_33 : vector<256x128xi32>
    %exp3A = math.exp %add3A_16 : vector<256x128xf32>
    %jit3A_35 = arith.constant 0.000000e+00 : f32
    %broadcast_in_dim3A = vector.broadcast %jit3A_35 : f32 to vector<256x128xf32>
    %select_n3A_36 = arith.select %lt3A_34, %exp3A, %broadcast_in_dim3A : vector<256x128xi1>, vector<256x128xf32>
    %iota3A_37 = tpu.iota {dimensions = array<i32: 0>} : vector<128x128xi32>
    %jit3A_38 = arith.constant 16 : i32
    %div3A = vector.broadcast %jit3A_38 : i32 to vector<128x128xi32>
    %div3A_39 = arith.divsi %iota3A_37, %div3A : vector<128x128xi32>
    %sign3A = arith.constant 0 : i32
    %sign3A_40 = vector.broadcast %sign3A : i32 to vector<128x128xi32>
    %sign3A_41 = arith.cmpi sgt, %iota3A_37, %sign3A_40 : vector<128x128xi32>
    %sign3A_42 = arith.extui %sign3A_41 : vector<128x128xi1> to vector<128x128xi32>
    %sign3A_43 = arith.constant 0 : i32
    %sign3A_44 = vector.broadcast %sign3A_43 : i32 to vector<128x128xi32>
    %sign3A_45 = arith.cmpi slt, %iota3A_37, %sign3A_44 : vector<128x128xi32>
    %sign3A_46 = arith.extui %sign3A_45 : vector<128x128xi1> to vector<128x128xi32>
    %sign3A_47 = arith.subi %sign3A_42, %sign3A_46 : vector<128x128xi32>
    %sign3A_48 = arith.constant 0 : i32
    %sign3A_49 = arith.cmpi sgt, %jit3A_38, %sign3A_48 : i32
    %sign3A_50 = arith.extui %sign3A_49 : i1 to i32
    %sign3A_51 = arith.constant 0 : i32
    %sign3A_52 = arith.cmpi slt, %jit3A_38, %sign3A_51 : i32
    %sign3A_53 = arith.extui %sign3A_52 : i1 to i32
    %sign3A_54 = arith.subi %sign3A_50, %sign3A_53 : i32
    %ne3A_55 = vector.broadcast %sign3A_54 : i32 to vector<128x128xi32>
    %ne3A_56 = arith.cmpi ne, %sign3A_47, %ne3A_55 : vector<128x128xi32>
    %rem3A_57 = vector.broadcast %jit3A_38 : i32 to vector<128x128xi32>
    %rem3A_58 = arith.remsi %iota3A_37, %rem3A_57 : vector<128x128xi32>
    %ne3A_59 = arith.constant 0 : i32
    %ne3A_60 = vector.broadcast %ne3A_59 : i32 to vector<128x128xi32>
    %ne3A_61 = arith.cmpi ne, %rem3A_58, %ne3A_60 : vector<128x128xi32>
    %and3A_62 = arith.andi %ne3A_56, %ne3A_61 : vector<128x128xi1>
    %sub3A = arith.constant 1 : i32
    %sub3A_63 = vector.broadcast %sub3A : i32 to vector<128x128xi32>
    %sub3A_64 = arith.subi %div3A_39, %sub3A_63 : vector<128x128xi32>
    %select_n3A_65 = arith.select %and3A_62, %sub3A_64, %div3A_39 : vector<128x128xi1>, vector<128x128xi32>
    %iota3A_66 = tpu.iota {dimensions = array<i32: 1>} : vector<128x128xi32>
    %jit3A_67 = arith.constant 16 : i32
    %div3A_68 = vector.broadcast %jit3A_67 : i32 to vector<128x128xi32>
    %div3A_69 = arith.divsi %iota3A_66, %div3A_68 : vector<128x128xi32>
    %sign3A_70 = arith.constant 0 : i32
    %sign3A_71 = vector.broadcast %sign3A_70 : i32 to vector<128x128xi32>
    %sign3A_72 = arith.cmpi sgt, %iota3A_66, %sign3A_71 : vector<128x128xi32>
    %sign3A_73 = arith.extui %sign3A_72 : vector<128x128xi1> to vector<128x128xi32>
    %sign3A_74 = arith.constant 0 : i32
    %sign3A_75 = vector.broadcast %sign3A_74 : i32 to vector<128x128xi32>
    %sign3A_76 = arith.cmpi slt, %iota3A_66, %sign3A_75 : vector<128x128xi32>
    %sign3A_77 = arith.extui %sign3A_76 : vector<128x128xi1> to vector<128x128xi32>
    %sign3A_78 = arith.subi %sign3A_73, %sign3A_77 : vector<128x128xi32>
    %sign3A_79 = arith.constant 0 : i32
    %sign3A_80 = arith.cmpi sgt, %jit3A_67, %sign3A_79 : i32
    %sign3A_81 = arith.extui %sign3A_80 : i1 to i32
    %sign3A_82 = arith.constant 0 : i32
    %sign3A_83 = arith.cmpi slt, %jit3A_67, %sign3A_82 : i32
    %sign3A_84 = arith.extui %sign3A_83 : i1 to i32
    %sign3A_85 = arith.subi %sign3A_81, %sign3A_84 : i32
    %ne3A_86 = vector.broadcast %sign3A_85 : i32 to vector<128x128xi32>
    %ne3A_87 = arith.cmpi ne, %sign3A_78, %ne3A_86 : vector<128x128xi32>
    %rem3A_88 = vector.broadcast %jit3A_67 : i32 to vector<128x128xi32>
    %rem3A_89 = arith.remsi %iota3A_66, %rem3A_88 : vector<128x128xi32>
    %ne3A_90 = arith.constant 0 : i32
    %ne3A_91 = vector.broadcast %ne3A_90 : i32 to vector<128x128xi32>
    %ne3A_92 = arith.cmpi ne, %rem3A_89, %ne3A_91 : vector<128x128xi32>
    %and3A_93 = arith.andi %ne3A_87, %ne3A_92 : vector<128x128xi1>
    %sub3A_94 = arith.constant 1 : i32
    %sub3A_95 = vector.broadcast %sub3A_94 : i32 to vector<128x128xi32>
    %sub3A_96 = arith.subi %div3A_69, %sub3A_95 : vector<128x128xi32>
    %select_n3A_97 = arith.select %and3A_93, %sub3A_96, %div3A_69 : vector<128x128xi1>, vector<128x128xi32>
    %eq3A_98 = arith.cmpi eq, %select_n3A_65, %select_n3A_97 : vector<128x128xi32>
    %convert_element_type3A = arith.extui %eq3A_98 : vector<128x128xi1> to vector<128x128xi32>
    %convert_element_type3A_99 = arith.sitofp %convert_element_type3A : vector<128x128xi32> to vector<128x128xf32>
    %dot_general3A = arith.constant dense<0.000000e+00> : vector<256x128xf32>
    %dot_general3A_100 = tpu.matmul %select_n3A_36, %convert_element_type3A_99, %dot_general3A {dimension_numbers = #tpu.dot_dimension_numbers<[1], [0], [0], [1], [0, 0, 1, 1], [], []>, precision = #tpu.contract_precision<fp32>, transpose_lhs_hint = false} : vector<256x128xf32>, vector<128x128xf32>, vector<256x128xf32> -> vector<256x128xf32>
    %log3A = math.log %dot_general3A_100 : vector<256x128xf32>
    %sub3A_101 = arith.subf %add3A_16, %log3A : vector<256x128xf32>
    %iota3A_102 = tpu.iota {dimensions = array<i32: 0>} : vector<128x56xi32>
    %iota3A_103 = tpu.iota {dimensions = array<i32: 1>} : vector<128x56xi32>
    %jit3A_104 = arith.constant 7 : i32
    %div3A_105 = vector.broadcast %jit3A_104 : i32 to vector<128x56xi32>
    %div3A_106 = arith.divsi %iota3A_103, %div3A_105 : vector<128x56xi32>
    %sign3A_107 = arith.constant 0 : i32
    %sign3A_108 = vector.broadcast %sign3A_107 : i32 to vector<128x56xi32>
    %sign3A_109 = arith.cmpi sgt, %iota3A_103, %sign3A_108 : vector<128x56xi32>
    %sign3A_110 = arith.extui %sign3A_109 : vector<128x56xi1> to vector<128x56xi32>
    %sign3A_111 = arith.constant 0 : i32
    %sign3A_112 = vector.broadcast %sign3A_111 : i32 to vector<128x56xi32>
    %sign3A_113 = arith.cmpi slt, %iota3A_103, %sign3A_112 : vector<128x56xi32>
    %sign3A_114 = arith.extui %sign3A_113 : vector<128x56xi1> to vector<128x56xi32>
    %sign3A_115 = arith.subi %sign3A_110, %sign3A_114 : vector<128x56xi32>
    %sign3A_116 = arith.constant 0 : i32
    %sign3A_117 = arith.cmpi sgt, %jit3A_104, %sign3A_116 : i32
    %sign3A_118 = arith.extui %sign3A_117 : i1 to i32
    %sign3A_119 = arith.constant 0 : i32
    %sign3A_120 = arith.cmpi slt, %jit3A_104, %sign3A_119 : i32
    %sign3A_121 = arith.extui %sign3A_120 : i1 to i32
    %sign3A_122 = arith.subi %sign3A_118, %sign3A_121 : i32
    %ne3A_123 = vector.broadcast %sign3A_122 : i32 to vector<128x56xi32>
    %ne3A_124 = arith.cmpi ne, %sign3A_115, %ne3A_123 : vector<128x56xi32>
    %rem3A_125 = vector.broadcast %jit3A_104 : i32 to vector<128x56xi32>
    %rem3A_126 = arith.remsi %iota3A_103, %rem3A_125 : vector<128x56xi32>
    %ne3A_127 = arith.constant 0 : i32
    %ne3A_128 = vector.broadcast %ne3A_127 : i32 to vector<128x56xi32>
    %ne3A_129 = arith.cmpi ne, %rem3A_126, %ne3A_128 : vector<128x56xi32>
    %and3A_130 = arith.andi %ne3A_124, %ne3A_129 : vector<128x56xi1>
    %sub3A_131 = arith.constant 1 : i32
    %sub3A_132 = vector.broadcast %sub3A_131 : i32 to vector<128x56xi32>
    %sub3A_133 = arith.subi %div3A_106, %sub3A_132 : vector<128x56xi32>
    %select_n3A_134 = arith.select %and3A_130, %sub3A_133, %div3A_106 : vector<128x56xi1>, vector<128x56xi32>
    %mul3A_135 = arith.constant 16 : i32
    %mul3A_136 = vector.broadcast %mul3A_135 : i32 to vector<128x56xi32>
    %mul3A_137 = arith.muli %select_n3A_134, %mul3A_136 : vector<128x56xi32>
    %jit3A_138 = arith.constant 7 : i32
    %eq3A_139 = arith.constant 0 : i32
    %eq3A_140 = arith.cmpi eq, %jit3A_138, %eq3A_139 : i32
    %jit3A_141 = arith.constant 1 : i32
    %select_n3A_142 = arith.select %eq3A_140, %jit3A_141, %jit3A_138 : i32
    %rem3A_143 = vector.broadcast %select_n3A_142 : i32 to vector<128x56xi32>
    %rem3A_144 = arith.remsi %iota3A_103, %rem3A_143 : vector<128x56xi32>
    %ne3A_145 = arith.constant 0 : i32
    %ne3A_146 = vector.broadcast %ne3A_145 : i32 to vector<128x56xi32>
    %ne3A_147 = arith.cmpi ne, %rem3A_144, %ne3A_146 : vector<128x56xi32>
    %lt3A_148 = arith.constant 0 : i32
    %lt3A_149 = vector.broadcast %lt3A_148 : i32 to vector<128x56xi32>
    %lt3A_150 = arith.cmpi slt, %rem3A_144, %lt3A_149 : vector<128x56xi32>
    %lt3A_151 = arith.constant 0 : i32
    %lt3A_152 = arith.cmpi slt, %select_n3A_142, %lt3A_151 : i32
    %ne3A_153 = vector.broadcast %lt3A_152 : i1 to vector<128x56xi1>
    %ne3A_154 = vector.broadcast %ne3A_153 : vector<128x56xi1> to vector<128x56xi1>
    %ne3A_155 = arith.xori %lt3A_150, %ne3A_154 : vector<128x56xi1>
    %and3A_156 = arith.andi %ne3A_155, %ne3A_147 : vector<128x56xi1>
    %add3A_157 = vector.broadcast %select_n3A_142 : i32 to vector<128x56xi32>
    %add3A_158 = arith.addi %rem3A_144, %add3A_157 : vector<128x56xi32>
    %select_n3A_159 = arith.select %and3A_156, %add3A_158, %rem3A_144 : vector<128x56xi1>, vector<128x56xi32>
    %add3A_160 = arith.addi %mul3A_137, %select_n3A_159 : vector<128x56xi32>
    %eq3A_161 = arith.cmpi eq, %iota3A_102, %add3A_160 : vector<128x56xi32>
    %convert_element_type3A_162 = arith.extui %eq3A_161 : vector<128x56xi1> to vector<128x56xi32>
    %convert_element_type3A_163 = arith.sitofp %convert_element_type3A_162 : vector<128x56xi32> to vector<128x56xf32>
    %dot_general3A_164 = arith.constant dense<0.000000e+00> : vector<256x56xf32>
    %dot_general3A_165 = tpu.matmul %sub3A_101, %convert_element_type3A_163, %dot_general3A_164 {dimension_numbers = #tpu.dot_dimension_numbers<[1], [0], [0], [1], [0, 0, 1, 1], [], []>, precision = #tpu.contract_precision<fp32>, transpose_lhs_hint = false} : vector<256x128xf32>, vector<128x56xf32>, vector<256x56xf32> -> vector<256x56xf32>
    %swap3A = arith.constant 0 : index
    %swap3A_166 = arith.constant 0 : index
    %swap3A_167 = vector.load %arg6[%swap3A, %swap3A_166] : memref<256x56xf32, #tpu.memory_space<vmem>>, vector<256x56xf32>
    tpu.vector_store %arg6[%swap3A, %swap3A_166], %dot_general3A_165 {strides = array<i32>} : memref<256x56xf32, #tpu.memory_space<vmem>>, vector<256x56xf32>,
    return
  }
  func.func @transform_0(%arg0: i32) -> (i32, i32) {
    %c0_i32 = arith.constant 0 : i32
    %c0_i32_0 = arith.constant 0 : i32
    return %arg0, %c0_i32 : i32, i32
  }
  func.func @transform_1(%arg0: i32) -> (i32, i32) {
    %c0_i32 = arith.constant 0 : i32
    %c0_i32_0 = arith.constant 0 : i32
    return %arg0, %c0_i32 : i32, i32
  }
  func.func @transform_2(%arg0: i32) -> (i32, i32) {
    %c0_i32 = arith.constant 0 : i32
    %c0_i32_0 = arith.constant 0 : i32
    return %arg0, %c0_i32 : i32, i32
  }
  func.func @transform_3(%arg0: i32) -> (i32, i32) {
    %c0_i32 = arith.constant 0 : i32
    %c0_i32_0 = arith.constant 0 : i32
    return %arg0, %c0_i32 : i32, i32
  }
  func.func @transform_4(%arg0: i32) -> (i32, i32) {
    %c0_i32 = arith.constant 0 : i32
    %c0_i32_0 = arith.constant 0 : i32
    %c0_i32_1 = arith.constant 0 : i32
    return %c0_i32, %c0_i32_0 : i32, i32
  }
  func.func @transform_5(%arg0: i32) -> (i32, i32) {
    %c0_i32 = arith.constant 0 : i32
    %c0_i32_0 = arith.constant 0 : i32
    return %arg0, %c0_i32 : i32, i32
  }
}

</mosaic_0001>

<sc_bundles>
// kernel: kernel.12.cloned.1.call-start
scs
__scs_entry_jumppad:
0x0: {  	(pc) =	sbr.rel $0x88, $3  }
0x1: {  	(tag) =	ssettag $0x0;
	lr =	simm.s32 $0x1  }
0x2: {  	[smem:$0x3F9B] =	sst lr;
	_ =	strace $0xD0000000  }
0x3: {  	_ = 	snop  }
0x4: {  	_ = 	snop  }
0x5: {  	_ = 	snop  }
0x6: {  	_ = 	snop  }
0x7: {  	_ = 	snop  }
__scs_overlays_trampoline_lowered:
0x8: {  	[smem:$0x3FAA] =	sst s0  }
0x9: {  	[smem:$0x3FAB] =	sst s1  }
0xa: {  	[smem:$0x3FAC] =	sst s2  }
0xb: {  	[smem:$0x3FAD] =	sst s3  }
0xc: {  	[smem:$0x3FAE] =	sst s4  }
0xd: {  	[smem:$0x3FAF] =	sst s5  }
0xe: {  	[smem:$0x3FB0] =	sst s6  }
0xf: {  	[smem:$0x3FB1] =	sst s7  }
0x10: {  	[smem:$0x3FB2] =	sst s8  }
0x11: {  	[smem:$0x3FB3] =	sst s9;
	s0 =	simm.s32 @!p0 $0x0  }
0x12: {  	s1 =	sld [smem:$0x3F99];
	s0 =	simm.s32 @p0 $0x1  }
0x13: {  	[smem:$0x3FB4] =	sst s0;
	s0 =	simm.s32 @!p1 $0x0  }
0x14: {  	s2 =	sld [smem:$0x3F98];
	s0 =	simm.s32 @p1 $0x1  }
0x15: {  	[smem:$0x3FB5] =	sst s0;
	s0 =	simm.s32 @!p2 $0x0  }
0x16: {  	s3 =	sld [smem:$0x3FDB];
	s0 =	simm.s32 @p2 $0x1  }
0x17: {  	s4 =	simm.s32 $0x1BF5;
	[smem:$0x3FB7] =	sst s0  }
0x18: {  	s0 =	sld [smem:$0x3F9A];
	_ =	swait.ge [sflag:s4], $0x0  }
0x19: {  	s7 =	sld [smem:$0x3F9B]  }
0x1a: {  	s8 =	sadd.s32 $0xFFFFE003, lr  }
0x1b: {  	s9 =	sadd.s32 $0xFFFFFEF7, lr;
	s5 =	simm.s32 $0xFFFFFFFF;
	p2 =	slt.u32 s8, $0xFFFFF086  }
0x1c: {  	p1 =	slt.u32 s9, $0xF7A;
	s5 =	simm.s32 @!p2 $0x0  }
0x1d: {  	s5 =	simm.s32 @p1 $0x1;
	p0 =	seq.s32 s7, s2  }
0x1e: {  	s7 =	smul.u32 @!p0 $0xF7A, s2;
	p2 =	seq.s32 @!p0 s5, $0x0  }
0x1f: {  	s9 =	smul.u32 $0xF7A, s1;
	s8 =	simm.s32 @!p0 $0x1BF5;
	p2 =	por !p2, p0  }
0x20: {  	[sflag:s8] =	ssyncset.s32 @!p0 $0xFFFFF086;
	s6 =	sadd.s32 @!p0 s3, s7;
	s7 =	simm.s32 @!p0 $0x108  }
0x21: {  	s3 =	sadd.s32 s3, s9;
	s6 =	sadd.s32 @!p0 $0x88, s6;
	s7 =	simm.s32 @p2 $0x1082  }
0x22: {  	[simem:s7], [sflag:s8] =	dma.local @!p0 [hbm:s6], $0xF7A  }
0x23: {  	s9 =	sor.u32 $0xD0000000, s2;
	s6 =	simm.s32 $0x108;
	_ =	swait.ge @!p0 [sflag:s8], $0x0  }
0x24: {  	s3 =	sadd.s32 $0x88, s3;
	s6 =	simm.s32 @!p1 $0x1082;
	[sflag:s4] =	ssyncset.s32 $0xFFFFF086  }
0x25: {  	[simem:s6], [sflag:s4] =	dma.local [hbm:s3], $0xF7A  }
0x26: {  	[smem:$0x3F9B] =	sst s1;
	(tag) =	ssettag s2;
	_ =	strace s9  }
0x27: {  	s1 =	sld [smem:$0x3FAB]  }
0x28: {  	s2 =	sld [smem:$0x3FAC]  }
0x29: {  	s4 =	sld [smem:$0x3FAE]  }
0x2a: {  	p0 =	seq.s32 s5, $0x0;
	s5 =	sld [smem:$0x3FAF]  }
0x2b: {  	s6 =	sld [smem:$0x3FB0]  }
0x2c: {  	s7 =	sld [smem:$0x3FB1]  }
0x2d: {  	s3 =	simm.s32 $0x108;
	s8 =	sld [smem:$0x3FB2]  }
0x2e: {  	s3 =	simm.s32 @!p0 $0x1082;
	s9 =	sld [smem:$0x3FB3]  }
0x2f: {  	lr =	sadd.s32 s0, s3;
	s0 =	sld [smem:$0x3FAA]  }
0x30: {  	s3 =	sld [smem:$0x3FAD]  }
0x31: {  	[smem:$0x3FB6] =	sst s10  }
0x32: {  	s10 =	sld [smem:$0x3FB4];
	_ =	sdelay $0x3  }
0x33: {  	p0 =	seq.s32 s10, $0x1;
	s10 =	sld [smem:$0x3FB6];
	_ =	sdelay $0x3  }
0x34: {  	[smem:$0x3FB6] =	sst s10  }
0x35: {  	s10 =	sld [smem:$0x3FB5];
	_ =	sdelay $0x3  }
0x36: {  	p1 =	seq.s32 s10, $0x1;
	s10 =	sld [smem:$0x3FB6];
	_ =	sdelay $0x3  }
0x37: {  	[smem:$0x3FB6] =	sst s10  }
0x38: {  	s10 =	sld [smem:$0x3FB7]  }
0x39: {  	_ = 	snop;
	(pc) =	sbr.ind lr, $3  }
0x3a: {  	_ = 	snop  }
0x3b: {  	_ = 	snop  }
0x3c: {  	p2 =	seq.s32 s10, $0x1;
	s10 =	sld [smem:$0x3FB6]  }
0x3d: {  	_ =	shalt  }
0x3e: {  	_ =	shalt  }
0x3f: {  	_ =	shalt  }
0x40: {  	_ =	shalt  }
0x41: {  	_ =	shalt  }
0x42: {  	_ =	shalt  }
0x43: {  	_ =	shalt  }
0x44: {  	_ =	shalt  }
0x45: {  	_ =	shalt  }
0x46: {  	_ =	shalt  }
0x47: {  	_ =	shalt  }
0x48: {  	_ =	shalt  }
0x49: {  	_ =	shalt  }
0x4a: {  	_ =	shalt  }
0x4b: {  	_ =	shalt  }
0x4c: {  	_ =	shalt  }
0x4d: {  	_ =	shalt  }
0x4e: {  	_ =	shalt  }
0x4f: {  	_ =	shalt  }
0x50: {  	_ =	shalt  }
0x51: {  	_ =	shalt  }
0x52: {  	_ =	shalt  }
0x53: {  	_ =	shalt  }
0x54: {  	_ =	shalt  }
0x55: {  	_ =	shalt  }
0x56: {  	_ =	shalt  }
0x57: {  	_ =	shalt  }
0x58: {  	_ =	shalt  }
0x59: {  	_ =	shalt  }
0x5a: {  	_ =	shalt  }
0x5b: {  	_ =	shalt  }
0x5c: {  	_ =	shalt  }
0x5d: {  	_ =	shalt  }
0x5e: {  	_ =	shalt  }
0x5f: {  	_ =	shalt  }
0x60: {  	_ =	shalt  }
0x61: {  	_ =	shalt  }
0x62: {  	_ =	shalt  }
0x63: {  	_ =	shalt  }
0x64: {  	_ =	shalt  }
0x65: {  	_ =	shalt  }
0x66: {  	_ =	shalt  }
0x67: {  	_ =	shalt  }
0x68: {  	_ =	shalt  }
0x69: {  	_ =	shalt  }
0x6a: {  	_ =	shalt  }
0x6b: {  	_ =	shalt  }
0x6c: {  	_ =	shalt  }
0x6d: {  	_ =	shalt  }
0x6e: {  	_ =	shalt  }
0x6f: {  	_ =	shalt  }
0x70: {  	_ =	shalt  }
0x71: {  	_ =	shalt  }
0x72: {  	_ =	shalt  }
0x73: {  	_ =	shalt  }
0x74: {  	_ =	shalt  }
0x75: {  	_ =	shalt  }
0x76: {  	_ =	shalt  }
0x77: {  	_ =	shalt  }
0x78: {  	_ =	shalt  }
0x79: {  	_ =	shalt  }
0x7a: {  	_ =	shalt  }
0x7b: {  	_ =	shalt  }
0x7c: {  	_ =	shalt  }
0x7d: {  	_ =	shalt  }
0x7e: {  	_ =	shalt  }
0x7f: {  	_ =	shalt  }
0x80: {  	_ =	shalt  }
0x81: {  	_ =	shalt  }
0x82: {  	_ =	shalt  }
0x83: {  	_ =	shalt  }
0x84: {  	_ =	shalt  }
0x85: {  	_ =	shalt  }
0x86: {  	_ =	shalt  }
0x87: {  	_ =	shalt  }
.Lfunc_end0:
.L_simem_size_0:
called_computation.1_lowered:
.L_overlay_start_0:
0x88: {  	s2 =	sld [smem:$0x3FD9]  }
0x89: {  	s3 =	sld [smem:$0x3FFE];
	_ =	sdelay $0x1  }
0x8a: {  	s1 =	srdreg.scid  }
0x8b: {  	s0 =	sand.u32 $0x1, s1  }
0x8c: {  	s17 =	sshll.u32 s0, $0xA;
	s2 =	sadd.s32 s3, s2  }
0x8d: {  	s2 =	sadd.s32 s2, s17  }
0x8e: {  	[smem:$0x3FC2] =	sst s2  }
0x8f: {  	_ = 	snop  }
0x90: {  	s2 =	sld [smem:$0x3FD0];
	(tm) =	ssettm $0x1  }
0x91: {  	s18 =	sld [smem:$0x3FFB];
	_ =	sdelay $0x3  }
0x92: {  	_ =	strace s18  }
0x93: {  	s3 =	sld [smem:$0x3FFC];
	_ =	sdelay $0x3  }
0x94: {  	_ =	strace s3  }
0x95: {  	s3 =	sld [smem:$0x3FFD];
	_ =	sdelay $0x3  }
0x96: {  	_ =	strace s3  }
0x97: {  	_ =	strace $0x8FFFFFFF  }
0x98: {  	s19 =	sld [smem:$0x3FDB];
	_ =	sdelay $0x1  }
0x99: {  	s4 =	simm.s32 $_scs_section_size  }
0x9a: {  	s5 =	simm.s32 $_size__tile_overlayer_lowered;
	s6 =	simm.s32 $_tile_overlayer_lowered  }
0x9b: {  	s22 =	simm.s32 $0x1BFF;
	s21 =	sshll.u32 s6, $0x1;
	s3 =	sadd.s32 s4, s19  }
0x9c: {  	s7 =	simm.s32 $0x0;
	s20 =	sshll.u32 s5, $0x1;
	s5 =	sadd.s32 s21, s3  }
0x9d: {  	[timem:s7], [sflag:s22] =	dma.local [hbm:s5], s20  }
0x9e: {  	_ =	swait.ge [sflag:s22], s20  }
0x9f: {  	s4 =	ssub.s32 $0x0, s20;
	[sflag:s22] =	ssyncset.done $0x0  }
0xa0: {  	[sflag:s22] =	ssyncadd.s32 s4;
	_ =	sdelay $0x1  }
0xa1: {  	s23 =	simm.s32 $0x1B8B  }
0xa2: {  	_ =	swait.ge [sflag:s23], $0x1  }
0xa3: {  	[sflag:s23] =	ssyncset.done $0x0  }
0xa4: {  	s25 =	simm.s32 $0x1B8E;
	s24 =	sld [smem:$0x3FFE];
	[sflag:s23] =	ssyncadd.s32 $0xFFFFFFFF  }
0xa5: {  	s26 =	simm.s32 $execute0_lowered;
	[smem:$0x3FD2] =	sst s25  }
0xa6: {  	s5 =	sshll.u32 s26, $0x1;
	_ =	strace $0x80000049;
	[dreg:$0x1] =	wrdreg $0xFFFFFFFF  }
0xa7: {  	s28 =	simm.s32 $_size_execute0_lowered;
	s3 =	sadd.s32 s3, s5;
	[dreg:$0x0] =	wrdreg $0x0  }
0xa8: {  	s5 =	sshll.u32 s28, $0x1;
	[dreg:$0x2] =	wrdreg s3  }
0xa9: {  	[dreg:$0x3] =	wrdreg s5  }
0xaa: {  	[dreg:$0x4] =	wrdreg $0xC0  }
0xab: {  	_ =	task [dreg:s7], $0x5FFFF  }
0xac: {  	[dreg:$0x1] =	wrdreg $0xFFFFFFFF  }
0xad: {  	[dreg:$0x0] =	wrdreg $0x60  }
0xae: {  	[dreg:$0x2] =	wrdreg s2  }
0xaf: {  	[dreg:$0x3] =	wrdreg s24  }
0xb0: {  	[dreg:$0x4] =	wrdreg $0x9  }
0xb1: {  	_ =	task.clear_ibuf [dreg:s7], $0x5FFFF;
	_ =	strace $0x90000049  }
0xb2: {  	s29 =	simm.s32 $0x9;
	_ =	strace $0x8000004B  }
0xb3: {  	_ =	swait.ge [sflag:s29], $0x1  }
0xb4: {  	[sflag:s29] =	ssyncadd.s32 $0xFFFFFFFF  }
0xb5: {  	_ =	strace $0x9000004B  }
0xb6: {  	_ =	sfence  }
0xb7: {  	s30 =	sld [smem:$0x0];
	_ =	sdelay $0x2  }
0xb8: {  	s31 =	sshll.u32 s1, $0xD;
	s1 =	sshrl.u32 s1, $0x2  }
0xb9: {  	s3 =	sand.u32 $0x4000, s31;
	s1 =	sadd.s32 s1, s30  }
0xba: {  	s0 =	sor.u32 s3, s0;
	s1 =	sshll.u32 s1, $0x11  }
0xbb: {  	s0 =	sor.u32 s1, s0  }
0xbc: {  	s0 =	sadd.s32 $0x8F2B, s0  }
0xbd: {  	[sflag:s0] =	ssyncadd.remote.s32 $0x1  }
0xbe: {  	_ =	sfence.sel $0xFFFF  }
0xbf: {  	[dreg:$0x0] =	wrdreg $0xFFFFFFFF;
	(pc) =	sbr.abs _section_cstart, $3  }
0xc0: {  	[dreg:$0x1] =	wrdreg $0xFFFFFFFF  }
0xc1: {  	_ =	task.clear_ibuf [dreg:s7], $0x2FFFF;
	_ =	strace $0x9FFFFFFF  }
0xc2: {  	(tm) =	ssettm $0x7FFFFFFF  }
0xc3: {  	_ =	shalt  }
tec
execute0_lowered:
.L_overlay_start_1:
0x0: {  	(tag) =	ssettag $0x1  }
0x1: {  	s0 =	srdreg.scid  }
0x2: {  	s3 =	sand.u32 $0x1, s0  }
0x3: {  	s4 =	rddreg [dreg:$0x0];
	s0 =	stileid.u32;
	s1 =	sshll.u32 s3, $0x4  }
0x4: {  	s5 =	rddreg [dreg:$0x1];
	s2 =	simm.s32 $0x0;
	s6 =	sor.u32 s0, s1  }
0x5: {  	s9 =	simm.s32 $0x24C0;
	s10 =	simm.s32 $0x0;
	s7 =	smul.u32 $0x188, s6  }
0x6: {  	[smem:$0x7FF] =	sst s2;
	s3 =	ssub.s32 $0x2, s3;
	s6 =	smul.u32 $0x1880, s6  }
0x7: {  	s1 =	rddreg [dreg:$0x2];
	_ =	strace $0x8000004A;
	s31 =	sshrl.u32 s3, $0x1  }
0x8: {  	s8 =	sadd.s32 s7, s5;
	s5 =	sadd.s32 s6, s5;
	s6 =	ssub.s32 s3, s31  }
0x9: {  	s3 =	sadd.s32 s4, s7;
	s7 =	simm.s32 $0x1;
	s4 =	sadd.s32 $0x34000, s8  }
0xa: {  	s5 =	sadd.s32 $0x37200, s5;
	s6 =	smax.u32 s6, $0x1;
	s8 =	simm.s32 $0xC40  }
.LBB2_1:
0xb: {  	[tilespmem:s2], [sflag:$0x1] =	stream.linear.gather [hbm4b:s3+s2], $0xC40, $0x38;
	[tilespmem:$0xE8C0] =	vst v63  }
0xc: {  	_ =	swait.ge [sflag:s7], $0xC40  }
0xd: {  	[sflag:s7] =	ssyncset.done $0x0  }
0xe: {  	[sflag:s7] =	ssyncadd.s32 $0xFFFFF3C0  }
0xf: {  	[tilespmem:s8], [sflag:$0x1] =	stream.linear.gather [hbm4b:s4+s2], $0xC40, $0x38;
	[tilespmem:$0xE8C0] =	vst v63  }
0x10: {  	_ =	swait.ge [sflag:s7], $0xC40  }
0x11: {  	[sflag:s7] =	ssyncset.done $0x0  }
0x12: {  	s12 =	simm.s32 $0x0;
	[sflag:s7] =	ssyncadd.s32 $0xFFFFF3C0  }
0x13: {  	v0 =	vld [tilespmem:s12+$0xC40]  }
0x14: {  	v1 =	vld [tilespmem:s12+$0x0];
	_ =	sdelay $0x2  }
0x15: {  	s11 =	simm.s32 $0x10  }
0x16: {  	v2 =	vld [tilespmem:s11+$0xC40]  }
0x17: {  	v0 =	vadd.f32 v0, v1;
	v1 =	vld [tilespmem:s11+$0x0];
	_ =	sdelay $0x1  }
0x18: {  	v0 =	vadd.f32 $1.000000000e+00, v0;
	_ =	sdelay $0x1  }
0x19: {  	s13 =	simm.s32 $0x20;
	v3 =	vshrl.u32 v0, $0x1;
	v4 =	vmul.f32 $5.000000000e-01, v0  }
0x1a: {  	v5 =	vld [tilespmem:s13+$0x0];
	v0 =	vsub.s32 $0x5F3759DF, v3;
	v1 =	vadd.f32 v2, v1  }
0x1b: {  	v3 =	vld [tilespmem:s13+$0xC40];
	v2 =	vmul.f32 v0, v4  }
0x1c: {  	v1 =	vadd.f32 $1.000000000e+00, v1  }
0x1d: {  	v2 =	vmul.f32 v0, v2  }
0x1e: {  	s14 =	simm.s32 $0x30;
	v6 =	vshrl.u32 v1, $0x1;
	v8 =	vmul.f32 $5.000000000e-01, v1  }
0x1f: {  	v7 =	vld [tilespmem:s14+$0x0];
	v1 =	vsub.f32 $1.500000000e+00, v2;
	v2 =	vsub.s32 $0x5F3759DF, v6  }
0x20: {  	v6 =	vld [tilespmem:s14+$0xC40];
	v3 =	vadd.f32 v3, v5;
	v5 =	vmul.f32 v2, v8  }
0x21: {  	s15 =	simm.s32 $0x40;
	v1 =	vmul.f32 v0, v1  }
0x22: {  	v10 =	vld [tilespmem:s15+$0xC40];
	v0 =	vadd.f32 $1.000000000e+00, v3;
	v3 =	vmul.f32 v2, v5  }
0x23: {  	v11 =	vld [tilespmem:s15+$0x0];
	v5 =	vmul.f32 v1, v4  }
0x24: {  	v9 =	vshrl.u32 v0, $0x1;
	v0 =	vmul.f32 $5.000000000e-01, v0;
	v3 =	vsub.f32 $1.500000000e+00, v3  }
0x25: {  	v9 =	vsub.s32 $0x5F3759DF, v9;
	v6 =	vadd.f32 v6, v7;
	v5 =	vmul.f32 v5, v1  }
0x26: {  	v7 =	vmul.f32 v9, v0;
	v2 =	vmul.f32 v2, v3  }
0x27: {  	v3 =	vsub.f32 $1.500000000e+00, v5;
	v5 =	vadd.f32 $1.000000000e+00, v6  }
0x28: {  	v10 =	vadd.f32 v10, v11;
	v6 =	vmul.f32 v9, v7;
	v7 =	vmul.f32 v2, v8  }
0x29: {  	v3 =	vmul.f32 v3, v1;
	v12 =	vshrl.u32 v5, $0x1;
	v1 =	vmul.f32 $5.000000000e-01, v5  }
0x2a: {  	s16 =	simm.s32 $0x50;
	v6 =	vsub.f32 $1.500000000e+00, v6;
	v5 =	vsub.s32 $0x5F3759DF, v12;
	v7 =	vmul.f32 v7, v2  }
0x2b: {  	v13 =	vld [tilespmem:s16+$0x0];
	v12 =	vmul.f32 v3, v4;
	v11 =	vmul.f32 v5, v1  }
0x2c: {  	v10 =	vadd.f32 $1.000000000e+00, v10;
	v4 =	vmul.f32 v9, v6;
	v9 =	vld [tilespmem:s16+$0xC40];
	v6 =	vsub.f32 $1.500000000e+00, v7  }
0x2d: {  	v7 =	vmul.f32 v12, v3;
	v11 =	vmul.f32 v5, v11  }
0x2e: {  	v15 =	vshrl.u32 v10, $0x1;
	v14 =	vmul.f32 v4, v0;
	v2 =	vmul.f32 v6, v2  }
0x2f: {  	v6 =	vmul.f32 $5.000000000e-01, v10;
	v7 =	vsub.f32 $1.500000000e+00, v7;
	v12 =	vsub.f32 $1.500000000e+00, v11  }
0x30: {  	s17 =	simm.s32 $0x60;
	s18 =	simm.s32 $0x1C0;
	v11 =	vsub.s32 $0x5F3759DF, v15;
	v10 =	vmul.f32 v14, v4;
	v8 =	vmul.f32 v2, v8  }
.LBB2_2:
0x31: {  	s19 =	sshra.s32 s18, $0x2;
	p0 =	sne.s32 s18, $0x30C0;
	s18 =	sadd.s32 $0x40, s18;
	v14 =	vadd.f32 v9, v13;
	v9 =	vld [tilespmem:s17+$0xC40];
	v15 =	vmul.f32 v11, v6;
	v12 =	vmul.f32 v5, v12;
	v16 =	vmovc v6  }
.Ltmp0:
0x32: {  	v5 =	vmovc v11;
	v13 =	vld [tilespmem:s17+$0x0];
	v6 =	vsub.f32 $1.500000000e+00, v10;
	v8 =	vmul.f32 v8, v2;
	v10 =	vmul.f32 v7, v3;
	v3 =	vmovc v2;
	(pc) =	sbr.rel @p0 .LBB2_2-.Ltmp0, $4  }
0x33: {  	v11 =	vadd.f32 $1.000000000e+00, v14;
	v14 =	vmul.f32 v5, v15;
	v15 =	vmul.f32 v12, v1  }
0x34: {  	v2 =	vmul.f32 v6, v4;
	v7 =	vsub.f32 $1.500000000e+00, v8;
	[tilespmem:s12+$0x1880] =	vst v10;
	v4 =	vmov v12;
	s12 =	smov.u32 s11;
	s11 =	smov.u32 s13;
	s13 =	smov.u32 s14  }
0x35: {  	s14 =	smov.u32 s15;
	s15 =	smov.u32 s16;
	s16 =	smov.u32 s17;
	v8 =	vshrl.u32 v11, $0x1;
	v6 =	vmul.f32 $5.000000000e-01, v11;
	v12 =	vsub.f32 $1.500000000e+00, v14  }
0x36: {  	s17 =	smov.u32 s19;
	v10 =	vmul.f32 v15, v4;
	v11 =	vsub.s32 $0x5F3759DF, v8;
	v8 =	vmul.f32 v2, v0;
	v0 =	vmovc v1;
	v1 =	vmovc v16  }
0x37: {  	v14 =	vld [tilespmem:s17+$0xC40]  }
0x38: {  	v15 =	vld [tilespmem:s17+$0x0];
	_ =	sdelay $0x3  }
0x39: {  	v9 =	vadd.f32 v9, v13  }
0x3a: {  	v26 =	vadd.f32 v14, v15  }
0x3b: {  	v9 =	vadd.f32 $1.000000000e+00, v9  }
0x3c: {  	v13 =	vadd.f32 $1.000000000e+00, v26  }
0x3d: {  	v27 =	vmul.f32 v11, v6;
	v28 =	vshrl.u32 v9, $0x1;
	v9 =	vmul.f32 $5.000000000e-01, v9  }
0x3e: {  	v15 =	vsub.s32 $0x5F3759DF, v28;
	v16 =	vshrl.u32 v13, $0x1;
	v13 =	vmul.f32 $5.000000000e-01, v13  }
0x3f: {  	v17 =	vmul.f32 v15, v9;
	v16 =	vsub.s32 $0x5F3759DF, v16  }
0x40: {  	v14 =	vmul.f32 v11, v27;
	v18 =	vmul.f32 v16, v13  }
0x41: {  	v17 =	vmul.f32 v15, v17  }
0x42: {  	v5 =	vmul.f32 v5, v12;
	v14 =	vsub.f32 $1.500000000e+00, v14;
	v29 =	vmul.f32 v16, v18  }
0x43: {  	v3 =	vmul.f32 v7, v3;
	v10 =	vsub.f32 $1.500000000e+00, v10;
	v31 =	vsub.f32 $1.500000000e+00, v17  }
0x44: {  	v32 =	vmul.f32 v5, v1;
	v30 =	vmul.f32 v11, v14;
	v12 =	vsub.f32 $1.500000000e+00, v29  }
0x45: {  	v4 =	vmul.f32 v10, v4;
	v14 =	vmul.f32 v15, v31  }
0x46: {  	v33 =	vmul.f32 v30, v6;
	v12 =	vmul.f32 v16, v12  }
0x47: {  	v7 =	vmul.f32 v32, v5;
	v34 =	vmul.f32 v14, v9  }
0x48: {  	v15 =	vmul.f32 v33, v30;
	v35 =	vmul.f32 v12, v13  }
0x49: {  	v7 =	vsub.f32 $1.500000000e+00, v7;
	v16 =	vmul.f32 v34, v14  }
0x4a: {  	v0 =	vmul.f32 v4, v0;
	v15 =	vsub.f32 $1.500000000e+00, v15;
	v10 =	vmul.f32 v35, v12  }
0x4b: {  	v8 =	vmul.f32 v8, v2;
	v5 =	vmul.f32 v7, v5;
	v37 =	vsub.f32 $1.500000000e+00, v16  }
0x4c: {  	v0 =	vmul.f32 v0, v4;
	v36 =	vmul.f32 v15, v30;
	v10 =	vsub.f32 $1.500000000e+00, v10  }
0x4d: {  	v38 =	vmul.f32 v5, v1;
	v11 =	vmul.f32 v37, v14  }
0x4e: {  	v39 =	vmul.f32 v36, v6;
	v10 =	vmul.f32 v10, v12  }
0x4f: {  	v8 =	vsub.f32 $1.500000000e+00, v8;
	v1 =	vmul.f32 v38, v5;
	v9 =	vmul.f32 v11, v9  }
0x50: {  	v0 =	vsub.f32 $1.500000000e+00, v0;
	v6 =	vmul.f32 v39, v36;
	v12 =	vmul.f32 v10, v13  }
0x51: {  	v40 =	vmul.f32 v8, v2;
	v1 =	vsub.f32 $1.500000000e+00, v1;
	v41 =	vmul.f32 v9, v11  }
0x52: {  	[tilespmem:s12+$0x1880] =	vst v3;
	v0 =	vmul.f32 v0, v4;
	v42 =	vsub.f32 $1.500000000e+00, v6;
	v43 =	vmul.f32 v12, v10  }
0x53: {  	[tilespmem:s11+$0x1880] =	vst v40;
	v1 =	vmul.f32 v1, v5;
	v44 =	vsub.f32 $1.500000000e+00, v41  }
0x54: {  	[tilespmem:s13+$0x1880] =	vst v0;
	v45 =	vmul.f32 v42, v36;
	v46 =	vsub.f32 $1.500000000e+00, v43  }
0x55: {  	[tilespmem:s14+$0x1880] =	vst v1;
	v47 =	vmul.f32 v44, v11  }
0x56: {  	[tilespmem:s15+$0x1880] =	vst v45;
	v48 =	vmul.f32 v46, v10  }
0x57: {  	[tilespmem:s16+$0x1880] =	vst v47  }
0x58: {  	s31 =	simm.s32 $0x0;
	[tilespmem:s17+$0x1880] =	vst v48  }
0x59: {  	v0 =	vld [tilespmem:s31+$0x1880];
	_ =	sdelay $0x4  }
0x5a: {  	v49 =	vbroadcast v0, $0x0  }
0x5b: {  	s11 =	simm.s32 $0x2540;
	v50 =	vbroadcast v0, $0x1  }
0x5c: {  	v51 =	vbroadcast v0, $0x2;
	[tilespmem:s11+$0xFFFFFF80] =	vst v49  }
0x5d: {  	v52 =	vbroadcast v0, $0x3;
	[tilespmem:s11+$0xFFFFFF90] =	vst v50  }
0x5e: {  	v53 =	vbroadcast v0, $0x4;
	[tilespmem:s11+$0xFFFFFFA0] =	vst v51  }
0x5f: {  	v54 =	vbroadcast v0, $0x5;
	[tilespmem:s11+$0xFFFFFFB0] =	vst v52  }
0x60: {  	v55 =	vbroadcast v0, $0x6;
	[tilespmem:s11+$0xFFFFFFC0] =	vst v53  }
0x61: {  	v56 =	vbroadcast v0, $0x7;
	[tilespmem:s11+$0xFFFFFFD0] =	vst v54  }
0x62: {  	v57 =	vbroadcast v0, $0x8;
	[tilespmem:s11+$0xFFFFFFE0] =	vst v55  }
0x63: {  	v58 =	vbroadcast v0, $0x9;
	[tilespmem:s11+$0xFFFFFFF0] =	vst v56  }
0x64: {  	v59 =	vbroadcast v0, $0xA;
	[tilespmem:s11+$0x0] =	vst v57  }
0x65: {  	v60 =	vbroadcast v0, $0xB;
	[tilespmem:s11+$0x10] =	vst v58  }
0x66: {  	v61 =	vbroadcast v0, $0xC;
	[tilespmem:s11+$0x20] =	vst v59  }
0x67: {  	v62 =	vbroadcast v0, $0xD;
	[tilespmem:s11+$0x30] =	vst v60  }
0x68: {  	v63 =	vbroadcast v0, $0xE;
	[tilespmem:s11+$0x40] =	vst v61  }
0x69: {  	v0 =	vbroadcast v0, $0xF;
	[tilespmem:s11+$0x50] =	vst v62  }
0x6a: {  	[tilespmem:s11+$0x60] =	vst v63  }
0x6b: {  	s12 =	simm.s32 $0x80;
	s13 =	simm.s32 $0x10;
	[tilespmem:s11+$0x70] =	vst v0  }
.LBB2_4:
0x6c: {  	p0 =	sne.s32 s12, $0x30C0;
	v0 =	vld [tilespmem:s13+$0x1880];
	_ =	sdelay $0x4  }
0x6d: {  	v1 =	vbroadcast v0, $0x0;
	v2 =	vbroadcast v0, $0x1  }
0x6e: {  	s11 =	sadd.s32 $0x100, s11;
	v3 =	vbroadcast v0, $0x2;
	v4 =	vbroadcast v0, $0x3  }
0x6f: {  	v5 =	vbroadcast v0, $0x5;
	[tilespmem:s11+$0xFFFFFF80] =	vst v1;
	v1 =	vbroadcast v0, $0x4  }
0x70: {  	v6 =	vbroadcast v0, $0x7;
	[tilespmem:s11+$0xFFFFFF90] =	vst v2;
	v2 =	vbroadcast v0, $0x6  }
0x71: {  	v7 =	vbroadcast v0, $0x9;
	[tilespmem:s11+$0xFFFFFFA0] =	vst v3;
	v3 =	vbroadcast v0, $0x8  }
0x72: {  	v8 =	vbroadcast v0, $0xB;
	[tilespmem:s11+$0xFFFFFFB0] =	vst v4;
	v4 =	vbroadcast v0, $0xA  }
0x73: {  	v9 =	vbroadcast v0, $0xD;
	[tilespmem:s11+$0xFFFFFFC0] =	vst v1;
	v1 =	vbroadcast v0, $0xC  }
0x74: {  	[tilespmem:s11+$0xFFFFFFD0] =	vst v5;
	v5 =	vbroadcast v0, $0xE;
	v0 =	vbroadcast v0, $0xF  }
0x75: {  	[tilespmem:s11+$0xFFFFFFE0] =	vst v2  }
0x76: {  	[tilespmem:s11+$0xFFFFFFF0] =	vst v6  }
0x77: {  	[tilespmem:s11+$0x0] =	vst v3  }
0x78: {  	[tilespmem:s11+$0x10] =	vst v7  }
0x79: {  	[tilespmem:s11+$0x20] =	vst v4  }
.Ltmp1:
0x7a: {  	[tilespmem:s11+$0x30] =	vst v8;
	(pc) =	sbr.rel @p0 .LBB2_4-.Ltmp1, $4  }
0x7b: {  	[tilespmem:s11+$0x40] =	vst v1  }
0x7c: {  	[tilespmem:s11+$0x50] =	vst v9  }
0x7d: {  	[tilespmem:s11+$0x60] =	vst v5  }
0x7e: {  	s13 =	sshra.s32 s12, $0x2;
	s12 =	sadd.s32 $0x40, s12;
	[tilespmem:s11+$0x70] =	vst v0  }
0x7f: {  	v0 =	vld [tilespmem:s13+$0x1880];
	_ =	sdelay $0x4  }
0x80: {  	v1 =	vbroadcast v0, $0x0  }
0x81: {  	s11 =	sadd.s32 $0x100, s11;
	v2 =	vbroadcast v0, $0x1  }
0x82: {  	v3 =	vbroadcast v0, $0x2;
	[tilespmem:s11+$0xFFFFFF80] =	vst v1  }
0x83: {  	v52 =	vbroadcast v0, $0x3;
	[tilespmem:s11+$0xFFFFFF90] =	vst v2  }
0x84: {  	v53 =	vbroadcast v0, $0x4;
	[tilespmem:s11+$0xFFFFFFA0] =	vst v3  }
0x85: {  	v54 =	vbroadcast v0, $0x5;
	[tilespmem:s11+$0xFFFFFFB0] =	vst v52  }
0x86: {  	v55 =	vbroadcast v0, $0x6;
	[tilespmem:s11+$0xFFFFFFC0] =	vst v53  }
0x87: {  	v56 =	vbroadcast v0, $0x7;
	[tilespmem:s11+$0xFFFFFFD0] =	vst v54  }
0x88: {  	v57 =	vbroadcast v0, $0x8;
	[tilespmem:s11+$0xFFFFFFE0] =	vst v55  }
0x89: {  	v58 =	vbroadcast v0, $0x9;
	[tilespmem:s11+$0xFFFFFFF0] =	vst v56  }
0x8a: {  	v59 =	vbroadcast v0, $0xA;
	[tilespmem:s11+$0x0] =	vst v57  }
0x8b: {  	v60 =	vbroadcast v0, $0xB;
	[tilespmem:s11+$0x10] =	vst v58  }
0x8c: {  	v61 =	vbroadcast v0, $0xC;
	[tilespmem:s11+$0x20] =	vst v59  }
0x8d: {  	v62 =	vbroadcast v0, $0xD;
	[tilespmem:s11+$0x30] =	vst v60  }
0x8e: {  	v63 =	vbroadcast v0, $0xE;
	[tilespmem:s11+$0x40] =	vst v61  }
0x8f: {  	s10 =	sadd.s32 $0x1, s10;
	v0 =	vbroadcast v0, $0xF;
	[tilespmem:s11+$0x50] =	vst v62  }
0x90: {  	p0 =	sne.s32 s10, s6;
	[tilespmem:s11+$0x60] =	vst v63  }
.Ltmp2:
0x91: {  	[tilespmem:s11+$0x70] =	vst v0;
	(pc) =	sbr.rel @p0 .LBB2_1-.Ltmp2, $4  }
0x92: {  	[hbm4b:s5+s2] =	stream.linear.scatter [tilespmem:s9], [sflag:$0x1], $0xC400, $0x38;
	[tilespmem:$0xE8C0] =	vst v63  }
0x93: {  	_ =	swait.ge [sflag:s7], $0xC400  }
0x94: {  	[sflag:s7] =	ssyncset.done $0x0  }
0x95: {  	[sflag:s7] =	ssyncadd.s32 $0xFFFF3C00  }
0x96: {  	_ =	sfence.sel $0x180000  }
0x97: {  	[bflag:$0x0] =	sbarrier.arrive $0xFFFF  }
0x98: {  	p0 =	sne.s32 s0, $0x0;
	_ =	strace $0x9000004A  }
0x99: {  	s0 =	sadd.s32 @!p0 $0x100000, s1;
	[bflag:$0x2] =	sbarrier.arrive $0xFFFF  }
0x9a: {  	[sflag:s0] =	ssyncadd.tile.s32 @!p0 $0x1;
	_ =	shalt  }
.Lfunc_end2:
_tile_overlayer_lowered:
.L_overlay_start_2:
0x9b: {  	(tag) =	ssettag $0x2  }
0x9c: {  	s0 =	rddreg [dreg:$0x0];
	s2 =	stileid.u32  }
0x9d: {  	s1 =	rddreg [dreg:$0x1];
	p0 =	sne.s32 s2, $0x0  }
0x9e: {  	s3 =	rddreg [dreg:$0x2];
	[bflag:$0x3] =	sbarrier.arrive $0xFFFF;
	s2 =	simm.s32 @!p0 $0x1C01  }
0x9f: {  	[timem:s3], [sflag:s2] =	dma.local @!p0 [hbm:s0], s1  }
0xa0: {  	s0 =	simm.s32 @!p0 $0x1  }
0xa1: {  	_ =	swait.ge @!p0 [sflag:s0], s1  }
0xa2: {  	s1 =	ssub.s32 @!p0 $0x0, s1;
	[sflag:s0] =	ssyncset.done @!p0 $0x0  }
0xa3: {  	[sflag:s0] =	ssyncadd.s32 @!p0 s1  }
0xa4: {  	[bflag:$0x3] =	sbarrier.arrive $0xFFFF  }
0xa5: {  	_ =	shalt  }

// kernel: kernel.15.cloned.1.call-start
scs
__scs_entry_jumppad:
0x0: {  	(pc) =	sbr.rel $0x88, $3  }
0x1: {  	(tag) =	ssettag $0x0;
	lr =	simm.s32 $0x1  }
0x2: {  	[smem:$0x3F9B] =	sst lr;
	_ =	strace $0xD0000000  }
0x3: {  	_ = 	snop  }
0x4: {  	_ = 	snop  }
0x5: {  	_ = 	snop  }
0x6: {  	_ = 	snop  }
0x7: {  	_ = 	snop  }
__scs_overlays_trampoline_lowered:
0x8: {  	[smem:$0x3FAA] =	sst s0  }
0x9: {  	[smem:$0x3FAB] =	sst s1  }
0xa: {  	[smem:$0x3FAC] =	sst s2  }
0xb: {  	[smem:$0x3FAD] =	sst s3  }
0xc: {  	[smem:$0x3FAE] =	sst s4  }
0xd: {  	[smem:$0x3FAF] =	sst s5  }
0xe: {  	[smem:$0x3FB0] =	sst s6  }
0xf: {  	[smem:$0x3FB1] =	sst s7  }
0x10: {  	[smem:$0x3FB2] =	sst s8  }
0x11: {  	[smem:$0x3FB3] =	sst s9;
	s0 =	simm.s32 @!p0 $0x0  }
0x12: {  	s1 =	sld [smem:$0x3F99];
	s0 =	simm.s32 @p0 $0x1  }
0x13: {  	[smem:$0x3FB4] =	sst s0;
	s0 =	simm.s32 @!p1 $0x0  }
0x14: {  	s2 =	sld [smem:$0x3F98];
	s0 =	simm.s32 @p1 $0x1  }
0x15: {  	[smem:$0x3FB5] =	sst s0;
	s0 =	simm.s32 @!p2 $0x0  }
0x16: {  	s3 =	sld [smem:$0x3FDB];
	s0 =	simm.s32 @p2 $0x1  }
0x17: {  	s4 =	simm.s32 $0x1BF5;
	[smem:$0x3FB7] =	sst s0  }
0x18: {  	s0 =	sld [smem:$0x3F9A];
	_ =	swait.ge [sflag:s4], $0x0  }
0x19: {  	s7 =	sld [smem:$0x3F9B]  }
0x1a: {  	s8 =	sadd.s32 $0xFFFFE003, lr  }
0x1b: {  	s9 =	sadd.s32 $0xFFFFFEF7, lr;
	s5 =	simm.s32 $0xFFFFFFFF;
	p2 =	slt.u32 s8, $0xFFFFF086  }
0x1c: {  	p1 =	slt.u32 s9, $0xF7A;
	s5 =	simm.s32 @!p2 $0x0  }
0x1d: {  	s5 =	simm.s32 @p1 $0x1;
	p0 =	seq.s32 s7, s2  }
0x1e: {  	s7 =	smul.u32 @!p0 $0xF7A, s2;
	p2 =	seq.s32 @!p0 s5, $0x0  }
0x1f: {  	s9 =	smul.u32 $0xF7A, s1;
	s8 =	simm.s32 @!p0 $0x1BF5;
	p2 =	por !p2, p0  }
0x20: {  	[sflag:s8] =	ssyncset.s32 @!p0 $0xFFFFF086;
	s6 =	sadd.s32 @!p0 s3, s7;
	s7 =	simm.s32 @!p0 $0x108  }
0x21: {  	s3 =	sadd.s32 s3, s9;
	s6 =	sadd.s32 @!p0 $0x88, s6;
	s7 =	simm.s32 @p2 $0x1082  }
0x22: {  	[simem:s7], [sflag:s8] =	dma.local @!p0 [hbm:s6], $0xF7A  }
0x23: {  	s9 =	sor.u32 $0xD0000000, s2;
	s6 =	simm.s32 $0x108;
	_ =	swait.ge @!p0 [sflag:s8], $0x0  }
0x24: {  	s3 =	sadd.s32 $0x88, s3;
	s6 =	simm.s32 @!p1 $0x1082;
	[sflag:s4] =	ssyncset.s32 $0xFFFFF086  }
0x25: {  	[simem:s6], [sflag:s4] =	dma.local [hbm:s3], $0xF7A  }
0x26: {  	[smem:$0x3F9B] =	sst s1;
	(tag) =	ssettag s2;
	_ =	strace s9  }
0x27: {  	s1 =	sld [smem:$0x3FAB]  }
0x28: {  	s2 =	sld [smem:$0x3FAC]  }
0x29: {  	s4 =	sld [smem:$0x3FAE]  }
0x2a: {  	p0 =	seq.s32 s5, $0x0;
	s5 =	sld [smem:$0x3FAF]  }
0x2b: {  	s6 =	sld [smem:$0x3FB0]  }
0x2c: {  	s7 =	sld [smem:$0x3FB1]  }
0x2d: {  	s3 =	simm.s32 $0x108;
	s8 =	sld [smem:$0x3FB2]  }
0x2e: {  	s3 =	simm.s32 @!p0 $0x1082;
	s9 =	sld [smem:$0x3FB3]  }
0x2f: {  	lr =	sadd.s32 s0, s3;
	s0 =	sld [smem:$0x3FAA]  }
0x30: {  	s3 =	sld [smem:$0x3FAD]  }
0x31: {  	[smem:$0x3FB6] =	sst s10  }
0x32: {  	s10 =	sld [smem:$0x3FB4];
	_ =	sdelay $0x3  }
0x33: {  	p0 =	seq.s32 s10, $0x1;
	s10 =	sld [smem:$0x3FB6];
	_ =	sdelay $0x3  }
0x34: {  	[smem:$0x3FB6] =	sst s10  }
0x35: {  	s10 =	sld [smem:$0x3FB5];
	_ =	sdelay $0x3  }
0x36: {  	p1 =	seq.s32 s10, $0x1;
	s10 =	sld [smem:$0x3FB6];
	_ =	sdelay $0x3  }
0x37: {  	[smem:$0x3FB6] =	sst s10  }
0x38: {  	s10 =	sld [smem:$0x3FB7]  }
0x39: {  	_ = 	snop;
	(pc) =	sbr.ind lr, $3  }
0x3a: {  	_ = 	snop  }
0x3b: {  	_ = 	snop  }
0x3c: {  	p2 =	seq.s32 s10, $0x1;
	s10 =	sld [smem:$0x3FB6]  }
0x3d: {  	_ =	shalt  }
0x3e: {  	_ =	shalt  }
0x3f: {  	_ =	shalt  }
0x40: {  	_ =	shalt  }
0x41: {  	_ =	shalt  }
0x42: {  	_ =	shalt  }
0x43: {  	_ =	shalt  }
0x44: {  	_ =	shalt  }
0x45: {  	_ =	shalt  }
0x46: {  	_ =	shalt  }
0x47: {  	_ =	shalt  }
0x48: {  	_ =	shalt  }
0x49: {  	_ =	shalt  }
0x4a: {  	_ =	shalt  }
0x4b: {  	_ =	shalt  }
0x4c: {  	_ =	shalt  }
0x4d: {  	_ =	shalt  }
0x4e: {  	_ =	shalt  }
0x4f: {  	_ =	shalt  }
0x50: {  	_ =	shalt  }
0x51: {  	_ =	shalt  }
0x52: {  	_ =	shalt  }
0x53: {  	_ =	shalt  }
0x54: {  	_ =	shalt  }
0x55: {  	_ =	shalt  }
0x56: {  	_ =	shalt  }
0x57: {  	_ =	shalt  }
0x58: {  	_ =	shalt  }
0x59: {  	_ =	shalt  }
0x5a: {  	_ =	shalt  }
0x5b: {  	_ =	shalt  }
0x5c: {  	_ =	shalt  }
0x5d: {  	_ =	shalt  }
0x5e: {  	_ =	shalt  }
0x5f: {  	_ =	shalt  }
0x60: {  	_ =	shalt  }
0x61: {  	_ =	shalt  }
0x62: {  	_ =	shalt  }
0x63: {  	_ =	shalt  }
0x64: {  	_ =	shalt  }
0x65: {  	_ =	shalt  }
0x66: {  	_ =	shalt  }
0x67: {  	_ =	shalt  }
0x68: {  	_ =	shalt  }
0x69: {  	_ =	shalt  }
0x6a: {  	_ =	shalt  }
0x6b: {  	_ =	shalt  }
0x6c: {  	_ =	shalt  }
0x6d: {  	_ =	shalt  }
0x6e: {  	_ =	shalt  }
0x6f: {  	_ =	shalt  }
0x70: {  	_ =	shalt  }
0x71: {  	_ =	shalt  }
0x72: {  	_ =	shalt  }
0x73: {  	_ =	shalt  }
0x74: {  	_ =	shalt  }
0x75: {  	_ =	shalt  }
0x76: {  	_ =	shalt  }
0x77: {  	_ =	shalt  }
0x78: {  	_ =	shalt  }
0x79: {  	_ =	shalt  }
0x7a: {  	_ =	shalt  }
0x7b: {  	_ =	shalt  }
0x7c: {  	_ =	shalt  }
0x7d: {  	_ =	shalt  }
0x7e: {  	_ =	shalt  }
0x7f: {  	_ =	shalt  }
0x80: {  	_ =	shalt  }
0x81: {  	_ =	shalt  }
0x82: {  	_ =	shalt  }
0x83: {  	_ =	shalt  }
0x84: {  	_ =	shalt  }
0x85: {  	_ =	shalt  }
0x86: {  	_ =	shalt  }
0x87: {  	_ =	shalt  }
.Lfunc_end0:
.L_simem_size_0:
called_computation.2_lowered:
.L_overlay_start_0:
0x88: {  	s2 =	sld [smem:$0x3FD9]  }
0x89: {  	s3 =	sld [smem:$0x3FFE];
	_ =	sdelay $0x1  }
0x8a: {  	s1 =	srdreg.scid  }
0x8b: {  	s0 =	sand.u32 $0x1, s1  }
0x8c: {  	s17 =	sshll.u32 s0, $0xA;
	s2 =	sadd.s32 s3, s2  }
0x8d: {  	s2 =	sadd.s32 s2, s17  }
0x8e: {  	[smem:$0x3FC2] =	sst s2  }
0x8f: {  	_ = 	snop  }
0x90: {  	s2 =	sld [smem:$0x3FD0];
	(tm) =	ssettm $0x1  }
0x91: {  	s18 =	sld [smem:$0x3FFB];
	_ =	sdelay $0x3  }
0x92: {  	_ =	strace s18  }
0x93: {  	s3 =	sld [smem:$0x3FFC];
	_ =	sdelay $0x3  }
0x94: {  	_ =	strace s3  }
0x95: {  	s3 =	sld [smem:$0x3FFD];
	_ =	sdelay $0x3  }
0x96: {  	_ =	strace s3  }
0x97: {  	_ =	strace $0x8FFFFFFF  }
0x98: {  	s19 =	sld [smem:$0x3FDB];
	_ =	sdelay $0x1  }
0x99: {  	s4 =	simm.s32 $_scs_section_size  }
0x9a: {  	s5 =	simm.s32 $_size__tile_overlayer_lowered;
	s6 =	simm.s32 $_tile_overlayer_lowered  }
0x9b: {  	s22 =	simm.s32 $0x1BFF;
	s21 =	sshll.u32 s6, $0x1;
	s3 =	sadd.s32 s4, s19  }
0x9c: {  	s7 =	simm.s32 $0x0;
	s20 =	sshll.u32 s5, $0x1;
	s5 =	sadd.s32 s21, s3  }
0x9d: {  	[timem:s7], [sflag:s22] =	dma.local [hbm:s5], s20  }
0x9e: {  	_ =	swait.ge [sflag:s22], s20  }
0x9f: {  	s4 =	ssub.s32 $0x0, s20;
	[sflag:s22] =	ssyncset.done $0x0  }
0xa0: {  	[sflag:s22] =	ssyncadd.s32 s4;
	_ =	sdelay $0x1  }
0xa1: {  	s23 =	simm.s32 $0x1B8B  }
0xa2: {  	_ =	swait.ge [sflag:s23], $0x1  }
0xa3: {  	[sflag:s23] =	ssyncset.done $0x0  }
0xa4: {  	s25 =	simm.s32 $0x1B8E;
	s24 =	sld [smem:$0x3FFE];
	[sflag:s23] =	ssyncadd.s32 $0xFFFFFFFF  }
0xa5: {  	s26 =	simm.s32 $execute0_lowered;
	[smem:$0x3FD2] =	sst s25  }
0xa6: {  	s5 =	sshll.u32 s26, $0x1;
	_ =	strace $0x8000004C;
	[dreg:$0x1] =	wrdreg $0xFFFFFFFF  }
0xa7: {  	s28 =	simm.s32 $_size_execute0_lowered;
	s3 =	sadd.s32 s3, s5;
	[dreg:$0x0] =	wrdreg $0x0  }
0xa8: {  	s5 =	sshll.u32 s28, $0x1;
	[dreg:$0x2] =	wrdreg s3  }
0xa9: {  	[dreg:$0x3] =	wrdreg s5  }
0xaa: {  	[dreg:$0x4] =	wrdreg $0xC0  }
0xab: {  	_ =	task [dreg:s7], $0x5FFFF  }
0xac: {  	[dreg:$0x1] =	wrdreg $0xFFFFFFFF  }
0xad: {  	[dreg:$0x0] =	wrdreg $0x60  }
0xae: {  	[dreg:$0x2] =	wrdreg s24  }
0xaf: {  	[dreg:$0x3] =	wrdreg s2  }
0xb0: {  	[dreg:$0x4] =	wrdreg $0x0  }
0xb1: {  	[dreg:$0x5] =	wrdreg $0x9  }
0xb2: {  	_ =	task.clear_ibuf [dreg:s7], $0x6FFFF;
	_ =	strace $0x9000004C  }
0xb3: {  	s29 =	simm.s32 $0x9;
	_ =	strace $0x8000004E  }
0xb4: {  	_ =	swait.ge [sflag:s29], $0x1  }
0xb5: {  	[sflag:s29] =	ssyncadd.s32 $0xFFFFFFFF  }
0xb6: {  	_ =	strace $0x9000004E  }
0xb7: {  	_ =	sfence  }
0xb8: {  	s30 =	sld [smem:$0x0];
	_ =	sdelay $0x2  }
0xb9: {  	s31 =	sshll.u32 s1, $0xD;
	s1 =	sshrl.u32 s1, $0x2  }
0xba: {  	s3 =	sand.u32 $0x4000, s31;
	s1 =	sadd.s32 s1, s30  }
0xbb: {  	s0 =	sor.u32 s3, s0;
	s1 =	sshll.u32 s1, $0x11  }
0xbc: {  	s0 =	sor.u32 s1, s0  }
0xbd: {  	s0 =	sadd.s32 $0x8F2B, s0  }
0xbe: {  	[sflag:s0] =	ssyncadd.remote.s32 $0x1  }
0xbf: {  	_ =	sfence.sel $0xFFFF  }
0xc0: {  	[dreg:$0x0] =	wrdreg $0xFFFFFFFF;
	(pc) =	sbr.abs _section_cstart, $3  }
0xc1: {  	[dreg:$0x1] =	wrdreg $0xFFFFFFFF  }
0xc2: {  	_ =	task.clear_ibuf [dreg:s7], $0x2FFFF;
	_ =	strace $0x9FFFFFFF  }
0xc3: {  	(tm) =	ssettm $0x7FFFFFFF  }
tec
execute0_lowered:
.L_overlay_start_1:
0x0: {  	(tag) =	ssettag $0x1  }
0x1: {  	s0 =	rddreg [dreg:$0x0]  }
0x2: {  	s2 =	rddreg [dreg:$0x2];
	s3 =	simm.s32 $0x0;
	s1 =	srdreg.scid  }
0x3: {  	s15 =	stileid.u32;
	s18 =	simm.s32 $0x6;
	s28 =	simm.s32 $0x19800  }
0x4: {  	s29 =	simm.s32 $0x1B800;
	s30 =	simm.s32 $0x2;
	s31 =	simm.s32 $0x4  }
0x5: {  	[smem:$0x7FF] =	sst s3;
	s1 =	sand.u32 $0x1, s1;
	s6 =	sadd.s32 $0x68200, s0  }
0x6: {  	s8 =	smul.u32 $0x18800, s15;
	s9 =	sadd.s32 $0x2A00, s0;
	s5 =	sadd.s32 $0x99200, s0  }
0x7: {  	s20 =	sshll.u32 s15, $0x6;
	s25 =	smul.u32 $0x1880, s15;
	_ =	strace $0x8000004D  }
0x8: {  	s4 =	sshll.u32 s1, $0x4;
	s7 =	ssub.s32 $0x2, s1;
	p0 =	seq.s32 s1, $0x1  }
0x9: {  	s1 =	smul.u32 $0x18800, s1;
	s4 =	sor.u32 s15, s4;
	s11 =	sshrl.u32 s7, $0x1  }
0xa: {  	s19 =	sadd.s32 s8, s2;
	s8 =	sshrl.u32 s8, $0x3;
	s10 =	smul.u32 $0x1880, s4  }
0xb: {  	s4 =	smul.u32 $0xC400, s4;
	s14 =	ssub.s32 s7, s11;
	[dreg:$0x4] =	wrdreg s19  }
0xc: {  	s7 =	sor.u32 $0x1C06, s20;
	s26 =	sadd.s32 s1, s6;
	s1 =	sadd.s32 s1, s9  }
0xd: {  	s19 =	simm.s32 $0x18800;
	s14 =	smax.u32 s14, $0x1;
	s16 =	sadd.s32 s25, s26  }
0xe: {  	s17 =	sadd.s32 s25, s1;
	s25 =	simm.s32 $0x1;
	s21 =	sadd.s32 s6, s10  }
0xf: {  	s26 =	simm.s32 $0x200;
	s22 =	sadd.s32 s9, s10;
	[dreg:$0x5] =	wrdreg s21  }
0x10: {  	s4 =	sshrl.u32 s4, $0x3;
	s23 =	sor.u32 $0x40, s10;
	[dreg:$0x6] =	wrdreg s22  }
.Ltmp0:
0x11: {  	s4 =	sadd.s32 $0x80, s4;
	s10 =	sadd.s32 s6, s23;
	(pc) =	sbr.rel .LBB2_1-.Ltmp0, $4  }
0x12: {  	s12 =	sadd.s32 s6, s4;
	s13 =	sadd.s32 s9, s4;
	s4 =	simm.s32 $0xFB200  }
0x13: {  	s24 =	sadd.s32 s9, s23;
	[dreg:$0x7] =	wrdreg s10;
	s4 =	simm.s32 @!p0 $0xCA200  }
0x14: {  	s1 =	simm.s32 $0x0;
	[dreg:$0x8] =	wrdreg s24;
	s0 =	sadd.s32 s4, s0  }
0x15: {  	s4 =	simm.s32 $0x5;
	s15 =	sadd.s32 s0, s8;
	s0 =	simm.s32 $0x3  }
.LBB2_7:
0x16: {  	_ =	swait.ge [sflag:s4], $0x2000  }
0x17: {  	s1 =	sadd.s32 $0x1, s1;
	[sflag:s4] =	ssyncset.done $0x0  }
0x18: {  	p0 =	sne.s32 s1, s14;
	[sflag:s4] =	ssyncadd.s32 $0xFFFFE000  }
.Ltmp1:
0x19: {  	[bflag:$0x0] =	sbarrier.arrive $0xFFFF;
	(pc) =	sbr.rel @!p0 .LBB2_8-.Ltmp1, $4  }
0x1a: {  	[hbm:s15], [sflag:s7] =	dma.local [spmem:s20], $0x3100  }
0x1b: {  	_ =	swait.ge [sflag:s18], $0x3100  }
0x1c: {  	[sflag:s18] =	ssyncset.done $0x0  }
0x1d: {  	[sflag:s18] =	ssyncadd.s32 $0xFFFFCF00  }
.LBB2_1:
0x1e: {  	s6 =	rddreg [dreg:$0x4]  }
0x1f: {  	s24 =	rddreg [dreg:$0x1];
	s20 =	sshrl.u32 s6, $0x3  }
0x20: {  	[spmem:s20], [sflag:s7] =	dma.local [hbm:s24], $0x3100  }
0x21: {  	_ =	swait.ge [sflag:s18], $0x3100  }
0x22: {  	[sflag:s18] =	ssyncset.done $0x0  }
0x23: {  	[sflag:s18] =	ssyncadd.s32 $0xFFFFCF00  }
0x24: {  	[bflag:$0x0] =	sbarrier.arrive $0xFFFF  }
0x25: {  	s8 =	rddreg [dreg:$0x5]  }
0x26: {  	[tilespmem:s19], [sflag:$0x1] =	stream.linear.gather [hbm4b:s8+s3], $0x200, $0x38;
	[tilespmem:$0x1D800] =	vst v63  }
0x27: {  	s9 =	rddreg [dreg:$0x6];
	s8 =	simm.s32 $0x19000  }
0x28: {  	[tilespmem:s8], [sflag:$0x1] =	stream.linear.gather [hbm4b:s9+s3], $0x200, $0x38;
	[tilespmem:$0x1D800] =	vst v63  }
0x29: {  	s11 =	simm.s32 $0x18A00;
	s10 =	rddreg [dreg:$0x7]  }
0x2a: {  	[tilespmem:s11], [sflag:$0x1] =	stream.linear.gather [hbm4b:s10+s3], $0x200, $0x38;
	[tilespmem:$0x1D800] =	vst v63  }
0x2b: {  	s22 =	simm.s32 $0x19200;
	s21 =	rddreg [dreg:$0x8]  }
0x2c: {  	[tilespmem:s22], [sflag:$0x1] =	stream.linear.gather [hbm4b:s21+s3], $0x200, $0x38;
	[tilespmem:$0x1D800] =	vst v63  }
0x2d: {  	s23 =	simm.s32 $0x18C00  }
0x2e: {  	[tilespmem:s23], [sflag:$0x1] =	stream.linear.gather [hbm4b:s12+s3], $0x200, $0x38;
	[tilespmem:$0x1D800] =	vst v63  }
0x2f: {  	s24 =	simm.s32 $0x19400  }
0x30: {  	[tilespmem:s24], [sflag:$0x1] =	stream.linear.gather [hbm4b:s13+s3], $0x200, $0x38;
	[tilespmem:$0x1D800] =	vst v63  }
0x31: {  	_ =	swait.ge [sflag:s25], $0x200  }
0x32: {  	[sflag:s25] =	ssyncset.done $0x0  }
.Ltmp2:
0x33: {  	[sflag:s25] =	ssyncadd.s32 $0xFFFFFE00;
	(pc) =	sbr.rel .LBB2_2-.Ltmp2, $4  }
0x34: {  	_ =	swait.ge [sflag:s25], $0x200  }
0x35: {  	s21 =	simm.s32 $0x800;
	s22 =	simm.s32 $0x0;
	[sflag:s25] =	ssyncset.done $0x0  }
0x36: {  	s23 =	simm.s32 $0x0;
	s24 =	simm.s32 $0x0;
	[sflag:s25] =	ssyncadd.s32 $0xFFFFFE00  }
0x37: {  	[tilespmem:s28], [sflag:$0x2] =	stream.indirect.gather [hbm4b:s5+s26], $0x10, s19, s26, $0xb8;
	[tilespmem:$0x1D800] =	vst v63  }
.LBB2_3:
0x38: {  	s10 =	sadd.s32 s23, s16  }
0x39: {  	s11 =	sor.u32 $0x18800, s6;
	s10 =	sadd.s32 $0x100, s10  }
0x3a: {  	[tilespmem:s11], [sflag:$0x1] =	stream.linear.gather [hbm4b:s10+s3], $0x200, $0x38;
	[tilespmem:$0x1D800] =	vst v63  }
0x3b: {  	s11 =	sadd.s32 s23, s17  }
0x3c: {  	s10 =	sadd.s32 $0x100, s11  }
0x3d: {  	[tilespmem:s9], [sflag:$0x1] =	stream.linear.gather [hbm4b:s10+s3], $0x200, $0x38;
	[tilespmem:$0x1D800] =	vst v63  }
.LBB2_5:
0x3e: {  	_ =	swait.ge [sflag:s25], $0x200  }
0x3f: {  	[sflag:s25] =	ssyncset.done $0x0  }
0x40: {  	[sflag:s25] =	ssyncadd.s32 $0xFFFFFE00  }
0x41: {  	_ =	swait.ge [sflag:s25], $0x200  }
0x42: {  	s6 =	sxor.u32 $0x400, s6;
	[sflag:s25] =	ssyncset.done $0x0  }
0x43: {  	s6 =	sor.u32 $0x18800, s6;
	[sflag:s25] =	ssyncadd.s32 $0xFFFFFE00  }
0x44: {  	[tilespmem:s28], [sflag:$0x2] =	stream.indirect.gather [hbm4b:s5+s26], $0x10, s6, s26, $0xb8;
	[tilespmem:$0x1D800] =	vst v63  }
.LBB2_6:
0x45: {  	s23 =	sadd.s32 $0x80, s23  }
0x46: {  	p0 =	sne.s32 s23, $0x1880  }
.Ltmp3:
0x47: {  	_ = 	snop;
	(pc) =	sbr.rel @!p0 .LBB2_7-.Ltmp3, $4  }
0x48: {  	_ =	swait.ge [sflag:s0], $0x2000  }
0x49: {  	s6 =	sor.u32 $0x19000, s8;
	s24 =	sadd.s32 $0x1, s24;
	[sflag:s0] =	ssyncset.done $0x0  }
0x4a: {  	s22 =	sadd.s32 $0x400, s22;
	s21 =	sadd.s32 $0x1000, s21;
	[sflag:s0] =	ssyncadd.s32 $0xFFFFE000  }
0x4b: {  	[spmem:s2] =	stream.indirect.scatter.add.f32 [tilespmem:s29], [sflag:$0x5], $0x10, s6, s26, $0xb8;
	[tilespmem:$0x1D800] =	vst v63  }
.LBB2_2:
0x4c: {  	p0 =	seq.s32 s23, $0x0  }
0x4d: {  	s6 =	simm.s32 @!p0 $0x5  }
0x4e: {  	_ =	swait.ge @!p0 [sflag:s6], $0x2000  }
0x4f: {  	p1 =	seq.s32 @!p0 s23, $0x1800;
	[sflag:s6] =	ssyncset.done @!p0 $0x0  }
0x50: {  	p1 =	por p0, !p1;
	[sflag:s6] =	ssyncadd.s32 @!p0 $0xFFFFE000;
	s6 =	simm.s32 @!p0 $0x0  }
0x51: {  	s6 =	sadd.s32 @p1 $0x600, s22  }
0x52: {  	s8 =	sadd.s32 @p1 s23, s16;
	s6 =	sand.u32 @p1 $0x600, s6  }
0x53: {  	s8 =	sadd.s32 @p1 $0xC0, s8;
	s9 =	sor.u32 @p1 $0x18800, s6  }
0x54: {  	[tilespmem:s9], [sflag:$0x1] =	stream.linear.gather @p1 [hbm4b:s8+s3], $0x200, $0x38;
	[tilespmem:$0x1D800] =	vst v63  }
0x55: {  	s8 =	sadd.s32 @p1 s23, s17  }
0x56: {  	s6 =	sor.u32 @p1 $0x19000, s6;
	s8 =	sadd.s32 @p1 $0xC0, s8  }
0x57: {  	[tilespmem:s6], [sflag:$0x1] =	stream.linear.gather @p1 [hbm4b:s8+s3], $0x200, $0x38;
	[tilespmem:$0x1D800] =	vst v63  }
0x58: {  	_ =	swait.ge [sflag:s25], $0x200  }
0x59: {  	[sflag:s25] =	ssyncset.done $0x0  }
0x5a: {  	[sflag:s25] =	ssyncadd.s32 $0xFFFFFE00  }
0x5b: {  	s10 =	sand.u32 $0x1800, s21;
	_ =	swait.ge [sflag:s25], $0x200  }
0x5c: {  	s8 =	sshrl.u32 s10, $0x2;
	[sflag:s25] =	ssyncset.done $0x0  }
0x5d: {  	s11 =	sor.u32 $0x18800, s8;
	[sflag:s25] =	ssyncadd.s32 $0xFFFFFE00  }
0x5e: {  	[tilespmem:s29], [sflag:$0x3] =	stream.indirect.gather [hbm4b:s5+s26], $0x10, s11, s26, $0xb8;
	[tilespmem:$0x1D800] =	vst v63  }
0x5f: {  	_ =	swait.ge [sflag:s30], $0x2000  }
0x60: {  	p0 =	sgt.u32 s24, $0x2E;
	s6 =	sand.u32 @p1 $0x400, s22;
	[sflag:s30] =	ssyncset.done $0x0  }
.Ltmp4:
0x61: {  	s9 =	sor.u32 $0x19000, s6;
	[sflag:s30] =	ssyncadd.s32 $0xFFFFE000;
	(pc) =	sbr.rel @!p0 .LBB2_3-.Ltmp4, $4  }
0x62: {  	[spmem:s2] =	stream.indirect.scatter.add.f32 [tilespmem:s28], [sflag:$0x4], $0x10, s9, s26, $0xb8;
	[tilespmem:$0x1D800] =	vst v63  }
0x63: {  	_ =	swait.ge [sflag:s31], $0x2000  }
0x64: {  	[sflag:s31] =	ssyncset.done $0x0  }
0x65: {  	[sflag:s31] =	ssyncadd.s32 $0xFFFFE000  }
0x66: {  	p0 =	seq.s32 s23, $0x1800  }
.Ltmp5:
0x67: {  	_ = 	snop;
	(pc) =	sbr.rel @p0 .LBB2_6-.Ltmp5, $4  }
.Ltmp6:
0x68: {  	_ = 	snop;
	(pc) =	sbr.rel @!p0 .LBB2_5-.Ltmp6, $4  }
0x69: {  	_ = 	snop  }
0x6a: {  	_ = 	snop  }
0x6b: {  	_ = 	snop  }
0x6c: {  	_ = 	snop  }
.LBB2_8:
0x6d: {  	_ =	sfence.sel $0x180000  }
0x6e: {  	[bflag:$0x0] =	sbarrier.arrive $0xFFFF  }
0x6f: {  	_ =	strace $0x9000004D  }
0x70: {  	s0 =	stileid.u32;
	[bflag:$0x2] =	sbarrier.arrive $0xFFFF  }
0x71: {  	p0 =	sne.s32 s0, $0x0;
	s0 =	rddreg [dreg:$0x3]  }
0x72: {  	s0 =	sadd.s32 @!p0 $0x100000, s0  }
0x73: {  	[sflag:s0] =	ssyncadd.tile.s32 @!p0 $0x1;
	_ =	shalt  }
.Lfunc_end2:
_tile_overlayer_lowered:
.L_overlay_start_2:
0x74: {  	(tag) =	ssettag $0x2  }
0x75: {  	s0 =	rddreg [dreg:$0x0];
	s2 =	stileid.u32  }
0x76: {  	s1 =	rddreg [dreg:$0x1];
	p0 =	sne.s32 s2, $0x0  }
0x77: {  	s3 =	rddreg [dreg:$0x2];
	[bflag:$0x3] =	sbarrier.arrive $0xFFFF;
	s2 =	simm.s32 @!p0 $0x1C06  }
0x78: {  	[timem:s3], [sflag:s2] =	dma.local @!p0 [hbm:s0], s1  }
0x79: {  	s0 =	simm.s32 @!p0 $0x6  }
0x7a: {  	_ =	swait.ge @!p0 [sflag:s0], s1  }
0x7b: {  	s1 =	ssub.s32 @!p0 $0x0, s1;
	[sflag:s0] =	ssyncset.done @!p0 $0x0  }
0x7c: {  	[sflag:s0] =	ssyncadd.s32 @!p0 s1  }
0x7d: {  	[bflag:$0x3] =	sbarrier.arrive $0xFFFF  }
0x7e: {  	_ =	shalt  }

// kernel: kernel.18.cloned.1.call-start
scs
__scs_entry_jumppad:
0x0: {  	(pc) =	sbr.rel $0x88, $3  }
0x1: {  	(tag) =	ssettag $0x0;
	lr =	simm.s32 $0x1  }
0x2: {  	[smem:$0x3F9B] =	sst lr;
	_ =	strace $0xD0000000  }
0x3: {  	_ = 	snop  }
0x4: {  	_ = 	snop  }
0x5: {  	_ = 	snop  }
0x6: {  	_ = 	snop  }
0x7: {  	_ = 	snop  }
__scs_overlays_trampoline_lowered:
0x8: {  	[smem:$0x3FAA] =	sst s0  }
0x9: {  	[smem:$0x3FAB] =	sst s1  }
0xa: {  	[smem:$0x3FAC] =	sst s2  }
0xb: {  	[smem:$0x3FAD] =	sst s3  }
0xc: {  	[smem:$0x3FAE] =	sst s4  }
0xd: {  	[smem:$0x3FAF] =	sst s5  }
0xe: {  	[smem:$0x3FB0] =	sst s6  }
0xf: {  	[smem:$0x3FB1] =	sst s7  }
0x10: {  	[smem:$0x3FB2] =	sst s8  }
0x11: {  	[smem:$0x3FB3] =	sst s9;
	s0 =	simm.s32 @!p0 $0x0  }
0x12: {  	s1 =	sld [smem:$0x3F99];
	s0 =	simm.s32 @p0 $0x1  }
0x13: {  	[smem:$0x3FB4] =	sst s0;
	s0 =	simm.s32 @!p1 $0x0  }
0x14: {  	s2 =	sld [smem:$0x3F98];
	s0 =	simm.s32 @p1 $0x1  }
0x15: {  	[smem:$0x3FB5] =	sst s0;
	s0 =	simm.s32 @!p2 $0x0  }
0x16: {  	s3 =	sld [smem:$0x3FDB];
	s0 =	simm.s32 @p2 $0x1  }
0x17: {  	s4 =	simm.s32 $0x1BF5;
	[smem:$0x3FB7] =	sst s0  }
0x18: {  	s0 =	sld [smem:$0x3F9A];
	_ =	swait.ge [sflag:s4], $0x0  }
0x19: {  	s7 =	sld [smem:$0x3F9B]  }
0x1a: {  	s8 =	sadd.s32 $0xFFFFE003, lr  }
0x1b: {  	s9 =	sadd.s32 $0xFFFFFEF7, lr;
	s5 =	simm.s32 $0xFFFFFFFF;
	p2 =	slt.u32 s8, $0xFFFFF086  }
0x1c: {  	p1 =	slt.u32 s9, $0xF7A;
	s5 =	simm.s32 @!p2 $0x0  }
0x1d: {  	s5 =	simm.s32 @p1 $0x1;
	p0 =	seq.s32 s7, s2  }
0x1e: {  	s7 =	smul.u32 @!p0 $0xF7A, s2;
	p2 =	seq.s32 @!p0 s5, $0x0  }
0x1f: {  	s9 =	smul.u32 $0xF7A, s1;
	s8 =	simm.s32 @!p0 $0x1BF5;
	p2 =	por !p2, p0  }
0x20: {  	[sflag:s8] =	ssyncset.s32 @!p0 $0xFFFFF086;
	s6 =	sadd.s32 @!p0 s3, s7;
	s7 =	simm.s32 @!p0 $0x108  }
0x21: {  	s3 =	sadd.s32 s3, s9;
	s6 =	sadd.s32 @!p0 $0x88, s6;
	s7 =	simm.s32 @p2 $0x1082  }
0x22: {  	[simem:s7], [sflag:s8] =	dma.local @!p0 [hbm:s6], $0xF7A  }
0x23: {  	s9 =	sor.u32 $0xD0000000, s2;
	s6 =	simm.s32 $0x108;
	_ =	swait.ge @!p0 [sflag:s8], $0x0  }
0x24: {  	s3 =	sadd.s32 $0x88, s3;
	s6 =	simm.s32 @!p1 $0x1082;
	[sflag:s4] =	ssyncset.s32 $0xFFFFF086  }
0x25: {  	[simem:s6], [sflag:s4] =	dma.local [hbm:s3], $0xF7A  }
0x26: {  	[smem:$0x3F9B] =	sst s1;
	(tag) =	ssettag s2;
	_ =	strace s9  }
0x27: {  	s1 =	sld [smem:$0x3FAB]  }
0x28: {  	s2 =	sld [smem:$0x3FAC]  }
0x29: {  	s4 =	sld [smem:$0x3FAE]  }
0x2a: {  	p0 =	seq.s32 s5, $0x0;
	s5 =	sld [smem:$0x3FAF]  }
0x2b: {  	s6 =	sld [smem:$0x3FB0]  }
0x2c: {  	s7 =	sld [smem:$0x3FB1]  }
0x2d: {  	s3 =	simm.s32 $0x108;
	s8 =	sld [smem:$0x3FB2]  }
0x2e: {  	s3 =	simm.s32 @!p0 $0x1082;
	s9 =	sld [smem:$0x3FB3]  }
0x2f: {  	lr =	sadd.s32 s0, s3;
	s0 =	sld [smem:$0x3FAA]  }
0x30: {  	s3 =	sld [smem:$0x3FAD]  }
0x31: {  	[smem:$0x3FB6] =	sst s10  }
0x32: {  	s10 =	sld [smem:$0x3FB4];
	_ =	sdelay $0x3  }
0x33: {  	p0 =	seq.s32 s10, $0x1;
	s10 =	sld [smem:$0x3FB6];
	_ =	sdelay $0x3  }
0x34: {  	[smem:$0x3FB6] =	sst s10  }
0x35: {  	s10 =	sld [smem:$0x3FB5];
	_ =	sdelay $0x3  }
0x36: {  	p1 =	seq.s32 s10, $0x1;
	s10 =	sld [smem:$0x3FB6];
	_ =	sdelay $0x3  }
0x37: {  	[smem:$0x3FB6] =	sst s10  }
0x38: {  	s10 =	sld [smem:$0x3FB7]  }
0x39: {  	_ = 	snop;
	(pc) =	sbr.ind lr, $3  }
0x3a: {  	_ = 	snop  }
0x3b: {  	_ = 	snop  }
0x3c: {  	p2 =	seq.s32 s10, $0x1;
	s10 =	sld [smem:$0x3FB6]  }
0x3d: {  	_ =	shalt  }
0x3e: {  	_ =	shalt  }
0x3f: {  	_ =	shalt  }
0x40: {  	_ =	shalt  }
0x41: {  	_ =	shalt  }
0x42: {  	_ =	shalt  }
0x43: {  	_ =	shalt  }
0x44: {  	_ =	shalt  }
0x45: {  	_ =	shalt  }
0x46: {  	_ =	shalt  }
0x47: {  	_ =	shalt  }
0x48: {  	_ =	shalt  }
0x49: {  	_ =	shalt  }
0x4a: {  	_ =	shalt  }
0x4b: {  	_ =	shalt  }
0x4c: {  	_ =	shalt  }
0x4d: {  	_ =	shalt  }
0x4e: {  	_ =	shalt  }
0x4f: {  	_ =	shalt  }
0x50: {  	_ =	shalt  }
0x51: {  	_ =	shalt  }
0x52: {  	_ =	shalt  }
0x53: {  	_ =	shalt  }
0x54: {  	_ =	shalt  }
0x55: {  	_ =	shalt  }
0x56: {  	_ =	shalt  }
0x57: {  	_ =	shalt  }
0x58: {  	_ =	shalt  }
0x59: {  	_ =	shalt  }
0x5a: {  	_ =	shalt  }
0x5b: {  	_ =	shalt  }
0x5c: {  	_ =	shalt  }
0x5d: {  	_ =	shalt  }
0x5e: {  	_ =	shalt  }
0x5f: {  	_ =	shalt  }
0x60: {  	_ =	shalt  }
0x61: {  	_ =	shalt  }
0x62: {  	_ =	shalt  }
0x63: {  	_ =	shalt  }
0x64: {  	_ =	shalt  }
0x65: {  	_ =	shalt  }
0x66: {  	_ =	shalt  }
0x67: {  	_ =	shalt  }
0x68: {  	_ =	shalt  }
0x69: {  	_ =	shalt  }
0x6a: {  	_ =	shalt  }
0x6b: {  	_ =	shalt  }
0x6c: {  	_ =	shalt  }
0x6d: {  	_ =	shalt  }
0x6e: {  	_ =	shalt  }
0x6f: {  	_ =	shalt  }
0x70: {  	_ =	shalt  }
0x71: {  	_ =	shalt  }
0x72: {  	_ =	shalt  }
0x73: {  	_ =	shalt  }
0x74: {  	_ =	shalt  }
0x75: {  	_ =	shalt  }
0x76: {  	_ =	shalt  }
0x77: {  	_ =	shalt  }
0x78: {  	_ =	shalt  }
0x79: {  	_ =	shalt  }
0x7a: {  	_ =	shalt  }
0x7b: {  	_ =	shalt  }
0x7c: {  	_ =	shalt  }
0x7d: {  	_ =	shalt  }
0x7e: {  	_ =	shalt  }
0x7f: {  	_ =	shalt  }
0x80: {  	_ =	shalt  }
0x81: {  	_ =	shalt  }
0x82: {  	_ =	shalt  }
0x83: {  	_ =	shalt  }
0x84: {  	_ =	shalt  }
0x85: {  	_ =	shalt  }
0x86: {  	_ =	shalt  }
0x87: {  	_ =	shalt  }
.Lfunc_end0:
.L_simem_size_0:
called_computation.3_lowered:
.L_overlay_start_0:
0x88: {  	s2 =	sld [smem:$0x3FD9]  }
0x89: {  	s3 =	sld [smem:$0x3FFE];
	_ =	sdelay $0x1  }
0x8a: {  	s1 =	srdreg.scid  }
0x8b: {  	s0 =	sand.u32 $0x1, s1  }
0x8c: {  	s17 =	sshll.u32 s0, $0xA;
	s2 =	sadd.s32 s3, s2  }
0x8d: {  	s2 =	sadd.s32 s2, s17  }
0x8e: {  	[smem:$0x3FC2] =	sst s2  }
0x8f: {  	_ = 	snop  }
0x90: {  	s2 =	sld [smem:$0x3FD0];
	(tm) =	ssettm $0x1  }
0x91: {  	s18 =	sld [smem:$0x3FFB];
	_ =	sdelay $0x3  }
0x92: {  	_ =	strace s18  }
0x93: {  	s3 =	sld [smem:$0x3FFC];
	_ =	sdelay $0x3  }
0x94: {  	_ =	strace s3  }
0x95: {  	s3 =	sld [smem:$0x3FFD];
	_ =	sdelay $0x3  }
0x96: {  	_ =	strace s3  }
0x97: {  	_ =	strace $0x8FFFFFFF  }
0x98: {  	s19 =	sld [smem:$0x3FDB];
	_ =	sdelay $0x1  }
0x99: {  	s4 =	simm.s32 $_scs_section_size  }
0x9a: {  	s5 =	simm.s32 $_size__tile_overlayer_lowered;
	s6 =	simm.s32 $_tile_overlayer_lowered  }
0x9b: {  	s22 =	simm.s32 $0x1BFF;
	s21 =	sshll.u32 s6, $0x1;
	s3 =	sadd.s32 s4, s19  }
0x9c: {  	s7 =	simm.s32 $0x0;
	s20 =	sshll.u32 s5, $0x1;
	s5 =	sadd.s32 s21, s3  }
0x9d: {  	[timem:s7], [sflag:s22] =	dma.local [hbm:s5], s20  }
0x9e: {  	_ =	swait.ge [sflag:s22], s20  }
0x9f: {  	s4 =	ssub.s32 $0x0, s20;
	[sflag:s22] =	ssyncset.done $0x0  }
0xa0: {  	[sflag:s22] =	ssyncadd.s32 s4;
	_ =	sdelay $0x1  }
0xa1: {  	s23 =	simm.s32 $0x1B8B  }
0xa2: {  	_ =	swait.ge [sflag:s23], $0x1  }
0xa3: {  	[sflag:s23] =	ssyncset.done $0x0  }
0xa4: {  	s25 =	simm.s32 $0x1B8E;
	s24 =	sld [smem:$0x3FFE];
	[sflag:s23] =	ssyncadd.s32 $0xFFFFFFFF  }
0xa5: {  	s26 =	simm.s32 $execute0_lowered;
	[smem:$0x3FD2] =	sst s25  }
0xa6: {  	s5 =	sshll.u32 s26, $0x1;
	_ =	strace $0x8000004F;
	[dreg:$0x1] =	wrdreg $0xFFFFFFFF  }
0xa7: {  	s28 =	simm.s32 $_size_execute0_lowered;
	s3 =	sadd.s32 s3, s5;
	[dreg:$0x0] =	wrdreg $0x0  }
0xa8: {  	s5 =	sshll.u32 s28, $0x1;
	[dreg:$0x2] =	wrdreg s3  }
0xa9: {  	[dreg:$0x3] =	wrdreg s5  }
0xaa: {  	[dreg:$0x4] =	wrdreg $0xC0  }
0xab: {  	_ =	task [dreg:s7], $0x5FFFF  }
0xac: {  	[dreg:$0x1] =	wrdreg $0xFFFFFFFF  }
0xad: {  	[dreg:$0x0] =	wrdreg $0x60  }
0xae: {  	[dreg:$0x2] =	wrdreg s24  }
0xaf: {  	[dreg:$0x3] =	wrdreg s2  }
0xb0: {  	[dreg:$0x4] =	wrdreg $0x0  }
0xb1: {  	[dreg:$0x5] =	wrdreg $0x9  }
0xb2: {  	_ =	task.clear_ibuf [dreg:s7], $0x6FFFF;
	_ =	strace $0x9000004F  }
0xb3: {  	s29 =	simm.s32 $0x9;
	_ =	strace $0x80000051  }
0xb4: {  	_ =	swait.ge [sflag:s29], $0x1  }
0xb5: {  	[sflag:s29] =	ssyncadd.s32 $0xFFFFFFFF  }
0xb6: {  	_ =	strace $0x90000051  }
0xb7: {  	_ =	sfence  }
0xb8: {  	s30 =	sld [smem:$0x0];
	_ =	sdelay $0x2  }
0xb9: {  	s31 =	sshll.u32 s1, $0xD;
	s1 =	sshrl.u32 s1, $0x2  }
0xba: {  	s3 =	sand.u32 $0x4000, s31;
	s1 =	sadd.s32 s1, s30  }
0xbb: {  	s0 =	sor.u32 s3, s0;
	s1 =	sshll.u32 s1, $0x11  }
0xbc: {  	s0 =	sor.u32 s1, s0  }
0xbd: {  	s0 =	sadd.s32 $0x8F2B, s0  }
0xbe: {  	[sflag:s0] =	ssyncadd.remote.s32 $0x1  }
0xbf: {  	_ =	sfence.sel $0xFFFF  }
0xc0: {  	[dreg:$0x0] =	wrdreg $0xFFFFFFFF;
	(pc) =	sbr.abs _section_cstart, $3  }
0xc1: {  	[dreg:$0x1] =	wrdreg $0xFFFFFFFF  }
0xc2: {  	_ =	task.clear_ibuf [dreg:s7], $0x2FFFF;
	_ =	strace $0x9FFFFFFF  }
0xc3: {  	(tm) =	ssettm $0x7FFFFFFF  }
tec
execute0_lowered:
.L_overlay_start_1:
0x0: {  	(tag) =	ssettag $0x1  }
0x1: {  	s0 =	rddreg [dreg:$0x0]  }
0x2: {  	s2 =	rddreg [dreg:$0x2];
	s3 =	simm.s32 $0x0;
	s1 =	srdreg.scid  }
0x3: {  	s15 =	stileid.u32;
	s18 =	simm.s32 $0x6;
	s28 =	simm.s32 $0x19800  }
0x4: {  	s29 =	simm.s32 $0x1B800;
	s30 =	simm.s32 $0x2;
	s31 =	simm.s32 $0x4  }
0x5: {  	[smem:$0x7FF] =	sst s3;
	s1 =	sand.u32 $0x1, s1;
	s6 =	sadd.s32 $0x68200, s0  }
0x6: {  	s8 =	smul.u32 $0x18800, s15;
	s9 =	sadd.s32 $0x2A00, s0;
	s5 =	sadd.s32 $0x99200, s0  }
0x7: {  	s20 =	sshll.u32 s15, $0x6;
	s25 =	smul.u32 $0x1880, s15;
	_ =	strace $0x80000050  }
0x8: {  	s4 =	sshll.u32 s1, $0x4;
	s7 =	ssub.s32 $0x2, s1;
	p0 =	seq.s32 s1, $0x1  }
0x9: {  	s1 =	smul.u32 $0x18800, s1;
	s4 =	sor.u32 s15, s4;
	s11 =	sshrl.u32 s7, $0x1  }
0xa: {  	s19 =	sadd.s32 s8, s2;
	s8 =	sshrl.u32 s8, $0x3;
	s10 =	smul.u32 $0x1880, s4  }
0xb: {  	s4 =	smul.u32 $0xC400, s4;
	s14 =	ssub.s32 s7, s11;
	[dreg:$0x4] =	wrdreg s19  }
0xc: {  	s7 =	sor.u32 $0x1C06, s20;
	s26 =	sadd.s32 s1, s6;
	s1 =	sadd.s32 s1, s9  }
0xd: {  	s19 =	simm.s32 $0x18800;
	s14 =	smax.u32 s14, $0x1;
	s16 =	sadd.s32 s25, s26  }
0xe: {  	s17 =	sadd.s32 s25, s1;
	s25 =	simm.s32 $0x1;
	s21 =	sadd.s32 s6, s10  }
0xf: {  	s26 =	simm.s32 $0x200;
	s22 =	sadd.s32 s9, s10;
	[dreg:$0x5] =	wrdreg s21  }
0x10: {  	s4 =	sshrl.u32 s4, $0x3;
	s23 =	sor.u32 $0x40, s10;
	[dreg:$0x6] =	wrdreg s22  }
.Ltmp0:
0x11: {  	s4 =	sadd.s32 $0x80, s4;
	s10 =	sadd.s32 s6, s23;
	(pc) =	sbr.rel .LBB2_1-.Ltmp0, $4  }
0x12: {  	s12 =	sadd.s32 s6, s4;
	s13 =	sadd.s32 s9, s4;
	s4 =	simm.s32 $0xFB200  }
0x13: {  	s24 =	sadd.s32 s9, s23;
	[dreg:$0x7] =	wrdreg s10;
	s4 =	simm.s32 @!p0 $0xCA200  }
0x14: {  	s1 =	simm.s32 $0x0;
	[dreg:$0x8] =	wrdreg s24;
	s0 =	sadd.s32 s4, s0  }
0x15: {  	s4 =	simm.s32 $0x5;
	s15 =	sadd.s32 s0, s8;
	s0 =	simm.s32 $0x3  }
.LBB2_7:
0x16: {  	_ =	swait.ge [sflag:s4], $0x2000  }
0x17: {  	s1 =	sadd.s32 $0x1, s1;
	[sflag:s4] =	ssyncset.done $0x0  }
0x18: {  	p0 =	sne.s32 s1, s14;
	[sflag:s4] =	ssyncadd.s32 $0xFFFFE000  }
.Ltmp1:
0x19: {  	[bflag:$0x0] =	sbarrier.arrive $0xFFFF;
	(pc) =	sbr.rel @!p0 .LBB2_8-.Ltmp1, $4  }
0x1a: {  	[hbm:s15], [sflag:s7] =	dma.local [spmem:s20], $0x3100  }
0x1b: {  	_ =	swait.ge [sflag:s18], $0x3100  }
0x1c: {  	[sflag:s18] =	ssyncset.done $0x0  }
0x1d: {  	[sflag:s18] =	ssyncadd.s32 $0xFFFFCF00  }
.LBB2_1:
0x1e: {  	s6 =	rddreg [dreg:$0x4]  }
0x1f: {  	s24 =	rddreg [dreg:$0x1];
	s20 =	sshrl.u32 s6, $0x3  }
0x20: {  	[spmem:s20], [sflag:s7] =	dma.local [hbm:s24], $0x3100  }
0x21: {  	_ =	swait.ge [sflag:s18], $0x3100  }
0x22: {  	[sflag:s18] =	ssyncset.done $0x0  }
0x23: {  	[sflag:s18] =	ssyncadd.s32 $0xFFFFCF00  }
0x24: {  	[bflag:$0x0] =	sbarrier.arrive $0xFFFF  }
0x25: {  	s8 =	rddreg [dreg:$0x5]  }
0x26: {  	[tilespmem:s19], [sflag:$0x1] =	stream.linear.gather [hbm4b:s8+s3], $0x200, $0x38;
	[tilespmem:$0x1D800] =	vst v63  }
0x27: {  	s9 =	rddreg [dreg:$0x6];
	s8 =	simm.s32 $0x19000  }
0x28: {  	[tilespmem:s8], [sflag:$0x1] =	stream.linear.gather [hbm4b:s9+s3], $0x200, $0x38;
	[tilespmem:$0x1D800] =	vst v63  }
0x29: {  	s11 =	simm.s32 $0x18A00;
	s10 =	rddreg [dreg:$0x7]  }
0x2a: {  	[tilespmem:s11], [sflag:$0x1] =	stream.linear.gather [hbm4b:s10+s3], $0x200, $0x38;
	[tilespmem:$0x1D800] =	vst v63  }
0x2b: {  	s22 =	simm.s32 $0x19200;
	s21 =	rddreg [dreg:$0x8]  }
0x2c: {  	[tilespmem:s22], [sflag:$0x1] =	stream.linear.gather [hbm4b:s21+s3], $0x200, $0x38;
	[tilespmem:$0x1D800] =	vst v63  }
0x2d: {  	s23 =	simm.s32 $0x18C00  }
0x2e: {  	[tilespmem:s23], [sflag:$0x1] =	stream.linear.gather [hbm4b:s12+s3], $0x200, $0x38;
	[tilespmem:$0x1D800] =	vst v63  }
0x2f: {  	s24 =	simm.s32 $0x19400  }
0x30: {  	[tilespmem:s24], [sflag:$0x1] =	stream.linear.gather [hbm4b:s13+s3], $0x200, $0x38;
	[tilespmem:$0x1D800] =	vst v63  }
0x31: {  	_ =	swait.ge [sflag:s25], $0x200  }
0x32: {  	[sflag:s25] =	ssyncset.done $0x0  }
.Ltmp2:
0x33: {  	[sflag:s25] =	ssyncadd.s32 $0xFFFFFE00;
	(pc) =	sbr.rel .LBB2_2-.Ltmp2, $4  }
0x34: {  	_ =	swait.ge [sflag:s25], $0x200  }
0x35: {  	s21 =	simm.s32 $0x800;
	s22 =	simm.s32 $0x0;
	[sflag:s25] =	ssyncset.done $0x0  }
0x36: {  	s23 =	simm.s32 $0x0;
	s24 =	simm.s32 $0x0;
	[sflag:s25] =	ssyncadd.s32 $0xFFFFFE00  }
0x37: {  	[tilespmem:s28], [sflag:$0x2] =	stream.indirect.gather [hbm4b:s5+s26], $0x10, s19, s26, $0xb8;
	[tilespmem:$0x1D800] =	vst v63  }
.LBB2_3:
0x38: {  	s10 =	sadd.s32 s23, s16  }
0x39: {  	s11 =	sor.u32 $0x18800, s6;
	s10 =	sadd.s32 $0x100, s10  }
0x3a: {  	[tilespmem:s11], [sflag:$0x1] =	stream.linear.gather [hbm4b:s10+s3], $0x200, $0x38;
	[tilespmem:$0x1D800] =	vst v63  }
0x3b: {  	s11 =	sadd.s32 s23, s17  }
0x3c: {  	s10 =	sadd.s32 $0x100, s11  }
0x3d: {  	[tilespmem:s9], [sflag:$0x1] =	stream.linear.gather [hbm4b:s10+s3], $0x200, $0x38;
	[tilespmem:$0x1D800] =	vst v63  }
.LBB2_5:
0x3e: {  	_ =	swait.ge [sflag:s25], $0x200  }
0x3f: {  	[sflag:s25] =	ssyncset.done $0x0  }
0x40: {  	[sflag:s25] =	ssyncadd.s32 $0xFFFFFE00  }
0x41: {  	_ =	swait.ge [sflag:s25], $0x200  }
0x42: {  	s6 =	sxor.u32 $0x400, s6;
	[sflag:s25] =	ssyncset.done $0x0  }
0x43: {  	s6 =	sor.u32 $0x18800, s6;
	[sflag:s25] =	ssyncadd.s32 $0xFFFFFE00  }
0x44: {  	[tilespmem:s28], [sflag:$0x2] =	stream.indirect.gather [hbm4b:s5+s26], $0x10, s6, s26, $0xb8;
	[tilespmem:$0x1D800] =	vst v63  }
.LBB2_6:
0x45: {  	s23 =	sadd.s32 $0x80, s23  }
0x46: {  	p0 =	sne.s32 s23, $0x1880  }
.Ltmp3:
0x47: {  	_ = 	snop;
	(pc) =	sbr.rel @!p0 .LBB2_7-.Ltmp3, $4  }
0x48: {  	_ =	swait.ge [sflag:s0], $0x2000  }
0x49: {  	s6 =	sor.u32 $0x19000, s8;
	s24 =	sadd.s32 $0x1, s24;
	[sflag:s0] =	ssyncset.done $0x0  }
0x4a: {  	s22 =	sadd.s32 $0x400, s22;
	s21 =	sadd.s32 $0x1000, s21;
	[sflag:s0] =	ssyncadd.s32 $0xFFFFE000  }
0x4b: {  	[spmem:s2] =	stream.indirect.scatter.add.f32 [tilespmem:s29], [sflag:$0x5], $0x10, s6, s26, $0xb8;
	[tilespmem:$0x1D800] =	vst v63  }
.LBB2_2:
0x4c: {  	p0 =	seq.s32 s23, $0x0  }
0x4d: {  	s6 =	simm.s32 @!p0 $0x5  }
0x4e: {  	_ =	swait.ge @!p0 [sflag:s6], $0x2000  }
0x4f: {  	p1 =	seq.s32 @!p0 s23, $0x1800;
	[sflag:s6] =	ssyncset.done @!p0 $0x0  }
0x50: {  	p1 =	por p0, !p1;
	[sflag:s6] =	ssyncadd.s32 @!p0 $0xFFFFE000;
	s6 =	simm.s32 @!p0 $0x0  }
0x51: {  	s6 =	sadd.s32 @p1 $0x600, s22  }
0x52: {  	s8 =	sadd.s32 @p1 s23, s16;
	s6 =	sand.u32 @p1 $0x600, s6  }
0x53: {  	s8 =	sadd.s32 @p1 $0xC0, s8;
	s9 =	sor.u32 @p1 $0x18800, s6  }
0x54: {  	[tilespmem:s9], [sflag:$0x1] =	stream.linear.gather @p1 [hbm4b:s8+s3], $0x200, $0x38;
	[tilespmem:$0x1D800] =	vst v63  }
0x55: {  	s8 =	sadd.s32 @p1 s23, s17  }
0x56: {  	s6 =	sor.u32 @p1 $0x19000, s6;
	s8 =	sadd.s32 @p1 $0xC0, s8  }
0x57: {  	[tilespmem:s6], [sflag:$0x1] =	stream.linear.gather @p1 [hbm4b:s8+s3], $0x200, $0x38;
	[tilespmem:$0x1D800] =	vst v63  }
0x58: {  	_ =	swait.ge [sflag:s25], $0x200  }
0x59: {  	[sflag:s25] =	ssyncset.done $0x0  }
0x5a: {  	[sflag:s25] =	ssyncadd.s32 $0xFFFFFE00  }
0x5b: {  	s10 =	sand.u32 $0x1800, s21;
	_ =	swait.ge [sflag:s25], $0x200  }
0x5c: {  	s8 =	sshrl.u32 s10, $0x2;
	[sflag:s25] =	ssyncset.done $0x0  }
0x5d: {  	s11 =	sor.u32 $0x18800, s8;
	[sflag:s25] =	ssyncadd.s32 $0xFFFFFE00  }
0x5e: {  	[tilespmem:s29], [sflag:$0x3] =	stream.indirect.gather [hbm4b:s5+s26], $0x10, s11, s26, $0xb8;
	[tilespmem:$0x1D800] =	vst v63  }
0x5f: {  	_ =	swait.ge [sflag:s30], $0x2000  }
0x60: {  	p0 =	sgt.u32 s24, $0x2E;
	s6 =	sand.u32 @p1 $0x400, s22;
	[sflag:s30] =	ssyncset.done $0x0  }
.Ltmp4:
0x61: {  	s9 =	sor.u32 $0x19000, s6;
	[sflag:s30] =	ssyncadd.s32 $0xFFFFE000;
	(pc) =	sbr.rel @!p0 .LBB2_3-.Ltmp4, $4  }
0x62: {  	[spmem:s2] =	stream.indirect.scatter.add.f32 [tilespmem:s28], [sflag:$0x4], $0x10, s9, s26, $0xb8;
	[tilespmem:$0x1D800] =	vst v63  }
0x63: {  	_ =	swait.ge [sflag:s31], $0x2000  }
0x64: {  	[sflag:s31] =	ssyncset.done $0x0  }
0x65: {  	[sflag:s31] =	ssyncadd.s32 $0xFFFFE000  }
0x66: {  	p0 =	seq.s32 s23, $0x1800  }
.Ltmp5:
0x67: {  	_ = 	snop;
	(pc) =	sbr.rel @p0 .LBB2_6-.Ltmp5, $4  }
.Ltmp6:
0x68: {  	_ = 	snop;
	(pc) =	sbr.rel @!p0 .LBB2_5-.Ltmp6, $4  }
0x69: {  	_ = 	snop  }
0x6a: {  	_ = 	snop  }
0x6b: {  	_ = 	snop  }
0x6c: {  	_ = 	snop  }
.LBB2_8:
0x6d: {  	_ =	sfence.sel $0x180000  }
0x6e: {  	[bflag:$0x0] =	sbarrier.arrive $0xFFFF  }
0x6f: {  	_ =	strace $0x90000050  }
0x70: {  	s0 =	stileid.u32;
	[bflag:$0x2] =	sbarrier.arrive $0xFFFF  }
0x71: {  	p0 =	sne.s32 s0, $0x0;
	s0 =	rddreg [dreg:$0x3]  }
0x72: {  	s0 =	sadd.s32 @!p0 $0x100000, s0  }
0x73: {  	[sflag:s0] =	ssyncadd.tile.s32 @!p0 $0x1;
	_ =	shalt  }
.Lfunc_end2:
_tile_overlayer_lowered:
.L_overlay_start_2:
0x74: {  	(tag) =	ssettag $0x2  }
0x75: {  	s0 =	rddreg [dreg:$0x0];
	s2 =	stileid.u32  }
0x76: {  	s1 =	rddreg [dreg:$0x1];
	p0 =	sne.s32 s2, $0x0  }
0x77: {  	s3 =	rddreg [dreg:$0x2];
	[bflag:$0x3] =	sbarrier.arrive $0xFFFF;
	s2 =	simm.s32 @!p0 $0x1C06  }
0x78: {  	[timem:s3], [sflag:s2] =	dma.local @!p0 [hbm:s0], s1  }
0x79: {  	s0 =	simm.s32 @!p0 $0x6  }
0x7a: {  	_ =	swait.ge @!p0 [sflag:s0], s1  }
0x7b: {  	s1 =	ssub.s32 @!p0 $0x0, s1;
	[sflag:s0] =	ssyncset.done @!p0 $0x0  }
0x7c: {  	[sflag:s0] =	ssyncadd.s32 @!p0 s1  }
0x7d: {  	[bflag:$0x3] =	sbarrier.arrive $0xFFFF  }
0x7e: {  	_ =	shalt  }

// kernel: kernel.9.cloned.1.call-start
scs
__scs_entry_jumppad:
0x0: {  	(pc) =	sbr.rel $0x88, $3  }
0x1: {  	(tag) =	ssettag $0x0;
	lr =	simm.s32 $0x1  }
0x2: {  	[smem:$0x3F9B] =	sst lr;
	_ =	strace $0xD0000000  }
0x3: {  	_ = 	snop  }
0x4: {  	_ = 	snop  }
0x5: {  	_ = 	snop  }
0x6: {  	_ = 	snop  }
0x7: {  	_ = 	snop  }
__scs_overlays_trampoline_lowered:
0x8: {  	[smem:$0x3FAA] =	sst s0  }
0x9: {  	[smem:$0x3FAB] =	sst s1  }
0xa: {  	[smem:$0x3FAC] =	sst s2  }
0xb: {  	[smem:$0x3FAD] =	sst s3  }
0xc: {  	[smem:$0x3FAE] =	sst s4  }
0xd: {  	[smem:$0x3FAF] =	sst s5  }
0xe: {  	[smem:$0x3FB0] =	sst s6  }
0xf: {  	[smem:$0x3FB1] =	sst s7  }
0x10: {  	[smem:$0x3FB2] =	sst s8  }
0x11: {  	[smem:$0x3FB3] =	sst s9;
	s0 =	simm.s32 @!p0 $0x0  }
0x12: {  	s1 =	sld [smem:$0x3F99];
	s0 =	simm.s32 @p0 $0x1  }
0x13: {  	[smem:$0x3FB4] =	sst s0;
	s0 =	simm.s32 @!p1 $0x0  }
0x14: {  	s2 =	sld [smem:$0x3F98];
	s0 =	simm.s32 @p1 $0x1  }
0x15: {  	[smem:$0x3FB5] =	sst s0;
	s0 =	simm.s32 @!p2 $0x0  }
0x16: {  	s3 =	sld [smem:$0x3FDB];
	s0 =	simm.s32 @p2 $0x1  }
0x17: {  	s4 =	simm.s32 $0x1BF5;
	[smem:$0x3FB7] =	sst s0  }
0x18: {  	s0 =	sld [smem:$0x3F9A];
	_ =	swait.ge [sflag:s4], $0x0  }
0x19: {  	s7 =	sld [smem:$0x3F9B]  }
0x1a: {  	s8 =	sadd.s32 $0xFFFFE003, lr  }
0x1b: {  	s9 =	sadd.s32 $0xFFFFFEF7, lr;
	s5 =	simm.s32 $0xFFFFFFFF;
	p2 =	slt.u32 s8, $0xFFFFF086  }
0x1c: {  	p1 =	slt.u32 s9, $0xF7A;
	s5 =	simm.s32 @!p2 $0x0  }
0x1d: {  	s5 =	simm.s32 @p1 $0x1;
	p0 =	seq.s32 s7, s2  }
0x1e: {  	s7 =	smul.u32 @!p0 $0xF7A, s2;
	p2 =	seq.s32 @!p0 s5, $0x0  }
0x1f: {  	s9 =	smul.u32 $0xF7A, s1;
	s8 =	simm.s32 @!p0 $0x1BF5;
	p2 =	por !p2, p0  }
0x20: {  	[sflag:s8] =	ssyncset.s32 @!p0 $0xFFFFF086;
	s6 =	sadd.s32 @!p0 s3, s7;
	s7 =	simm.s32 @!p0 $0x108  }
0x21: {  	s3 =	sadd.s32 s3, s9;
	s6 =	sadd.s32 @!p0 $0x88, s6;
	s7 =	simm.s32 @p2 $0x1082  }
0x22: {  	[simem:s7], [sflag:s8] =	dma.local @!p0 [hbm:s6], $0xF7A  }
0x23: {  	s9 =	sor.u32 $0xD0000000, s2;
	s6 =	simm.s32 $0x108;
	_ =	swait.ge @!p0 [sflag:s8], $0x0  }
0x24: {  	s3 =	sadd.s32 $0x88, s3;
	s6 =	simm.s32 @!p1 $0x1082;
	[sflag:s4] =	ssyncset.s32 $0xFFFFF086  }
0x25: {  	[simem:s6], [sflag:s4] =	dma.local [hbm:s3], $0xF7A  }
0x26: {  	[smem:$0x3F9B] =	sst s1;
	(tag) =	ssettag s2;
	_ =	strace s9  }
0x27: {  	s1 =	sld [smem:$0x3FAB]  }
0x28: {  	s2 =	sld [smem:$0x3FAC]  }
0x29: {  	s4 =	sld [smem:$0x3FAE]  }
0x2a: {  	p0 =	seq.s32 s5, $0x0;
	s5 =	sld [smem:$0x3FAF]  }
0x2b: {  	s6 =	sld [smem:$0x3FB0]  }
0x2c: {  	s7 =	sld [smem:$0x3FB1]  }
0x2d: {  	s3 =	simm.s32 $0x108;
	s8 =	sld [smem:$0x3FB2]  }
0x2e: {  	s3 =	simm.s32 @!p0 $0x1082;
	s9 =	sld [smem:$0x3FB3]  }
0x2f: {  	lr =	sadd.s32 s0, s3;
	s0 =	sld [smem:$0x3FAA]  }
0x30: {  	s3 =	sld [smem:$0x3FAD]  }
0x31: {  	[smem:$0x3FB6] =	sst s10  }
0x32: {  	s10 =	sld [smem:$0x3FB4];
	_ =	sdelay $0x3  }
0x33: {  	p0 =	seq.s32 s10, $0x1;
	s10 =	sld [smem:$0x3FB6];
	_ =	sdelay $0x3  }
0x34: {  	[smem:$0x3FB6] =	sst s10  }
0x35: {  	s10 =	sld [smem:$0x3FB5];
	_ =	sdelay $0x3  }
0x36: {  	p1 =	seq.s32 s10, $0x1;
	s10 =	sld [smem:$0x3FB6];
	_ =	sdelay $0x3  }
0x37: {  	[smem:$0x3FB6] =	sst s10  }
0x38: {  	s10 =	sld [smem:$0x3FB7]  }
0x39: {  	_ = 	snop;
	(pc) =	sbr.ind lr, $3  }
0x3a: {  	_ = 	snop  }
0x3b: {  	_ = 	snop  }
0x3c: {  	p2 =	seq.s32 s10, $0x1;
	s10 =	sld [smem:$0x3FB6]  }
0x3d: {  	_ =	shalt  }
0x3e: {  	_ =	shalt  }
0x3f: {  	_ =	shalt  }
0x40: {  	_ =	shalt  }
0x41: {  	_ =	shalt  }
0x42: {  	_ =	shalt  }
0x43: {  	_ =	shalt  }
0x44: {  	_ =	shalt  }
0x45: {  	_ =	shalt  }
0x46: {  	_ =	shalt  }
0x47: {  	_ =	shalt  }
0x48: {  	_ =	shalt  }
0x49: {  	_ =	shalt  }
0x4a: {  	_ =	shalt  }
0x4b: {  	_ =	shalt  }
0x4c: {  	_ =	shalt  }
0x4d: {  	_ =	shalt  }
0x4e: {  	_ =	shalt  }
0x4f: {  	_ =	shalt  }
0x50: {  	_ =	shalt  }
0x51: {  	_ =	shalt  }
0x52: {  	_ =	shalt  }
0x53: {  	_ =	shalt  }
0x54: {  	_ =	shalt  }
0x55: {  	_ =	shalt  }
0x56: {  	_ =	shalt  }
0x57: {  	_ =	shalt  }
0x58: {  	_ =	shalt  }
0x59: {  	_ =	shalt  }
0x5a: {  	_ =	shalt  }
0x5b: {  	_ =	shalt  }
0x5c: {  	_ =	shalt  }
0x5d: {  	_ =	shalt  }
0x5e: {  	_ =	shalt  }
0x5f: {  	_ =	shalt  }
0x60: {  	_ =	shalt  }
0x61: {  	_ =	shalt  }
0x62: {  	_ =	shalt  }
0x63: {  	_ =	shalt  }
0x64: {  	_ =	shalt  }
0x65: {  	_ =	shalt  }
0x66: {  	_ =	shalt  }
0x67: {  	_ =	shalt  }
0x68: {  	_ =	shalt  }
0x69: {  	_ =	shalt  }
0x6a: {  	_ =	shalt  }
0x6b: {  	_ =	shalt  }
0x6c: {  	_ =	shalt  }
0x6d: {  	_ =	shalt  }
0x6e: {  	_ =	shalt  }
0x6f: {  	_ =	shalt  }
0x70: {  	_ =	shalt  }
0x71: {  	_ =	shalt  }
0x72: {  	_ =	shalt  }
0x73: {  	_ =	shalt  }
0x74: {  	_ =	shalt  }
0x75: {  	_ =	shalt  }
0x76: {  	_ =	shalt  }
0x77: {  	_ =	shalt  }
0x78: {  	_ =	shalt  }
0x79: {  	_ =	shalt  }
0x7a: {  	_ =	shalt  }
0x7b: {  	_ =	shalt  }
0x7c: {  	_ =	shalt  }
0x7d: {  	_ =	shalt  }
0x7e: {  	_ =	shalt  }
0x7f: {  	_ =	shalt  }
0x80: {  	_ =	shalt  }
0x81: {  	_ =	shalt  }
0x82: {  	_ =	shalt  }
0x83: {  	_ =	shalt  }
0x84: {  	_ =	shalt  }
0x85: {  	_ =	shalt  }
0x86: {  	_ =	shalt  }
0x87: {  	_ =	shalt  }
.Lfunc_end0:
.L_simem_size_0:
called_computation_lowered:
.L_overlay_start_0:
0x88: {  	s2 =	sld [smem:$0x3FD9]  }
0x89: {  	s3 =	sld [smem:$0x3FFE];
	_ =	sdelay $0x1  }
0x8a: {  	s1 =	srdreg.scid  }
0x8b: {  	s0 =	sand.u32 $0x1, s1  }
0x8c: {  	s17 =	sshll.u32 s0, $0xA;
	s2 =	sadd.s32 s3, s2  }
0x8d: {  	s2 =	sadd.s32 s2, s17  }
0x8e: {  	[smem:$0x3FC2] =	sst s2  }
0x8f: {  	_ = 	snop  }
0x90: {  	s2 =	sld [smem:$0x3FD0];
	(tm) =	ssettm $0x1  }
0x91: {  	s18 =	sld [smem:$0x3FFB];
	_ =	sdelay $0x3  }
0x92: {  	_ =	strace s18  }
0x93: {  	s3 =	sld [smem:$0x3FFC];
	_ =	sdelay $0x3  }
0x94: {  	_ =	strace s3  }
0x95: {  	s3 =	sld [smem:$0x3FFD];
	_ =	sdelay $0x3  }
0x96: {  	_ =	strace s3  }
0x97: {  	_ =	strace $0x8FFFFFFF  }
0x98: {  	s19 =	sld [smem:$0x3FDB];
	_ =	sdelay $0x1  }
0x99: {  	s4 =	simm.s32 $_scs_section_size  }
0x9a: {  	s5 =	simm.s32 $_size__tile_overlayer_lowered;
	s6 =	simm.s32 $_tile_overlayer_lowered  }
0x9b: {  	s22 =	simm.s32 $0x1BFF;
	s21 =	sshll.u32 s6, $0x1;
	s3 =	sadd.s32 s4, s19  }
0x9c: {  	s7 =	simm.s32 $0x0;
	s20 =	sshll.u32 s5, $0x1;
	s5 =	sadd.s32 s21, s3  }
0x9d: {  	[timem:s7], [sflag:s22] =	dma.local [hbm:s5], s20  }
0x9e: {  	_ =	swait.ge [sflag:s22], s20  }
0x9f: {  	s4 =	ssub.s32 $0x0, s20;
	[sflag:s22] =	ssyncset.done $0x0  }
0xa0: {  	[sflag:s22] =	ssyncadd.s32 s4;
	_ =	sdelay $0x1  }
0xa1: {  	s23 =	simm.s32 $0x1B8B  }
0xa2: {  	_ =	swait.ge [sflag:s23], $0x1  }
0xa3: {  	[sflag:s23] =	ssyncset.done $0x0  }
0xa4: {  	s25 =	simm.s32 $0x1B8E;
	s24 =	sld [smem:$0x3FFE];
	[sflag:s23] =	ssyncadd.s32 $0xFFFFFFFF  }
0xa5: {  	s26 =	simm.s32 $execute0_lowered;
	[smem:$0x3FD2] =	sst s25  }
0xa6: {  	s5 =	sshll.u32 s26, $0x1;
	_ =	strace $0x80000046;
	[dreg:$0x1] =	wrdreg $0xFFFFFFFF  }
0xa7: {  	s28 =	simm.s32 $_size_execute0_lowered;
	s3 =	sadd.s32 s3, s5;
	[dreg:$0x0] =	wrdreg $0x0  }
0xa8: {  	s5 =	sshll.u32 s28, $0x1;
	[dreg:$0x2] =	wrdreg s3  }
0xa9: {  	[dreg:$0x3] =	wrdreg s5  }
0xaa: {  	[dreg:$0x4] =	wrdreg $0xC0  }
0xab: {  	_ =	task [dreg:s7], $0x5FFFF  }
0xac: {  	[dreg:$0x1] =	wrdreg $0xFFFFFFFF  }
0xad: {  	[dreg:$0x0] =	wrdreg $0x60  }
0xae: {  	[dreg:$0x2] =	wrdreg s24  }
0xaf: {  	[dreg:$0x3] =	wrdreg s2  }
0xb0: {  	[dreg:$0x4] =	wrdreg $0x0  }
0xb1: {  	[dreg:$0x5] =	wrdreg $0x9  }
0xb2: {  	_ =	task.clear_ibuf [dreg:s7], $0x6FFFF;
	_ =	strace $0x90000046  }
0xb3: {  	s29 =	simm.s32 $0x9;
	_ =	strace $0x80000048  }
0xb4: {  	_ =	swait.ge [sflag:s29], $0x1  }
0xb5: {  	[sflag:s29] =	ssyncadd.s32 $0xFFFFFFFF  }
0xb6: {  	_ =	strace $0x90000048  }
0xb7: {  	_ =	sfence  }
0xb8: {  	s30 =	sld [smem:$0x0];
	_ =	sdelay $0x2  }
0xb9: {  	s31 =	sshll.u32 s1, $0xD;
	s1 =	sshrl.u32 s1, $0x2  }
0xba: {  	s3 =	sand.u32 $0x4000, s31;
	s1 =	sadd.s32 s1, s30  }
0xbb: {  	s0 =	sor.u32 s3, s0;
	s1 =	sshll.u32 s1, $0x11  }
0xbc: {  	s0 =	sor.u32 s1, s0  }
0xbd: {  	s0 =	sadd.s32 $0x8F2B, s0  }
0xbe: {  	[sflag:s0] =	ssyncadd.remote.s32 $0x1  }
0xbf: {  	_ =	sfence.sel $0xFFFF  }
0xc0: {  	[dreg:$0x0] =	wrdreg $0xFFFFFFFF;
	(pc) =	sbr.abs _section_cstart, $3  }
0xc1: {  	[dreg:$0x1] =	wrdreg $0xFFFFFFFF  }
0xc2: {  	_ =	task.clear_ibuf [dreg:s7], $0x2FFFF;
	_ =	strace $0x9FFFFFFF  }
0xc3: {  	(tm) =	ssettm $0x7FFFFFFF  }
tec
execute0_lowered:
.L_overlay_start_1:
0x0: {  	(tag) =	ssettag $0x1  }
0x1: {  	s6 =	rddreg [dreg:$0x0]  }
0x2: {  	s9 =	rddreg [dreg:$0x1]  }
0x3: {  	s0 =	srdreg.scid;
	s2 =	rddreg [dreg:$0x2]  }
0x4: {  	s1 =	stileid.u32;
	s3 =	simm.s32 $0x0;
	s14 =	simm.s32 $0x200  }
0x5: {  	s15 =	simm.s32 $0x1;
	s7 =	sand.u32 $0x1, s0;
	s0 =	rddreg [dreg:$0x3]  }
0x6: {  	s16 =	simm.s32 $0x0;
	[smem:$0x7FF] =	sst s3;
	s5 =	sadd.s32 $0x33A00, s6  }
0x7: {  	s12 =	smul.u32 $0x1880, s1;
	s13 =	sadd.s32 $0x34000, s6;
	s30 =	sshll.u32 s1, $0x6  }
0x8: {  	s4 =	sshll.u32 s7, $0x4;
	_ =	strace $0x80000047;
	s10 =	ssub.s32 $0x2, s7  }
0x9: {  	p0 =	seq.s32 s7, $0x1;
	s4 =	sor.u32 s1, s4;
	s11 =	sshrl.u32 s10, $0x1  }
0xa: {  	s31 =	sadd.s32 s12, s2;
	s12 =	sshrl.u32 s12, $0x3;
	s9 =	smov.u32 @p0 s13  }
0xb: {  	s13 =	simm.s32 $0x1880;
	s4 =	smul.u32 $0x1880, s4;
	s10 =	ssub.s32 s10, s11  }
0xc: {  	s9 =	sadd.s32 s9, s12;
	s11 =	simm.s32 $0x2;
	s12 =	simm.s32 $0xDC80  }
0xd: {  	s8 =	sadd.s32 s4, s6;
	s4 =	sadd.s32 $0x33C00, s6;
	s6 =	sor.u32 $0x1C02, s30  }
0xe: {  	s7 =	sadd.s32 $0x2A00, s8;
	s8 =	smax.u32 s10, $0x1;
	s10 =	sshrl.u32 s31, $0x3  }
.LBB2_1:
0xf: {  	[spmem:s10], [sflag:s6] =	dma.local [hbm:s4], $0x310  }
0x10: {  	_ =	swait.ge [sflag:s11], $0x310  }
0x11: {  	[sflag:s11] =	ssyncset.done $0x0  }
0x12: {  	[sflag:s11] =	ssyncadd.s32 $0xFFFFFCF0  }
0x13: {  	[tilespmem:s12], [sflag:$0x2] =	stream.linear.gather [hbm4b:s5+s3], $0x200, $0x38;
	[tilespmem:$0xDE80] =	vst v63  }
0x14: {  	_ =	swait.ge [sflag:s11], $0x200  }
0x15: {  	[sflag:s11] =	ssyncset.done $0x0  }
0x16: {  	[sflag:s11] =	ssyncadd.s32 $0xFFFFFE00  }
0x17: {  	[bflag:$0x0] =	sbarrier.arrive $0xFFFF  }
0x18: {  	[tilespmem:s13], [sflag:$0x2] =	stream.linear.gather [hbm4b:s7+s3], $0xC400, $0x38;
	[tilespmem:$0xDE80] =	vst v63  }
0x19: {  	_ =	swait.ge [sflag:s11], $0xC400  }
0x1a: {  	[sflag:s11] =	ssyncset.done $0x0  }
0x1b: {  	[sflag:s11] =	ssyncadd.s32 $0xFFFF3C00  }
0x1c: {  	[spmem:s2] =	stream.indirect.scatter.add.f32 [tilespmem:s12], [sflag:$0x1], $0x1, s13, s14, $0xb8;
	[tilespmem:$0xDE80] =	vst v63  }
0x1d: {  	s17 =	simm.s32 $0x1A80  }
0x1e: {  	[spmem:s2] =	stream.indirect.scatter.add.f32 [tilespmem:s12], [sflag:$0x1], $0x1, s17, s14, $0xb8;
	[tilespmem:$0xDE80] =	vst v63  }
0x1f: {  	s17 =	simm.s32 $0x1000;
	_ =	swait.ge [sflag:s15], $0x200  }
.LBB2_2:
0x20: {  	s18 =	sshra.s32 s17, $0x2;
	[sflag:s15] =	ssyncset.done $0x0;
	p0 =	sne.s32 s17, $0x30800  }
.Ltmp0:
0x21: {  	s18 =	sadd.s32 $0x1880, s18;
	[sflag:s15] =	ssyncadd.s32 $0xFFFFFE00;
	(pc) =	sbr.rel @p0 .LBB2_2-.Ltmp0, $3  }
0x22: {  	[spmem:s2] =	stream.indirect.scatter.add.f32 [tilespmem:s12], [sflag:$0x1], $0x1, s18, s14, $0xb8;
	[tilespmem:$0xDE80] =	vst v63  }
0x23: {  	s17 =	sadd.s32 $0x800, s17;
	_ =	sdelay $0x1  }
0x24: {  	_ =	swait.ge [sflag:s15], $0x200  }
0x25: {  	[sflag:s15] =	ssyncset.done $0x0  }
0x26: {  	[sflag:s15] =	ssyncadd.s32 $0xFFFFFE00  }
0x27: {  	_ =	swait.ge [sflag:s15], $0x200  }
0x28: {  	s16 =	sadd.s32 $0x1, s16;
	[sflag:s15] =	ssyncset.done $0x0  }
0x29: {  	p0 =	sne.s32 s16, s8;
	[sflag:s15] =	ssyncadd.s32 $0xFFFFFE00  }
.Ltmp1:
0x2a: {  	[bflag:$0x0] =	sbarrier.arrive $0xFFFF;
	(pc) =	sbr.rel @p0 .LBB2_1-.Ltmp1, $4  }
0x2b: {  	[hbm:s9], [sflag:s6] =	dma.local [spmem:s10], $0x310  }
0x2c: {  	_ =	swait.ge [sflag:s11], $0x310  }
0x2d: {  	[sflag:s11] =	ssyncset.done $0x0  }
0x2e: {  	[sflag:s11] =	ssyncadd.s32 $0xFFFFFCF0  }
0x2f: {  	_ =	sfence.sel $0x180000  }
0x30: {  	[bflag:$0x0] =	sbarrier.arrive $0xFFFF  }
0x31: {  	p0 =	sne.s32 s1, $0x0;
	_ =	strace $0x90000047  }
0x32: {  	s0 =	sadd.s32 @!p0 $0x100000, s0;
	[bflag:$0x2] =	sbarrier.arrive $0xFFFF  }
0x33: {  	[sflag:s0] =	ssyncadd.tile.s32 @!p0 $0x1;
	_ =	shalt  }
.Lfunc_end2:
_tile_overlayer_lowered:
.L_overlay_start_2:
0x34: {  	(tag) =	ssettag $0x2  }
0x35: {  	s0 =	rddreg [dreg:$0x0];
	s2 =	stileid.u32  }
0x36: {  	s1 =	rddreg [dreg:$0x1];
	p0 =	sne.s32 s2, $0x0  }
0x37: {  	s3 =	rddreg [dreg:$0x2];
	[bflag:$0x3] =	sbarrier.arrive $0xFFFF;
	s2 =	simm.s32 @!p0 $0x1C02  }
0x38: {  	[timem:s3], [sflag:s2] =	dma.local @!p0 [hbm:s0], s1  }
0x39: {  	s0 =	simm.s32 @!p0 $0x2  }
0x3a: {  	_ =	swait.ge @!p0 [sflag:s0], s1  }
0x3b: {  	s1 =	ssub.s32 @!p0 $0x0, s1;
	[sflag:s0] =	ssyncset.done @!p0 $0x0  }
0x3c: {  	[sflag:s0] =	ssyncadd.s32 @!p0 s1  }
0x3d: {  	[bflag:$0x3] =	sbarrier.arrive $0xFFFF  }
0x3e: {  	_ =	shalt  }

</sc_bundles>
